<compile_context>
chip_gen: v7x
topology: tpu7x:2x2x1
jax: 0.10.2.dev20260603
libtpu: 0.0.44.dev20260713+nightly
codegen_flags: <defaults>
</compile_context>

<pallas_src>
import functools

import jax
import jax.numpy as jnp
from jax import lax
from jax.experimental import pallas as pl
from jax.experimental.pallas import tpu as pltpu
from jax.experimental.pallas import tpu_sc as plsc

_N_OUT = 1000
_IOU_THR = 0.7
_T = 128
_A = 20000
_NB = (_A + _T - 1) // _T
_NBT = _NB * _T
_NV = _NBT // 16
_SEL_PAD = 1024
_NW = 32
_GPAD = 20480
_PER_W = _GPAD // _NW
_CHUNK = 128
_NCH = _PER_W // _CHUNK


def _nms_body(c0_ref, c1_ref, c2_ref, c3_ref,
              keep_ref, cnt_ref,
              area_ref, s_ref, sup_ref, alive_ref, ident_ref, conv_ref):
    NB = c0_ref.shape[0]
    T = _T

    ia = jax.lax.broadcasted_iota(jnp.int32, (T, T), 0)
    ib = jax.lax.broadcasted_iota(jnp.int32, (T, T), 1)
    ident_ref[...] = jnp.where(ia == ib, 1.0, 0.0)
    cnt_ref[0, 0] = 0

    def init_body(bi, _):
        r0 = c0_ref[pl.ds(bi, 1)].reshape(1, T)
        r1 = c1_ref[pl.ds(bi, 1)].reshape(1, T)
        r2 = c2_ref[pl.ds(bi, 1)].reshape(1, T)
        r3 = c3_ref[pl.ds(bi, 1)].reshape(1, T)
        area_ref[pl.ds(bi, 1)] = ((r3 - r1) * (r2 - r0)).reshape(1, 1, T)
        keep_ref[pl.ds(bi, 1)] = jnp.zeros((1, 1, T), jnp.float32)
        return 0

    jax.lax.fori_loop(0, NB, init_body, 0)

    ident = ident_ref[...]

    def _to_col(row):
        return jax.lax.dot_general(ident, row, (((1,), (1,)), ((), ())),
                                   preferred_element_type=jnp.float32)

    def _iou_mask(cols, col_area, rows, row_area):
        s0, s1, s2, s3 = cols
        r0, r1, r2, r3 = rows
        xx1 = jnp.maximum(s1, r1)
        yy1 = jnp.maximum(s0, r0)
        xx2 = jnp.minimum(s3, r3)
        yy2 = jnp.minimum(s2, r2)
        w = jnp.maximum(xx2 - xx1, 0.0)
        h = jnp.maximum(yy2 - yy1, 0.0)
        inter = w * h
        iou = inter / (col_area + row_area - inter)
        return jnp.where(iou > _IOU_THR, 1.0, 0.0)

    def block_body(bi, _):
        @pl.when(cnt_ref[0, 0] < _N_OUT)
        def _():
            r0 = c0_ref[pl.ds(bi, 1)].reshape(1, T)
            r1 = c1_ref[pl.ds(bi, 1)].reshape(1, T)
            r2 = c2_ref[pl.ds(bi, 1)].reshape(1, T)
            r3 = c3_ref[pl.ds(bi, 1)].reshape(1, T)
            r_area = area_ref[pl.ds(bi, 1)].reshape(1, T)

            sup_ref[...] = jnp.zeros((1, T), jnp.float32)

            def cross_body(bj, _c):
                s_rows = (c0_ref[pl.ds(bj, 1)].reshape(1, T),
                          c1_ref[pl.ds(bj, 1)].reshape(1, T),
                          c2_ref[pl.ds(bj, 1)].reshape(1, T),
                          c3_ref[pl.ds(bj, 1)].reshape(1, T))
                cols = tuple(_to_col(r) for r in s_rows)
                c_area = _to_col(area_ref[pl.ds(bj, 1)].reshape(1, T))
                m = _iou_mask(cols, c_area, (r0, r1, r2, r3), r_area)
                kr = keep_ref[pl.ds(bj, 1)].reshape(1, T)
                dead = jax.lax.dot_general(kr, m, (((1,), (0,)), ((), ())),
                                           preferred_element_type=jnp.float32)
                sup_ref[...] = jnp.maximum(sup_ref[...],
                                           jnp.where(dead > 0.0, 1.0, 0.0))
                return 0

            jax.lax.fori_loop(0, bi, cross_body, 0)

            cols = (_to_col(r0), _to_col(r1), _to_col(r2), _to_col(r3))
            c_area = _to_col(r_area)
            m = _iou_mask(cols, c_area, (r0, r1, r2, r3), r_area)
            s_ref[...] = m * jnp.where(ia < ib, 1.0, 0.0)

            lane = jax.lax.broadcasted_iota(jnp.int32, (1, T), 1)
            valid = jnp.where(bi * T + lane < _A, 1.0, 0.0)
            alive0 = (1.0 - sup_ref[...]) * valid
            alive_ref[...] = alive0
            conv_ref[0] = 0

            def fix_body(t, _f):
                @pl.when(conv_ref[0] == 0)
                def _():
                    alive = alive_ref[...]
                    dead = jax.lax.dot_general(
                        alive, s_ref[...], (((1,), (0,)), ((), ())),
                        preferred_element_type=jnp.float32)
                    new_alive = alive0 * jnp.where(dead > 0.0, 0.0, 1.0)
                    changed = jnp.sum(jnp.abs(new_alive - alive))
                    alive_ref[...] = new_alive
                    conv_ref[0] = jnp.where(changed > 0.0, 0, 1)
                return 0

            jax.lax.fori_loop(0, T, fix_body, 0)

            alive = alive_ref[...]
            keep_ref[pl.ds(bi, 1)] = alive.reshape(1, 1, T)
            cnt_ref[0, 0] = cnt_ref[0, 0] + jnp.sum(alive).astype(jnp.int32)
        return 0

    jax.lax.fori_loop(0, NB, block_body, 0)


def _sc_select_body(keep_hbm, cnt_hbm, c0_hbm, c1_hbm, c2_hbm, c3_hbm, sc_hbm,
                    o0_hbm, o1_hbm, o2_hbm, o3_hbm, os_hbm,
                    keep_v, cnt_v, c0_v, c1_v, c2_v, c3_v, sc_v,
                    sel_v, o0_v, o1_v, o2_v, o3_v, os_v):
    @pl.when(jnp.logical_and(lax.axis_index("c") == 0, lax.axis_index("s") == 0))
    def _():
        pltpu.sync_copy(keep_hbm, keep_v)
        pltpu.sync_copy(cnt_hbm, cnt_v)
        pltpu.sync_copy(c0_hbm, c0_v)
        pltpu.sync_copy(c1_hbm, c1_v)
        pltpu.sync_copy(c2_hbm, c2_v)
        pltpu.sync_copy(c3_hbm, c3_v)
        pltpu.sync_copy(sc_hbm, sc_v)

        iota = lax.iota(jnp.int32, 16)
        lv = cnt_v[...]

        def init_body(j, _):
            g = j * 16 + iota
            sel_v[pl.ds(j * 16, 16)] = jnp.maximum(g - lv, 0)
            return 0

        lax.fori_loop(0, _SEL_PAD // 16, init_body, 0)

        def body(g, total):
            for u in range(8):
                i = g * 8 + u
                k = keep_v[pl.ds(i * 16, 16)]
                incl = plsc.cumsum(k)
                rank = incl - k + total
                mask = jnp.logical_and(k > 0, rank < _N_OUT)
                plsc.store_scatter(sel_v, [rank], i * 16 + iota, mask=mask)
                total = total + plsc.all_reduce_population_count(k > 0)
            return total

        lax.fori_loop(0, _NV // 8, body, jnp.zeros((16,), jnp.int32))

        def gather_body(j, _):
            idx = sel_v[pl.ds(j * 16, 16)]
            o0_v[pl.ds(j * 16, 16)] = plsc.load_gather(c0_v, [idx])
            o1_v[pl.ds(j * 16, 16)] = plsc.load_gather(c1_v, [idx])
            o2_v[pl.ds(j * 16, 16)] = plsc.load_gather(c2_v, [idx])
            o3_v[pl.ds(j * 16, 16)] = plsc.load_gather(c3_v, [idx])
            os_v[pl.ds(j * 16, 16)] = plsc.load_gather(sc_v, [idx])
            return 0

        lax.fori_loop(0, _SEL_PAD // 16, gather_body, 0)

        pltpu.sync_copy(o0_v, o0_hbm)
        pltpu.sync_copy(o1_v, o1_hbm)
        pltpu.sync_copy(o2_v, o2_hbm)
        pltpu.sync_copy(o3_v, o3_hbm)
        pltpu.sync_copy(os_v, os_hbm)


def _sc_select(keep_i, cnt_vec, c0, c1, c2, c3, sc):
    f32, i32 = jnp.float32, jnp.int32
    k = pl.kernel(
        _sc_select_body,
        mesh=plsc.VectorSubcoreMesh(core_axis_name="c", subcore_axis_name="s"),
        compiler_params=pltpu.CompilerParams(needs_layout_passes=False),
        out_type=[jax.ShapeDtypeStruct((_SEL_PAD,), f32)] * 5,
        scratch_types=[
            pltpu.VMEM((_NBT,), i32),
            pltpu.VMEM((16,), i32),
            pltpu.VMEM((_NBT,), f32),
            pltpu.VMEM((_NBT,), f32),
            pltpu.VMEM((_NBT,), f32),
            pltpu.VMEM((_NBT,), f32),
            pltpu.VMEM((_NBT,), f32),
            pltpu.VMEM((_SEL_PAD,), i32),
            pltpu.VMEM((_SEL_PAD,), f32),
            pltpu.VMEM((_SEL_PAD,), f32),
            pltpu.VMEM((_SEL_PAD,), f32),
            pltpu.VMEM((_SEL_PAD,), f32),
            pltpu.VMEM((_SEL_PAD,), f32),
        ],
    )
    return k(keep_i, cnt_vec, c0, c1, c2, c3, sc)


_NBINS = 256
_SNV = _GPAD // 16


def _sc_radix_body(sc_hbm, order_hbm,
                   k0_v, i0_v, k1_v, i1_v, hist_v, sf_v):
    @pl.when(jnp.logical_and(lax.axis_index("c") == 0, lax.axis_index("s") == 0))
    def _():
        iota = lax.iota(jnp.int32, 16)
        ones = jnp.ones((16,), jnp.int32)

        pltpu.sync_copy(sc_hbm, sf_v)

        def key_body(i, _):
            s = sf_v[pl.ds(i * 16, 16)]
            u = plsc.bitcast(s, jnp.int32)
            neg = u < 0
            k = jnp.where(neg, u, jnp.bitwise_and(~u, jnp.int32(0x7FFFFFFF)))
            g = i * 16 + iota
            k = jnp.where(g < _A, k, jnp.int32(-1))
            k0_v[pl.ds(i * 16, 16)] = k
            i0_v[pl.ds(i * 16, 16)] = jnp.where(g < _A, g, 0)
            return 0

        lax.fori_loop(0, _SNV, key_body, 0)

        def make_pass(src_k, src_i, dst_k, dst_i, shift):
            def hist_clear(i, _):
                hist_v[pl.ds(i * 16, 16)] = jnp.zeros((16,), jnp.int32)
                return 0

            lax.fori_loop(0, _NBINS // 16, hist_clear, 0)

            def hist_body(i, _):
                k = src_k[pl.ds(i * 16, 16)]
                d = jnp.bitwise_and(lax.shift_right_logical(k, shift), 255)
                plsc.addupdate_scatter(hist_v, [d], ones)
                return 0

            lax.fori_loop(0, _SNV, hist_body, 0)

            def pref_body(i, total):
                h = hist_v[pl.ds(i * 16, 16)]
                incl = plsc.cumsum(h)
                hist_v[pl.ds(i * 16, 16)] = incl - h + total
                return total + jnp.sum(h)

            lax.fori_loop(0, _NBINS // 16, pref_body, jnp.int32(0))

            def scat_body(i, _):
                k = src_k[pl.ds(i * 16, 16)]
                idx = src_i[pl.ds(i * 16, 16)]
                d = jnp.bitwise_and(lax.shift_right_logical(k, shift), 255)
                base = plsc.load_gather(hist_v, [d])
                occ, _last = plsc.scan_count(d)
                rank = base + occ - 1
                plsc.store_scatter(dst_k, [rank], k)
                plsc.store_scatter(dst_i, [rank], idx)
                plsc.addupdate_scatter(hist_v, [d], ones)
                return 0

            lax.fori_loop(0, _SNV, scat_body, 0)

        make_pass(k0_v, i0_v, k1_v, i1_v, 0)
        make_pass(k1_v, i1_v, k0_v, i0_v, 8)
        make_pass(k0_v, i0_v, k1_v, i1_v, 16)
        make_pass(k1_v, i1_v, k0_v, i0_v, 24)

        pltpu.sync_copy(i0_v, order_hbm)


def _sc_radix_argsort(scores):
    i32, f32 = jnp.int32, jnp.float32
    k = pl.kernel(
        _sc_radix_body,
        mesh=plsc.VectorSubcoreMesh(core_axis_name="c", subcore_axis_name="s"),
        compiler_params=pltpu.CompilerParams(needs_layout_passes=False),
        out_type=[jax.ShapeDtypeStruct((_GPAD,), i32)],
        scratch_types=[
            pltpu.VMEM((_GPAD,), i32),
            pltpu.VMEM((_GPAD,), i32),
            pltpu.VMEM((_GPAD,), i32),
            pltpu.VMEM((_GPAD,), i32),
            pltpu.VMEM((_NBINS,), i32),
            pltpu.VMEM((_GPAD,), f32),
        ],
    )
    (order,) = k(scores)
    return order


def _sc_pregather_body(order_hbm, b0_hbm, b1_hbm, b2_hbm, b3_hbm, sc_hbm,
                       o0_hbm, o1_hbm, o2_hbm, o3_hbm, os_hbm,
                       idx_v, g0_v, g1_v, g2_v, g3_v, g4_v, sem):
    wid = lax.axis_index("s") * 2 + lax.axis_index("c")
    base = wid * _PER_W
    pltpu.sync_copy(order_hbm.at[pl.ds(base, _PER_W)], idx_v)
    srcs = (b0_hbm, b1_hbm, b2_hbm, b3_hbm, sc_hbm)
    dsts = (o0_hbm, o1_hbm, o2_hbm, o3_hbm, os_hbm)
    gs = (g0_v, g1_v, g2_v, g3_v, g4_v)
    copies = []
    for a in range(5):
        for ch in range(_NCH):
            copies.append(pltpu.async_copy(
                srcs[a].at[idx_v.at[pl.ds(ch * _CHUNK, _CHUNK)]],
                gs[a].at[pl.ds(ch * _CHUNK, _CHUNK)], sem))
    for c in copies:
        c.wait()
    for a in range(5):
        pltpu.sync_copy(gs[a], dsts[a].at[pl.ds(base, _PER_W)])


def _sc_pregather(order_pad, b0, b1, b2, b3, sc):
    f32, i32 = jnp.float32, jnp.int32
    k = pl.kernel(
        _sc_pregather_body,
        mesh=plsc.VectorSubcoreMesh(core_axis_name="c", subcore_axis_name="s"),
        compiler_params=pltpu.CompilerParams(needs_layout_passes=False),
        out_type=[jax.ShapeDtypeStruct((_GPAD,), f32)] * 5,
        scratch_types=[
            pltpu.VMEM((_PER_W,), i32),
            pltpu.VMEM((_PER_W,), f32),
            pltpu.VMEM((_PER_W,), f32),
            pltpu.VMEM((_PER_W,), f32),
            pltpu.VMEM((_PER_W,), f32),
            pltpu.VMEM((_PER_W,), f32),
            pltpu.SemaphoreType.DMA,
        ],
    )
    return k(order_pad, b0, b1, b2, b3, sc)


@functools.partial(jax.jit, static_argnums=())
def kernel(rpn_reg_absolute, rpn_cls):
    B, A = rpn_cls.shape
    boxes = rpn_reg_absolute[0]
    scores = rpn_cls[0]

    order_pad = _sc_radix_argsort(jnp.pad(scores, (0, _GPAD - A)))

    c0s, c1s, c2s, c3s, scs = _sc_pregather(
        order_pad, boxes[:, 0], boxes[:, 1], boxes[:, 2], boxes[:, 3], scores)

    NB = _NB
    crows = [c[:_NBT].reshape(NB, 1, _T) for c in (c0s, c1s, c2s, c3s)]

    keep2d, cnt = pl.pallas_call(
        _nms_body,
        out_shape=[
            jax.ShapeDtypeStruct((NB, 1, _T), jnp.float32),
            jax.ShapeDtypeStruct((1, 1), jnp.int32),
        ],
        out_specs=[
            pl.BlockSpec(memory_space=pltpu.VMEM),
            pl.BlockSpec(memory_space=pltpu.SMEM),
        ],
        in_specs=[pl.BlockSpec(memory_space=pltpu.VMEM)] * 4,
        scratch_shapes=[
            pltpu.VMEM((NB, 1, _T), jnp.float32),
            pltpu.VMEM((_T, _T), jnp.float32),
            pltpu.VMEM((1, _T), jnp.float32),
            pltpu.VMEM((1, _T), jnp.float32),
            pltpu.VMEM((_T, _T), jnp.float32),
            pltpu.SMEM((1,), jnp.int32),
        ],
    )(*crows)

    keep_i = (keep2d.reshape(_NBT) > 0.5).astype(jnp.int32)
    cnt_vec = jnp.full((16,), cnt[0, 0], jnp.int32)

    o0, o1, o2, o3, osc = _sc_select(
        keep_i, cnt_vec, c0s[:_NBT], c1s[:_NBT], c2s[:_NBT], c3s[:_NBT],
        scs[:_NBT])

    out_boxes = jnp.stack(
        [o0[:_N_OUT], o1[:_N_OUT], o2[:_N_OUT], o3[:_N_OUT]], axis=-1)[None]
    out_scores = osc[:_N_OUT][None]
    return (out_boxes, out_scores)

# --- scband reference (transcript-rebuilt; emitter-appended) ---
"""Pipeline reference for scband-faster-rcnn-46196668236501 (READ-ONLY COPY).

The authoritative reference and input builder live on the scoring server;
editing this copy changes nothing except your own understanding.
"""

import jax, jax.numpy as jnp
import numpy as np

N_PROPOSALS = 1000
IOU_THR = 0.7

def setup_inputs(seed: int = 0) -> dict:
    key = jax.random.key(seed)
    k1, k2, k3 = jax.random.split(key, 3)
    B, A = 1, 20000
    # boxes in (y1, x1, y2, x2) image coordinates, well-formed (max >= min)
    cyx = jax.random.uniform(k1, (B, A, 2), minval=0.0, maxval=800.0)
    hw = jax.random.uniform(k2, (B, A, 2), minval=16.0, maxval=256.0)
    rpn_reg_absolute = jnp.concatenate([cyx - hw / 2.0, cyx + hw / 2.0], axis=-1).astype(jnp.float32)
    rpn_cls = jax.random.normal(k3, (B, A), dtype=jnp.float32)
    return {"rpn_reg_absolute": rpn_reg_absolute, "rpn_cls": rpn_cls}

def _nms_per_image(b_boxes, b_scores):
    A = b_boxes.shape[0]
    # torchvision nms sorts by scores descending (sigmoid is monotonic so raw order identical)
    order = jnp.argsort(-jax.lax.stop_gradient(b_scores))
    boxes_s = b_boxes[order]
    scores_s = b_scores[order]
    # torch code passes boxes[:, [1,0,3,2]] to nms (coordinate swap; IoU-invariant but kept faithful)
    bb = jax.lax.stop_gradient(boxes_s)[:, jnp.array([1, 0, 3, 2])]
    x1, y1, x2, y2 = bb[:, 0], bb[:, 1], bb[:, 2], bb[:, 3]
    areas = (x2 - x1) * (y2 - y1)
    idx = jnp.arange(A)
    def body(i, keep):
        xx1 = jnp.maximum(x1[i], x1)
        yy1 = jnp.maximum(y1[i], y1)
        xx2 = jnp.minimum(x2[i], x2)
        yy2 = jnp.minimum(y2[i], y2)
        w = jnp.maximum(xx2 - xx1, 0.0)
        h = jnp.maximum(yy2 - yy1, 0.0)
        inter = w * h
        iou = inter / (areas[i] + areas - inter)
        suppress = (iou > IOU_THR) & (idx > i) & keep[i]
        return keep & jnp.logical_not(suppress)
    keep = jax.lax.fori_loop(0, A, body, jnp.ones((A,), dtype=bool))
    L = jnp.sum(keep.astype(jnp.int32))
    # kept entries first (stable -> preserves score order), matching nms return order
    pos = jnp.argsort(jnp.where(keep, 0, 1))
    j = jnp.arange(N_PROPOSALS)
    # pad with top-scored boxes from the fully sorted list (as in torch code)
    sel = jnp.where(j < L, pos[j], jnp.maximum(j - L, 0))
    return boxes_s[sel], scores_s[sel]

def reference(rpn_reg_absolute, rpn_cls):
    # Faithful JAX translation of FasterRCNN.forward_nms
    nms_reg, nms_cls = jax.vmap(_nms_per_image)(rpn_reg_absolute, rpn_cls)
    return (nms_reg, nms_cls)

if __name__ == "__main__":
    import jax
    _d = setup_inputs()
    print(jax.jit(kernel)(*tuple(_d.values())))

</pallas_src>

<mosaic_0001>
#map = affine_map<(d0, d1) -> (0)>
module attributes {stable_mosaic.version = 14 : i64} {
  func.func @_sc_radix_body(%arg0: i32, %arg1: i32, %arg2: memref<20480xf32, #tpu.memory_space<hbm>>, %arg3: memref<20480xi32, #tpu.memory_space<hbm>>, %arg4: memref<20480xi32, #tpu.memory_space<vmem>>, %arg5: memref<20480xi32, #tpu.memory_space<vmem>>, %arg6: memref<20480xi32, #tpu.memory_space<vmem>>, %arg7: memref<20480xi32, #tpu.memory_space<vmem>>, %arg8: memref<256xi32, #tpu.memory_space<vmem>>, %arg9: memref<20480xf32, #tpu.memory_space<vmem>>) attributes {dimension_semantics = [#tpu.dimension_semantics<core_parallel>, #tpu.dimension_semantics<subcore_parallel>], iteration_bounds = array<i64: 2, 16>, scalar_prefetch = 0 : i64, scratch_operands = 6 : i64, tpu.core_type = #tpu.core_type<sc_vector_subcore>, window_params = [{transform_indices = #map}, {transform_indices = #map}]} {
    %eq3A = arith.constant 0 : i32
    %eq3A_0 = arith.cmpi eq, %arg0, %eq3A : i32
    %eq3A_1 = arith.constant 0 : i32
    %eq3A_2 = arith.cmpi eq, %arg1, %eq3A_1 : i32
    %and3A = arith.andi %eq3A_0, %eq3A_2 : i1
    %convert_element_type3A = arith.extui %and3A : i1 to i32
    %cond3A = arith.constant 0 : i32
    %cond3A_3 = arith.cmpi ne, %convert_element_type3A, %cond3A : i32
    scf.if %cond3A_3 {
      %iota3A = tpu.iota {dimensions = array<i32: 0>} : vector<16xi32>
      %broadcast_in_dim3A = arith.constant 1 : i32
      %broadcast_in_dim3A_4 = vector.broadcast %broadcast_in_dim3A : i32 to vector<16xi32>
      "tpu.region"() ({
        %run_scoped3A = tpu.sem_alloc : memref<!tpu.dma_semaphore, #tpu.memory_space<semaphore_mem>>
        tpu.enqueue_dma source(%arg2 : memref<20480xf32, #tpu.memory_space<hbm>>) target(%arg9 : memref<20480xf32, #tpu.memory_space<vmem>>) target_semaphore(%run_scoped3A : memref<!tpu.dma_semaphore, #tpu.memory_space<semaphore_mem>>)
        tpu.wait_dma2 semaphore(%run_scoped3A : memref<!tpu.dma_semaphore, #tpu.memory_space<semaphore_mem>>) src(%arg2 : memref<20480xf32, #tpu.memory_space<hbm>>) dst(%arg9 : memref<20480xf32, #tpu.memory_space<vmem>>)
        tpu.yield
      }) : () -> ()
      %scan3A = arith.constant 0 : i32
      %scan3A_5 = arith.constant 0 : i32
      %scan3A_6 = arith.constant 1280 : i32
      %scan3A_7 = arith.addi %scan3A_5, %scan3A_6 : i32
      %scan3A_8 = arith.constant 1 : i32
      %scan3A_9 = scf.for %scan3A_123 = %scan3A_5 to %scan3A_7 step %scan3A_8 iter_args(%scan3A_124 = %scan3A) -> (i32)  : i32 {
        %mul3A = arith.constant 16 : i32
        %mul3A_125 = arith.muli %scan3A_123, %mul3A : i32
        %get3A = arith.index_cast %mul3A_125 : i32 to index
        %get3A_126 = tpu.vector_load %arg9[%get3A] {strides = array<i32>} : memref<20480xf32, #tpu.memory_space<vmem>>, vector<16xf32>,
        %bitcast3A = vector.bitcast %get3A_126 : vector<16xf32> to vector<16xi32>
        %lt3A = arith.constant 0 : i32
        %lt3A_127 = vector.broadcast %lt3A : i32 to vector<16xi32>
        %lt3A_128 = arith.cmpi slt, %bitcast3A, %lt3A_127 : vector<16xi32>
        %not3A = arith.constant dense<-1> : vector<16xi32>
        %not3A_129 = arith.xori %bitcast3A, %not3A : vector<16xi32>
        %and3A_130 = arith.constant 2147483647 : i32
        %and3A_131 = vector.broadcast %and3A_130 : i32 to vector<16xi32>
        %and3A_132 = arith.andi %not3A_129, %and3A_131 : vector<16xi32>
        %select_n3A = arith.select %lt3A_128, %bitcast3A, %and3A_132 : vector<16xi1>, vector<16xi32>
        %mul3A_133 = arith.constant 16 : i32
        %mul3A_134 = arith.muli %scan3A_123, %mul3A_133 : i32
        %add3A = vector.broadcast %mul3A_134 : i32 to vector<16xi32>
        %add3A_135 = arith.addi %add3A, %iota3A : vector<16xi32>
        %lt3A_136 = arith.constant 20000 : i32
        %lt3A_137 = vector.broadcast %lt3A_136 : i32 to vector<16xi32>
        %lt3A_138 = arith.cmpi slt, %add3A_135, %lt3A_137 : vector<16xi32>
        %jit3A = arith.constant -1 : i32
        %broadcast_in_dim3A_139 = vector.broadcast %jit3A : i32 to vector<16xi32>
        %select_n3A_140 = arith.select %lt3A_138, %select_n3A, %broadcast_in_dim3A_139 : vector<16xi1>, vector<16xi32>
        %mul3A_141 = arith.constant 16 : i32
        %mul3A_142 = arith.muli %scan3A_123, %mul3A_141 : i32
        %swap3A = arith.index_cast %mul3A_142 : i32 to index
        %swap3A_143 = tpu.vector_load %arg4[%swap3A] {strides = array<i32>} : memref<20480xi32, #tpu.memory_space<vmem>>, vector<16xi32>,
        tpu.vector_store %arg4[%swap3A], %select_n3A_140 {strides = array<i32>} : memref<20480xi32, #tpu.memory_space<vmem>>, vector<16xi32>,
        %lt3A_144 = arith.constant 20000 : i32
        %lt3A_145 = vector.broadcast %lt3A_144 : i32 to vector<16xi32>
        %lt3A_146 = arith.cmpi slt, %add3A_135, %lt3A_145 : vector<16xi32>
        %jit3A_147 = arith.constant 0 : i32
        %broadcast_in_dim3A_148 = vector.broadcast %jit3A_147 : i32 to vector<16xi32>
        %select_n3A_149 = arith.select %lt3A_146, %add3A_135, %broadcast_in_dim3A_148 : vector<16xi1>, vector<16xi32>
        %mul3A_150 = arith.constant 16 : i32
        %mul3A_151 = arith.muli %scan3A_123, %mul3A_150 : i32
        %swap3A_152 = arith.index_cast %mul3A_151 : i32 to index
        %swap3A_153 = tpu.vector_load %arg5[%swap3A_152] {strides = array<i32>} : memref<20480xi32, #tpu.memory_space<vmem>>, vector<16xi32>,
        tpu.vector_store %arg5[%swap3A_152], %select_n3A_149 {strides = array<i32>} : memref<20480xi32, #tpu.memory_space<vmem>>, vector<16xi32>,
        %scan3A_154 = arith.constant 0 : i32
        scf.yield %scan3A_154 : i32
      }
      %scan3A_10 = arith.constant 1280 : i32
      %scan3A_11 = arith.constant 0 : i32
      %scan3A_12 = arith.constant 0 : i32
      %scan3A_13 = arith.constant 16 : i32
      %scan3A_14 = arith.addi %scan3A_12, %scan3A_13 : i32
      %scan3A_15 = arith.constant 1 : i32
      %scan3A_16 = scf.for %scan3A_123 = %scan3A_12 to %scan3A_14 step %scan3A_15 iter_args(%scan3A_124 = %scan3A_11) -> (i32)  : i32 {
        %broadcast_in_dim3A_125 = arith.constant 0 : i32
        %broadcast_in_dim3A_126 = vector.broadcast %broadcast_in_dim3A_125 : i32 to vector<16xi32>
        %mul3A = arith.constant 16 : i32
        %mul3A_127 = arith.muli %scan3A_123, %mul3A : i32
        %swap3A = arith.index_cast %mul3A_127 : i32 to index
        %swap3A_128 = tpu.vector_load %arg8[%swap3A] {strides = array<i32>} : memref<256xi32, #tpu.memory_space<vmem>>, vector<16xi32>,
        tpu.vector_store %arg8[%swap3A], %broadcast_in_dim3A_126 {strides = array<i32>} : memref<256xi32, #tpu.memory_space<vmem>>, vector<16xi32>,
        %scan3A_129 = arith.constant 0 : i32
        scf.yield %scan3A_129 : i32
      }
      %scan3A_17 = arith.constant 16 : i32
      %scan3A_18 = arith.constant 0 : i32
      %scan3A_19 = arith.constant 0 : i32
      %scan3A_20 = arith.constant 1280 : i32
      %scan3A_21 = arith.addi %scan3A_19, %scan3A_20 : i32
      %scan3A_22 = arith.constant 1 : i32
      %scan3A_23 = scf.for %scan3A_123 = %scan3A_19 to %scan3A_21 step %scan3A_22 iter_args(%scan3A_124 = %scan3A_18) -> (i32)  : i32 {
        %mul3A = arith.constant 16 : i32
        %mul3A_125 = arith.muli %scan3A_123, %mul3A : i32
        %get3A = arith.index_cast %mul3A_125 : i32 to index
        %get3A_126 = tpu.vector_load %arg4[%get3A] {strides = array<i32>} : memref<20480xi32, #tpu.memory_space<vmem>>, vector<16xi32>,
        %shift_right_logical3A = arith.constant 0 : i32
        %shift_right_logical3A_127 = vector.broadcast %shift_right_logical3A : i32 to vector<16xi32>
        %shift_right_logical3A_128 = arith.shrui %get3A_126, %shift_right_logical3A_127 : vector<16xi32>
        %and3A_129 = arith.constant 255 : i32
        %and3A_130 = vector.broadcast %and3A_129 : i32 to vector<16xi32>
        %and3A_131 = arith.andi %shift_right_logical3A_128, %and3A_130 : vector<16xi32>
        tpu.vector_store_idx %arg8[%and3A_131], %broadcast_in_dim3A_4 {add = true} : memref<256xi32, #tpu.memory_space<vmem>>[vector<16xi32>], vector<16xi32>,
        %scan3A_132 = arith.constant 0 : i32
        scf.yield %scan3A_132 : i32
      }
      %scan3A_24 = arith.constant 1280 : i32
      %scan3A_25 = arith.constant 0 : i32
      %scan3A_26 = arith.constant 0 : i32
      %scan3A_27 = arith.constant 16 : i32
      %scan3A_28 = arith.addi %scan3A_26, %scan3A_27 : i32
      %scan3A_29 = arith.constant 1 : i32
      %scan3A_30 = scf.for %scan3A_123 = %scan3A_26 to %scan3A_28 step %scan3A_29 iter_args(%scan3A_124 = %scan3A_25) -> (i32)  : i32 {
        %mul3A = arith.constant 16 : i32
        %mul3A_125 = arith.muli %scan3A_123, %mul3A : i32
        %get3A = arith.index_cast %mul3A_125 : i32 to index
        %get3A_126 = tpu.vector_load %arg8[%get3A] {strides = array<i32>} : memref<256xi32, #tpu.memory_space<vmem>>, vector<16xi32>,
        %broadcast_in_dim3A_127 = arith.constant true
        %broadcast_in_dim3A_128 = vector.broadcast %broadcast_in_dim3A_127 : i1 to vector<16xi1>
        %masked_cumsum3A = tpu.scan <sum>, %get3A_126 masked %broadcast_in_dim3A_128 : vector<16xi32>, vector<16xi1> -> vector<16xi32>
        %sub3A = arith.subi %masked_cumsum3A, %get3A_126 : vector<16xi32>
        %add3A = vector.broadcast %scan3A_124 : i32 to vector<16xi32>
        %add3A_129 = arith.addi %sub3A, %add3A : vector<16xi32>
        %mul3A_130 = arith.constant 16 : i32
        %mul3A_131 = arith.muli %scan3A_123, %mul3A_130 : i32
        %swap3A = arith.index_cast %mul3A_131 : i32 to index
        %swap3A_132 = tpu.vector_load %arg8[%swap3A] {strides = array<i32>} : memref<256xi32, #tpu.memory_space<vmem>>, vector<16xi32>,
        tpu.vector_store %arg8[%swap3A], %add3A_129 {strides = array<i32>} : memref<256xi32, #tpu.memory_space<vmem>>, vector<16xi32>,
        %reduce_sum3A = arith.constant true
        %reduce_sum3A_133 = vector.broadcast %reduce_sum3A : i1 to vector<16xi1>
        %reduce_sum3A_134 = tpu.scan <sum>, %get3A_126 masked %reduce_sum3A_133 : vector<16xi32>, vector<16xi1> -> vector<16xi32>
        %reduce_sum3A_135 = vector.extract %reduce_sum3A_134[15] : i32 from vector<16xi32>
        %add3A_136 = arith.addi %scan3A_124, %reduce_sum3A_135 : i32
        scf.yield %add3A_136 : i32
      }
      %scan3A_31 = arith.constant 16 : i32
      %scan3A_32 = arith.constant 0 : i32
      %scan3A_33 = arith.constant 0 : i32
      %scan3A_34 = arith.constant 1280 : i32
      %scan3A_35 = arith.addi %scan3A_33, %scan3A_34 : i32
      %scan3A_36 = arith.constant 1 : i32
      %scan3A_37 = scf.for %scan3A_123 = %scan3A_33 to %scan3A_35 step %scan3A_36 iter_args(%scan3A_124 = %scan3A_32) -> (i32)  : i32 {
        %mul3A = arith.constant 16 : i32
        %mul3A_125 = arith.muli %scan3A_123, %mul3A : i32
        %get3A = arith.index_cast %mul3A_125 : i32 to index
        %get3A_126 = tpu.vector_load %arg4[%get3A] {strides = array<i32>} : memref<20480xi32, #tpu.memory_space<vmem>>, vector<16xi32>,
        %mul3A_127 = arith.constant 16 : i32
        %mul3A_128 = arith.muli %scan3A_123, %mul3A_127 : i32
        %get3A_129 = arith.index_cast %mul3A_128 : i32 to index
        %get3A_130 = tpu.vector_load %arg5[%get3A_129] {strides = array<i32>} : memref<20480xi32, #tpu.memory_space<vmem>>, vector<16xi32>,
        %shift_right_logical3A = arith.constant 0 : i32
        %shift_right_logical3A_131 = vector.broadcast %shift_right_logical3A : i32 to vector<16xi32>
        %shift_right_logical3A_132 = arith.shrui %get3A_126, %shift_right_logical3A_131 : vector<16xi32>
        %and3A_133 = arith.constant 255 : i32
        %and3A_134 = vector.broadcast %and3A_133 : i32 to vector<16xi32>
        %and3A_135 = arith.andi %shift_right_logical3A_132, %and3A_134 : vector<16xi32>
        %gather3A = tpu.vector_load_idx %arg8[%and3A_135] : memref<256xi32, #tpu.memory_space<vmem>>[vector<16xi32>], vector<16xi32>,
        %broadcast_in_dim3A_136 = arith.constant true
        %broadcast_in_dim3A_137 = vector.broadcast %broadcast_in_dim3A_136 : i1 to vector<16xi1>
        %unique3A, %unique3A_138 = tpu.scan_count mask(%broadcast_in_dim3A_137 : vector<16xi1>) value(%and3A_135 : vector<16xi32>) : vector<16xi1>, vector<16xi32>
        %add3A = arith.addi %gather3A, %unique3A_138 : vector<16xi32>
        %sub3A = arith.constant 1 : i32
        %sub3A_139 = vector.broadcast %sub3A : i32 to vector<16xi32>
        %sub3A_140 = arith.subi %add3A, %sub3A_139 : vector<16xi32>
        tpu.vector_store_idx %arg6[%sub3A_140], %get3A_126 : memref<20480xi32, #tpu.memory_space<vmem>>[vector<16xi32>], vector<16xi32>,
        tpu.vector_store_idx %arg7[%sub3A_140], %get3A_130 : memref<20480xi32, #tpu.memory_space<vmem>>[vector<16xi32>], vector<16xi32>,
        tpu.vector_store_idx %arg8[%and3A_135], %broadcast_in_dim3A_4 {add = true} : memref<256xi32, #tpu.memory_space<vmem>>[vector<16xi32>], vector<16xi32>,
        %scan3A_141 = arith.constant 0 : i32
        scf.yield %scan3A_141 : i32
      }
      %scan3A_38 = arith.constant 1280 : i32
      %scan3A_39 = arith.constant 0 : i32
      %scan3A_40 = arith.constant 0 : i32
      %scan3A_41 = arith.constant 16 : i32
      %scan3A_42 = arith.addi %scan3A_40, %scan3A_41 : i32
      %scan3A_43 = arith.constant 1 : i32
      %scan3A_44 = scf.for %scan3A_123 = %scan3A_40 to %scan3A_42 step %scan3A_43 iter_args(%scan3A_124 = %scan3A_39) -> (i32)  : i32 {
        %broadcast_in_dim3A_125 = arith.constant 0 : i32
        %broadcast_in_dim3A_126 = vector.broadcast %broadcast_in_dim3A_125 : i32 to vector<16xi32>
        %mul3A = arith.constant 16 : i32
        %mul3A_127 = arith.muli %scan3A_123, %mul3A : i32
        %swap3A = arith.index_cast %mul3A_127 : i32 to index
        %swap3A_128 = tpu.vector_load %arg8[%swap3A] {strides = array<i32>} : memref<256xi32, #tpu.memory_space<vmem>>, vector<16xi32>,
        tpu.vector_store %arg8[%swap3A], %broadcast_in_dim3A_126 {strides = array<i32>} : memref<256xi32, #tpu.memory_space<vmem>>, vector<16xi32>,
        %scan3A_129 = arith.constant 0 : i32
        scf.yield %scan3A_129 : i32
      }
      %scan3A_45 = arith.constant 16 : i32
      %scan3A_46 = arith.constant 0 : i32
      %scan3A_47 = arith.constant 0 : i32
      %scan3A_48 = arith.constant 1280 : i32
      %scan3A_49 = arith.addi %scan3A_47, %scan3A_48 : i32
      %scan3A_50 = arith.constant 1 : i32
      %scan3A_51 = scf.for %scan3A_123 = %scan3A_47 to %scan3A_49 step %scan3A_50 iter_args(%scan3A_124 = %scan3A_46) -> (i32)  : i32 {
        %mul3A = arith.constant 16 : i32
        %mul3A_125 = arith.muli %scan3A_123, %mul3A : i32
        %get3A = arith.index_cast %mul3A_125 : i32 to index
        %get3A_126 = tpu.vector_load %arg6[%get3A] {strides = array<i32>} : memref<20480xi32, #tpu.memory_space<vmem>>, vector<16xi32>,
        %shift_right_logical3A = arith.constant 8 : i32
        %shift_right_logical3A_127 = vector.broadcast %shift_right_logical3A : i32 to vector<16xi32>
        %shift_right_logical3A_128 = arith.shrui %get3A_126, %shift_right_logical3A_127 : vector<16xi32>
        %and3A_129 = arith.constant 255 : i32
        %and3A_130 = vector.broadcast %and3A_129 : i32 to vector<16xi32>
        %and3A_131 = arith.andi %shift_right_logical3A_128, %and3A_130 : vector<16xi32>
        tpu.vector_store_idx %arg8[%and3A_131], %broadcast_in_dim3A_4 {add = true} : memref<256xi32, #tpu.memory_space<vmem>>[vector<16xi32>], vector<16xi32>,
        %scan3A_132 = arith.constant 0 : i32
        scf.yield %scan3A_132 : i32
      }
      %scan3A_52 = arith.constant 1280 : i32
      %scan3A_53 = arith.constant 0 : i32
      %scan3A_54 = arith.constant 0 : i32
      %scan3A_55 = arith.constant 16 : i32
      %scan3A_56 = arith.addi %scan3A_54, %scan3A_55 : i32
      %scan3A_57 = arith.constant 1 : i32
      %scan3A_58 = scf.for %scan3A_123 = %scan3A_54 to %scan3A_56 step %scan3A_57 iter_args(%scan3A_124 = %scan3A_53) -> (i32)  : i32 {
        %mul3A = arith.constant 16 : i32
        %mul3A_125 = arith.muli %scan3A_123, %mul3A : i32
        %get3A = arith.index_cast %mul3A_125 : i32 to index
        %get3A_126 = tpu.vector_load %arg8[%get3A] {strides = array<i32>} : memref<256xi32, #tpu.memory_space<vmem>>, vector<16xi32>,
        %broadcast_in_dim3A_127 = arith.constant true
        %broadcast_in_dim3A_128 = vector.broadcast %broadcast_in_dim3A_127 : i1 to vector<16xi1>
        %masked_cumsum3A = tpu.scan <sum>, %get3A_126 masked %broadcast_in_dim3A_128 : vector<16xi32>, vector<16xi1> -> vector<16xi32>
        %sub3A = arith.subi %masked_cumsum3A, %get3A_126 : vector<16xi32>
        %add3A = vector.broadcast %scan3A_124 : i32 to vector<16xi32>
        %add3A_129 = arith.addi %sub3A, %add3A : vector<16xi32>
        %mul3A_130 = arith.constant 16 : i32
        %mul3A_131 = arith.muli %scan3A_123, %mul3A_130 : i32
        %swap3A = arith.index_cast %mul3A_131 : i32 to index
        %swap3A_132 = tpu.vector_load %arg8[%swap3A] {strides = array<i32>} : memref<256xi32, #tpu.memory_space<vmem>>, vector<16xi32>,
        tpu.vector_store %arg8[%swap3A], %add3A_129 {strides = array<i32>} : memref<256xi32, #tpu.memory_space<vmem>>, vector<16xi32>,
        %reduce_sum3A = arith.constant true
        %reduce_sum3A_133 = vector.broadcast %reduce_sum3A : i1 to vector<16xi1>
        %reduce_sum3A_134 = tpu.scan <sum>, %get3A_126 masked %reduce_sum3A_133 : vector<16xi32>, vector<16xi1> -> vector<16xi32>
        %reduce_sum3A_135 = vector.extract %reduce_sum3A_134[15] : i32 from vector<16xi32>
        %add3A_136 = arith.addi %scan3A_124, %reduce_sum3A_135 : i32
        scf.yield %add3A_136 : i32
      }
      %scan3A_59 = arith.constant 16 : i32
      %scan3A_60 = arith.constant 0 : i32
      %scan3A_61 = arith.constant 0 : i32
      %scan3A_62 = arith.constant 1280 : i32
      %scan3A_63 = arith.addi %scan3A_61, %scan3A_62 : i32
      %scan3A_64 = arith.constant 1 : i32
      %scan3A_65 = scf.for %scan3A_123 = %scan3A_61 to %scan3A_63 step %scan3A_64 iter_args(%scan3A_124 = %scan3A_60) -> (i32)  : i32 {
        %mul3A = arith.constant 16 : i32
        %mul3A_125 = arith.muli %scan3A_123, %mul3A : i32
        %get3A = arith.index_cast %mul3A_125 : i32 to index
        %get3A_126 = tpu.vector_load %arg6[%get3A] {strides = array<i32>} : memref<20480xi32, #tpu.memory_space<vmem>>, vector<16xi32>,
        %mul3A_127 = arith.constant 16 : i32
        %mul3A_128 = arith.muli %scan3A_123, %mul3A_127 : i32
        %get3A_129 = arith.index_cast %mul3A_128 : i32 to index
        %get3A_130 = tpu.vector_load %arg7[%get3A_129] {strides = array<i32>} : memref<20480xi32, #tpu.memory_space<vmem>>, vector<16xi32>,
        %shift_right_logical3A = arith.constant 8 : i32
        %shift_right_logical3A_131 = vector.broadcast %shift_right_logical3A : i32 to vector<16xi32>
        %shift_right_logical3A_132 = arith.shrui %get3A_126, %shift_right_logical3A_131 : vector<16xi32>
        %and3A_133 = arith.constant 255 : i32
        %and3A_134 = vector.broadcast %and3A_133 : i32 to vector<16xi32>
        %and3A_135 = arith.andi %shift_right_logical3A_132, %and3A_134 : vector<16xi32>
        %gather3A = tpu.vector_load_idx %arg8[%and3A_135] : memref<256xi32, #tpu.memory_space<vmem>>[vector<16xi32>], vector<16xi32>,
        %broadcast_in_dim3A_136 = arith.constant true
        %broadcast_in_dim3A_137 = vector.broadcast %broadcast_in_dim3A_136 : i1 to vector<16xi1>
        %unique3A, %unique3A_138 = tpu.scan_count mask(%broadcast_in_dim3A_137 : vector<16xi1>) value(%and3A_135 : vector<16xi32>) : vector<16xi1>, vector<16xi32>
        %add3A = arith.addi %gather3A, %unique3A_138 : vector<16xi32>
        %sub3A = arith.constant 1 : i32
        %sub3A_139 = vector.broadcast %sub3A : i32 to vector<16xi32>
        %sub3A_140 = arith.subi %add3A, %sub3A_139 : vector<16xi32>
        tpu.vector_store_idx %arg4[%sub3A_140], %get3A_126 : memref<20480xi32, #tpu.memory_space<vmem>>[vector<16xi32>], vector<16xi32>,
        tpu.vector_store_idx %arg5[%sub3A_140], %get3A_130 : memref<20480xi32, #tpu.memory_space<vmem>>[vector<16xi32>], vector<16xi32>,
        tpu.vector_store_idx %arg8[%and3A_135], %broadcast_in_dim3A_4 {add = true} : memref<256xi32, #tpu.memory_space<vmem>>[vector<16xi32>], vector<16xi32>,
        %scan3A_141 = arith.constant 0 : i32
        scf.yield %scan3A_141 : i32
      }
      %scan3A_66 = arith.constant 1280 : i32
      %scan3A_67 = arith.constant 0 : i32
      %scan3A_68 = arith.constant 0 : i32
      %scan3A_69 = arith.constant 16 : i32
      %scan3A_70 = arith.addi %scan3A_68, %scan3A_69 : i32
      %scan3A_71 = arith.constant 1 : i32
      %scan3A_72 = scf.for %scan3A_123 = %scan3A_68 to %scan3A_70 step %scan3A_71 iter_args(%scan3A_124 = %scan3A_67) -> (i32)  : i32 {
        %broadcast_in_dim3A_125 = arith.constant 0 : i32
        %broadcast_in_dim3A_126 = vector.broadcast %broadcast_in_dim3A_125 : i32 to vector<16xi32>
        %mul3A = arith.constant 16 : i32
        %mul3A_127 = arith.muli %scan3A_123, %mul3A : i32
        %swap3A = arith.index_cast %mul3A_127 : i32 to index
        %swap3A_128 = tpu.vector_load %arg8[%swap3A] {strides = array<i32>} : memref<256xi32, #tpu.memory_space<vmem>>, vector<16xi32>,
        tpu.vector_store %arg8[%swap3A], %broadcast_in_dim3A_126 {strides = array<i32>} : memref<256xi32, #tpu.memory_space<vmem>>, vector<16xi32>,
        %scan3A_129 = arith.constant 0 : i32
        scf.yield %scan3A_129 : i32
      }
      %scan3A_73 = arith.constant 16 : i32
      %scan3A_74 = arith.constant 0 : i32
      %scan3A_75 = arith.constant 0 : i32
      %scan3A_76 = arith.constant 1280 : i32
      %scan3A_77 = arith.addi %scan3A_75, %scan3A_76 : i32
      %scan3A_78 = arith.constant 1 : i32
      %scan3A_79 = scf.for %scan3A_123 = %scan3A_75 to %scan3A_77 step %scan3A_78 iter_args(%scan3A_124 = %scan3A_74) -> (i32)  : i32 {
        %mul3A = arith.constant 16 : i32
        %mul3A_125 = arith.muli %scan3A_123, %mul3A : i32
        %get3A = arith.index_cast %mul3A_125 : i32 to index
        %get3A_126 = tpu.vector_load %arg4[%get3A] {strides = array<i32>} : memref<20480xi32, #tpu.memory_space<vmem>>, vector<16xi32>,
        %shift_right_logical3A = arith.constant 16 : i32
        %shift_right_logical3A_127 = vector.broadcast %shift_right_logical3A : i32 to vector<16xi32>
        %shift_right_logical3A_128 = arith.shrui %get3A_126, %shift_right_logical3A_127 : vector<16xi32>
        %and3A_129 = arith.constant 255 : i32
        %and3A_130 = vector.broadcast %and3A_129 : i32 to vector<16xi32>
        %and3A_131 = arith.andi %shift_right_logical3A_128, %and3A_130 : vector<16xi32>
        tpu.vector_store_idx %arg8[%and3A_131], %broadcast_in_dim3A_4 {add = true} : memref<256xi32, #tpu.memory_space<vmem>>[vector<16xi32>], vector<16xi32>,
        %scan3A_132 = arith.constant 0 : i32
        scf.yield %scan3A_132 : i32
      }
      %scan3A_80 = arith.constant 1280 : i32
      %scan3A_81 = arith.constant 0 : i32
      %scan3A_82 = arith.constant 0 : i32
      %scan3A_83 = arith.constant 16 : i32
      %scan3A_84 = arith.addi %scan3A_82, %scan3A_83 : i32
      %scan3A_85 = arith.constant 1 : i32
      %scan3A_86 = scf.for %scan3A_123 = %scan3A_82 to %scan3A_84 step %scan3A_85 iter_args(%scan3A_124 = %scan3A_81) -> (i32)  : i32 {
        %mul3A = arith.constant 16 : i32
        %mul3A_125 = arith.muli %scan3A_123, %mul3A : i32
        %get3A = arith.index_cast %mul3A_125 : i32 to index
        %get3A_126 = tpu.vector_load %arg8[%get3A] {strides = array<i32>} : memref<256xi32, #tpu.memory_space<vmem>>, vector<16xi32>,
        %broadcast_in_dim3A_127 = arith.constant true
        %broadcast_in_dim3A_128 = vector.broadcast %broadcast_in_dim3A_127 : i1 to vector<16xi1>
        %masked_cumsum3A = tpu.scan <sum>, %get3A_126 masked %broadcast_in_dim3A_128 : vector<16xi32>, vector<16xi1> -> vector<16xi32>
        %sub3A = arith.subi %masked_cumsum3A, %get3A_126 : vector<16xi32>
        %add3A = vector.broadcast %scan3A_124 : i32 to vector<16xi32>
        %add3A_129 = arith.addi %sub3A, %add3A : vector<16xi32>
        %mul3A_130 = arith.constant 16 : i32
        %mul3A_131 = arith.muli %scan3A_123, %mul3A_130 : i32
        %swap3A = arith.index_cast %mul3A_131 : i32 to index
        %swap3A_132 = tpu.vector_load %arg8[%swap3A] {strides = array<i32>} : memref<256xi32, #tpu.memory_space<vmem>>, vector<16xi32>,
        tpu.vector_store %arg8[%swap3A], %add3A_129 {strides = array<i32>} : memref<256xi32, #tpu.memory_space<vmem>>, vector<16xi32>,
        %reduce_sum3A = arith.constant true
        %reduce_sum3A_133 = vector.broadcast %reduce_sum3A : i1 to vector<16xi1>
        %reduce_sum3A_134 = tpu.scan <sum>, %get3A_126 masked %reduce_sum3A_133 : vector<16xi32>, vector<16xi1> -> vector<16xi32>
        %reduce_sum3A_135 = vector.extract %reduce_sum3A_134[15] : i32 from vector<16xi32>
        %add3A_136 = arith.addi %scan3A_124, %reduce_sum3A_135 : i32
        scf.yield %add3A_136 : i32
      }
      %scan3A_87 = arith.constant 16 : i32
      %scan3A_88 = arith.constant 0 : i32
      %scan3A_89 = arith.constant 0 : i32
      %scan3A_90 = arith.constant 1280 : i32
      %scan3A_91 = arith.addi %scan3A_89, %scan3A_90 : i32
      %scan3A_92 = arith.constant 1 : i32
      %scan3A_93 = scf.for %scan3A_123 = %scan3A_89 to %scan3A_91 step %scan3A_92 iter_args(%scan3A_124 = %scan3A_88) -> (i32)  : i32 {
        %mul3A = arith.constant 16 : i32
        %mul3A_125 = arith.muli %scan3A_123, %mul3A : i32
        %get3A = arith.index_cast %mul3A_125 : i32 to index
        %get3A_126 = tpu.vector_load %arg4[%get3A] {strides = array<i32>} : memref<20480xi32, #tpu.memory_space<vmem>>, vector<16xi32>,
        %mul3A_127 = arith.constant 16 : i32
        %mul3A_128 = arith.muli %scan3A_123, %mul3A_127 : i32
        %get3A_129 = arith.index_cast %mul3A_128 : i32 to index
        %get3A_130 = tpu.vector_load %arg5[%get3A_129] {strides = array<i32>} : memref<20480xi32, #tpu.memory_space<vmem>>, vector<16xi32>,
        %shift_right_logical3A = arith.constant 16 : i32
        %shift_right_logical3A_131 = vector.broadcast %shift_right_logical3A : i32 to vector<16xi32>
        %shift_right_logical3A_132 = arith.shrui %get3A_126, %shift_right_logical3A_131 : vector<16xi32>
        %and3A_133 = arith.constant 255 : i32
        %and3A_134 = vector.broadcast %and3A_133 : i32 to vector<16xi32>
        %and3A_135 = arith.andi %shift_right_logical3A_132, %and3A_134 : vector<16xi32>
        %gather3A = tpu.vector_load_idx %arg8[%and3A_135] : memref<256xi32, #tpu.memory_space<vmem>>[vector<16xi32>], vector<16xi32>,
        %broadcast_in_dim3A_136 = arith.constant true
        %broadcast_in_dim3A_137 = vector.broadcast %broadcast_in_dim3A_136 : i1 to vector<16xi1>
        %unique3A, %unique3A_138 = tpu.scan_count mask(%broadcast_in_dim3A_137 : vector<16xi1>) value(%and3A_135 : vector<16xi32>) : vector<16xi1>, vector<16xi32>
        %add3A = arith.addi %gather3A, %unique3A_138 : vector<16xi32>
        %sub3A = arith.constant 1 : i32
        %sub3A_139 = vector.broadcast %sub3A : i32 to vector<16xi32>
        %sub3A_140 = arith.subi %add3A, %sub3A_139 : vector<16xi32>
        tpu.vector_store_idx %arg6[%sub3A_140], %get3A_126 : memref<20480xi32, #tpu.memory_space<vmem>>[vector<16xi32>], vector<16xi32>,
        tpu.vector_store_idx %arg7[%sub3A_140], %get3A_130 : memref<20480xi32, #tpu.memory_space<vmem>>[vector<16xi32>], vector<16xi32>,
        tpu.vector_store_idx %arg8[%and3A_135], %broadcast_in_dim3A_4 {add = true} : memref<256xi32, #tpu.memory_space<vmem>>[vector<16xi32>], vector<16xi32>,
        %scan3A_141 = arith.constant 0 : i32
        scf.yield %scan3A_141 : i32
      }
      %scan3A_94 = arith.constant 1280 : i32
      %scan3A_95 = arith.constant 0 : i32
      %scan3A_96 = arith.constant 0 : i32
      %scan3A_97 = arith.constant 16 : i32
      %scan3A_98 = arith.addi %scan3A_96, %scan3A_97 : i32
      %scan3A_99 = arith.constant 1 : i32
      %scan3A_100 = scf.for %scan3A_123 = %scan3A_96 to %scan3A_98 step %scan3A_99 iter_args(%scan3A_124 = %scan3A_95) -> (i32)  : i32 {
        %broadcast_in_dim3A_125 = arith.constant 0 : i32
        %broadcast_in_dim3A_126 = vector.broadcast %broadcast_in_dim3A_125 : i32 to vector<16xi32>
        %mul3A = arith.constant 16 : i32
        %mul3A_127 = arith.muli %scan3A_123, %mul3A : i32
        %swap3A = arith.index_cast %mul3A_127 : i32 to index
        %swap3A_128 = tpu.vector_load %arg8[%swap3A] {strides = array<i32>} : memref<256xi32, #tpu.memory_space<vmem>>, vector<16xi32>,
        tpu.vector_store %arg8[%swap3A], %broadcast_in_dim3A_126 {strides = array<i32>} : memref<256xi32, #tpu.memory_space<vmem>>, vector<16xi32>,
        %scan3A_129 = arith.constant 0 : i32
        scf.yield %scan3A_129 : i32
      }
      %scan3A_101 = arith.constant 16 : i32
      %scan3A_102 = arith.constant 0 : i32
      %scan3A_103 = arith.constant 0 : i32
      %scan3A_104 = arith.constant 1280 : i32
      %scan3A_105 = arith.addi %scan3A_103, %scan3A_104 : i32
      %scan3A_106 = arith.constant 1 : i32
      %scan3A_107 = scf.for %scan3A_123 = %scan3A_103 to %scan3A_105 step %scan3A_106 iter_args(%scan3A_124 = %scan3A_102) -> (i32)  : i32 {
        %mul3A = arith.constant 16 : i32
        %mul3A_125 = arith.muli %scan3A_123, %mul3A : i32
        %get3A = arith.index_cast %mul3A_125 : i32 to index
        %get3A_126 = tpu.vector_load %arg6[%get3A] {strides = array<i32>} : memref<20480xi32, #tpu.memory_space<vmem>>, vector<16xi32>,
        %shift_right_logical3A = arith.constant 24 : i32
        %shift_right_logical3A_127 = vector.broadcast %shift_right_logical3A : i32 to vector<16xi32>
        %shift_right_logical3A_128 = arith.shrui %get3A_126, %shift_right_logical3A_127 : vector<16xi32>
        %and3A_129 = arith.constant 255 : i32
        %and3A_130 = vector.broadcast %and3A_129 : i32 to vector<16xi32>
        %and3A_131 = arith.andi %shift_right_logical3A_128, %and3A_130 : vector<16xi32>
        tpu.vector_store_idx %arg8[%and3A_131], %broadcast_in_dim3A_4 {add = true} : memref<256xi32, #tpu.memory_space<vmem>>[vector<16xi32>], vector<16xi32>,
        %scan3A_132 = arith.constant 0 : i32
        scf.yield %scan3A_132 : i32
      }
      %scan3A_108 = arith.constant 1280 : i32
      %scan3A_109 = arith.constant 0 : i32
      %scan3A_110 = arith.constant 0 : i32
      %scan3A_111 = arith.constant 16 : i32
      %scan3A_112 = arith.addi %scan3A_110, %scan3A_111 : i32
      %scan3A_113 = arith.constant 1 : i32
      %scan3A_114 = scf.for %scan3A_123 = %scan3A_110 to %scan3A_112 step %scan3A_113 iter_args(%scan3A_124 = %scan3A_109) -> (i32)  : i32 {
        %mul3A = arith.constant 16 : i32
        %mul3A_125 = arith.muli %scan3A_123, %mul3A : i32
        %get3A = arith.index_cast %mul3A_125 : i32 to index
        %get3A_126 = tpu.vector_load %arg8[%get3A] {strides = array<i32>} : memref<256xi32, #tpu.memory_space<vmem>>, vector<16xi32>,
        %broadcast_in_dim3A_127 = arith.constant true
        %broadcast_in_dim3A_128 = vector.broadcast %broadcast_in_dim3A_127 : i1 to vector<16xi1>
        %masked_cumsum3A = tpu.scan <sum>, %get3A_126 masked %broadcast_in_dim3A_128 : vector<16xi32>, vector<16xi1> -> vector<16xi32>
        %sub3A = arith.subi %masked_cumsum3A, %get3A_126 : vector<16xi32>
        %add3A = vector.broadcast %scan3A_124 : i32 to vector<16xi32>
        %add3A_129 = arith.addi %sub3A, %add3A : vector<16xi32>
        %mul3A_130 = arith.constant 16 : i32
        %mul3A_131 = arith.muli %scan3A_123, %mul3A_130 : i32
        %swap3A = arith.index_cast %mul3A_131 : i32 to index
        %swap3A_132 = tpu.vector_load %arg8[%swap3A] {strides = array<i32>} : memref<256xi32, #tpu.memory_space<vmem>>, vector<16xi32>,
        tpu.vector_store %arg8[%swap3A], %add3A_129 {strides = array<i32>} : memref<256xi32, #tpu.memory_space<vmem>>, vector<16xi32>,
        %reduce_sum3A = arith.constant true
        %reduce_sum3A_133 = vector.broadcast %reduce_sum3A : i1 to vector<16xi1>
        %reduce_sum3A_134 = tpu.scan <sum>, %get3A_126 masked %reduce_sum3A_133 : vector<16xi32>, vector<16xi1> -> vector<16xi32>
        %reduce_sum3A_135 = vector.extract %reduce_sum3A_134[15] : i32 from vector<16xi32>
        %add3A_136 = arith.addi %scan3A_124, %reduce_sum3A_135 : i32
        scf.yield %add3A_136 : i32
      }
      %scan3A_115 = arith.constant 16 : i32
      %scan3A_116 = arith.constant 0 : i32
      %scan3A_117 = arith.constant 0 : i32
      %scan3A_118 = arith.constant 1280 : i32
      %scan3A_119 = arith.addi %scan3A_117, %scan3A_118 : i32
      %scan3A_120 = arith.constant 1 : i32
      %scan3A_121 = scf.for %scan3A_123 = %scan3A_117 to %scan3A_119 step %scan3A_120 iter_args(%scan3A_124 = %scan3A_116) -> (i32)  : i32 {
        %mul3A = arith.constant 16 : i32
        %mul3A_125 = arith.muli %scan3A_123, %mul3A : i32
        %get3A = arith.index_cast %mul3A_125 : i32 to index
        %get3A_126 = tpu.vector_load %arg6[%get3A] {strides = array<i32>} : memref<20480xi32, #tpu.memory_space<vmem>>, vector<16xi32>,
        %mul3A_127 = arith.constant 16 : i32
        %mul3A_128 = arith.muli %scan3A_123, %mul3A_127 : i32
        %get3A_129 = arith.index_cast %mul3A_128 : i32 to index
        %get3A_130 = tpu.vector_load %arg7[%get3A_129] {strides = array<i32>} : memref<20480xi32, #tpu.memory_space<vmem>>, vector<16xi32>,
        %shift_right_logical3A = arith.constant 24 : i32
        %shift_right_logical3A_131 = vector.broadcast %shift_right_logical3A : i32 to vector<16xi32>
        %shift_right_logical3A_132 = arith.shrui %get3A_126, %shift_right_logical3A_131 : vector<16xi32>
        %and3A_133 = arith.constant 255 : i32
        %and3A_134 = vector.broadcast %and3A_133 : i32 to vector<16xi32>
        %and3A_135 = arith.andi %shift_right_logical3A_132, %and3A_134 : vector<16xi32>
        %gather3A = tpu.vector_load_idx %arg8[%and3A_135] : memref<256xi32, #tpu.memory_space<vmem>>[vector<16xi32>], vector<16xi32>,
        %broadcast_in_dim3A_136 = arith.constant true
        %broadcast_in_dim3A_137 = vector.broadcast %broadcast_in_dim3A_136 : i1 to vector<16xi1>
        %unique3A, %unique3A_138 = tpu.scan_count mask(%broadcast_in_dim3A_137 : vector<16xi1>) value(%and3A_135 : vector<16xi32>) : vector<16xi1>, vector<16xi32>
        %add3A = arith.addi %gather3A, %unique3A_138 : vector<16xi32>
        %sub3A = arith.constant 1 : i32
        %sub3A_139 = vector.broadcast %sub3A : i32 to vector<16xi32>
        %sub3A_140 = arith.subi %add3A, %sub3A_139 : vector<16xi32>
        tpu.vector_store_idx %arg4[%sub3A_140], %get3A_126 : memref<20480xi32, #tpu.memory_space<vmem>>[vector<16xi32>], vector<16xi32>,
        tpu.vector_store_idx %arg5[%sub3A_140], %get3A_130 : memref<20480xi32, #tpu.memory_space<vmem>>[vector<16xi32>], vector<16xi32>,
        tpu.vector_store_idx %arg8[%and3A_135], %broadcast_in_dim3A_4 {add = true} : memref<256xi32, #tpu.memory_space<vmem>>[vector<16xi32>], vector<16xi32>,
        %scan3A_141 = arith.constant 0 : i32
        scf.yield %scan3A_141 : i32
      }
      %scan3A_122 = arith.constant 1280 : i32
      "tpu.region"() ({
        %run_scoped3A = tpu.sem_alloc : memref<!tpu.dma_semaphore, #tpu.memory_space<semaphore_mem>>
        tpu.enqueue_dma source(%arg5 : memref<20480xi32, #tpu.memory_space<vmem>>) target(%arg3 : memref<20480xi32, #tpu.memory_space<hbm>>) target_semaphore(%run_scoped3A : memref<!tpu.dma_semaphore, #tpu.memory_space<semaphore_mem>>)
        tpu.wait_dma2 semaphore(%run_scoped3A : memref<!tpu.dma_semaphore, #tpu.memory_space<semaphore_mem>>) src(%arg5 : memref<20480xi32, #tpu.memory_space<vmem>>) dst(%arg3 : memref<20480xi32, #tpu.memory_space<hbm>>)
        tpu.yield
      }) : () -> ()
    } else {
    }
    return
  }
}

#map = affine_map<(d0, d1) -> (0)>
module attributes {stable_mosaic.version = 14 : i64} {
  func.func @_sc_pregather_body(%arg0: i32, %arg1: i32, %arg2: memref<20480xi32, #tpu.memory_space<hbm>>, %arg3: memref<20000xf32, #tpu.memory_space<hbm>>, %arg4: memref<20000xf32, #tpu.memory_space<hbm>>, %arg5: memref<20000xf32, #tpu.memory_space<hbm>>, %arg6: memref<20000xf32, #tpu.memory_space<hbm>>, %arg7: memref<20000xf32, #tpu.memory_space<hbm>>, %arg8: memref<20480xf32, #tpu.memory_space<hbm>>, %arg9: memref<20480xf32, #tpu.memory_space<hbm>>, %arg10: memref<20480xf32, #tpu.memory_space<hbm>>, %arg11: memref<20480xf32, #tpu.memory_space<hbm>>, %arg12: memref<20480xf32, #tpu.memory_space<hbm>>, %arg13: memref<640xi32, #tpu.memory_space<vmem>>, %arg14: memref<640xf32, #tpu.memory_space<vmem>>, %arg15: memref<640xf32, #tpu.memory_space<vmem>>, %arg16: memref<640xf32, #tpu.memory_space<vmem>>, %arg17: memref<640xf32, #tpu.memory_space<vmem>>, %arg18: memref<640xf32, #tpu.memory_space<vmem>>, %arg19: memref<!tpu.dma_semaphore, #tpu.memory_space<semaphore_mem>>) attributes {dimension_semantics = [#tpu.dimension_semantics<core_parallel>, #tpu.dimension_semantics<subcore_parallel>], iteration_bounds = array<i64: 2, 16>, scalar_prefetch = 0 : i64, scratch_operands = 7 : i64, tpu.core_type = #tpu.core_type<sc_vector_subcore>, window_params = [{transform_indices = #map}, {transform_indices = #map}, {transform_indices = #map}, {transform_indices = #map}, {transform_indices = #map}, {transform_indices = #map}, {transform_indices = #map}, {transform_indices = #map}, {transform_indices = #map}, {transform_indices = #map}, {transform_indices = #map}]} {
    %mul3A = arith.constant 2 : i32
    %mul3A_0 = arith.muli %arg1, %mul3A : i32
    %add3A = arith.addi %mul3A_0, %arg0 : i32
    %mul3A_1 = arith.constant 640 : i32
    %mul3A_2 = arith.muli %add3A, %mul3A_1 : i32
    "tpu.region"() ({
      %run_scoped3A = tpu.sem_alloc : memref<!tpu.dma_semaphore, #tpu.memory_space<semaphore_mem>>
      %dma_start3A_301 = tpu.memref_slice %arg2[%mul3A_2] : memref<20480xi32, #tpu.memory_space<hbm>> -> memref<640xi32, #tpu.memory_space<hbm>>
      %dma_start3A_302 = tpu.memref_slice %arg2[%mul3A_2] : memref<20480xi32, #tpu.memory_space<hbm>> -> memref<640xi32, #tpu.memory_space<hbm>>
      tpu.enqueue_dma source(%dma_start3A_302 : memref<640xi32, #tpu.memory_space<hbm>>) target(%arg13 : memref<640xi32, #tpu.memory_space<vmem>>) target_semaphore(%run_scoped3A : memref<!tpu.dma_semaphore, #tpu.memory_space<semaphore_mem>>)
      %dma_wait3A_303 = tpu.memref_slice %arg2[%mul3A_2] : memref<20480xi32, #tpu.memory_space<hbm>> -> memref<640xi32, #tpu.memory_space<hbm>>
      %dma_wait3A_304 = tpu.memref_slice %arg2[%mul3A_2] : memref<20480xi32, #tpu.memory_space<hbm>> -> memref<640xi32, #tpu.memory_space<hbm>>
      tpu.wait_dma2 semaphore(%run_scoped3A : memref<!tpu.dma_semaphore, #tpu.memory_space<semaphore_mem>>) src(%dma_wait3A_304 : memref<640xi32, #tpu.memory_space<hbm>>) dst(%arg13 : memref<640xi32, #tpu.memory_space<vmem>>)
      tpu.yield
    }) : () -> ()
    %dma_start3A = arith.constant 0 : i32
    %dma_start3A_3 = tpu.memref_slice %arg14[%dma_start3A] : memref<640xf32, #tpu.memory_space<vmem>> -> memref<128xf32, #tpu.memory_space<vmem>>
    %dma_start3A_4 = arith.constant 0 : i32
    %dma_start3A_5 = tpu.memref_slice %arg13[%dma_start3A_4] : memref<640xi32, #tpu.memory_space<vmem>> -> memref<128xi32, #tpu.memory_space<vmem>>
    %dma_start3A_6 = arith.constant 0 : i32
    %dma_start3A_7 = tpu.memref_slice %arg3[%dma_start3A_6] : memref<20000xf32, #tpu.memory_space<hbm>> -> memref<20000xf32, #tpu.memory_space<hbm>>
    tpu.enqueue_indirect_dma source(%dma_start3A_7 : memref<20000xf32, #tpu.memory_space<hbm>>) target(%dma_start3A_3 : memref<128xf32, #tpu.memory_space<vmem>>) offsets(%dma_start3A_5 : memref<128xi32, #tpu.memory_space<vmem>>) semaphore(%arg19 : memref<!tpu.dma_semaphore, #tpu.memory_space<semaphore_mem>>)
    %dma_start3A_8 = arith.constant 128 : i32
    %dma_start3A_9 = tpu.memref_slice %arg14[%dma_start3A_8] : memref<640xf32, #tpu.memory_space<vmem>> -> memref<128xf32, #tpu.memory_space<vmem>>
    %dma_start3A_10 = arith.constant 128 : i32
    %dma_start3A_11 = tpu.memref_slice %arg13[%dma_start3A_10] : memref<640xi32, #tpu.memory_space<vmem>> -> memref<128xi32, #tpu.memory_space<vmem>>
    %dma_start3A_12 = arith.constant 0 : i32
    %dma_start3A_13 = tpu.memref_slice %arg3[%dma_start3A_12] : memref<20000xf32, #tpu.memory_space<hbm>> -> memref<20000xf32, #tpu.memory_space<hbm>>
    tpu.enqueue_indirect_dma source(%dma_start3A_13 : memref<20000xf32, #tpu.memory_space<hbm>>) target(%dma_start3A_9 : memref<128xf32, #tpu.memory_space<vmem>>) offsets(%dma_start3A_11 : memref<128xi32, #tpu.memory_space<vmem>>) semaphore(%arg19 : memref<!tpu.dma_semaphore, #tpu.memory_space<semaphore_mem>>)
    %dma_start3A_14 = arith.constant 256 : i32
    %dma_start3A_15 = tpu.memref_slice %arg14[%dma_start3A_14] : memref<640xf32, #tpu.memory_space<vmem>> -> memref<128xf32, #tpu.memory_space<vmem>>
    %dma_start3A_16 = arith.constant 256 : i32
    %dma_start3A_17 = tpu.memref_slice %arg13[%dma_start3A_16] : memref<640xi32, #tpu.memory_space<vmem>> -> memref<128xi32, #tpu.memory_space<vmem>>
    %dma_start3A_18 = arith.constant 0 : i32
    %dma_start3A_19 = tpu.memref_slice %arg3[%dma_start3A_18] : memref<20000xf32, #tpu.memory_space<hbm>> -> memref<20000xf32, #tpu.memory_space<hbm>>
    tpu.enqueue_indirect_dma source(%dma_start3A_19 : memref<20000xf32, #tpu.memory_space<hbm>>) target(%dma_start3A_15 : memref<128xf32, #tpu.memory_space<vmem>>) offsets(%dma_start3A_17 : memref<128xi32, #tpu.memory_space<vmem>>) semaphore(%arg19 : memref<!tpu.dma_semaphore, #tpu.memory_space<semaphore_mem>>)
    %dma_start3A_20 = arith.constant 384 : i32
    %dma_start3A_21 = tpu.memref_slice %arg14[%dma_start3A_20] : memref<640xf32, #tpu.memory_space<vmem>> -> memref<128xf32, #tpu.memory_space<vmem>>
    %dma_start3A_22 = arith.constant 384 : i32
    %dma_start3A_23 = tpu.memref_slice %arg13[%dma_start3A_22] : memref<640xi32, #tpu.memory_space<vmem>> -> memref<128xi32, #tpu.memory_space<vmem>>
    %dma_start3A_24 = arith.constant 0 : i32
    %dma_start3A_25 = tpu.memref_slice %arg3[%dma_start3A_24] : memref<20000xf32, #tpu.memory_space<hbm>> -> memref<20000xf32, #tpu.memory_space<hbm>>
    tpu.enqueue_indirect_dma source(%dma_start3A_25 : memref<20000xf32, #tpu.memory_space<hbm>>) target(%dma_start3A_21 : memref<128xf32, #tpu.memory_space<vmem>>) offsets(%dma_start3A_23 : memref<128xi32, #tpu.memory_space<vmem>>) semaphore(%arg19 : memref<!tpu.dma_semaphore, #tpu.memory_space<semaphore_mem>>)
    %dma_start3A_26 = arith.constant 512 : i32
    %dma_start3A_27 = tpu.memref_slice %arg14[%dma_start3A_26] : memref<640xf32, #tpu.memory_space<vmem>> -> memref<128xf32, #tpu.memory_space<vmem>>
    %dma_start3A_28 = arith.constant 512 : i32
    %dma_start3A_29 = tpu.memref_slice %arg13[%dma_start3A_28] : memref<640xi32, #tpu.memory_space<vmem>> -> memref<128xi32, #tpu.memory_space<vmem>>
    %dma_start3A_30 = arith.constant 0 : i32
    %dma_start3A_31 = tpu.memref_slice %arg3[%dma_start3A_30] : memref<20000xf32, #tpu.memory_space<hbm>> -> memref<20000xf32, #tpu.memory_space<hbm>>
    tpu.enqueue_indirect_dma source(%dma_start3A_31 : memref<20000xf32, #tpu.memory_space<hbm>>) target(%dma_start3A_27 : memref<128xf32, #tpu.memory_space<vmem>>) offsets(%dma_start3A_29 : memref<128xi32, #tpu.memory_space<vmem>>) semaphore(%arg19 : memref<!tpu.dma_semaphore, #tpu.memory_space<semaphore_mem>>)
    %dma_start3A_32 = arith.constant 0 : i32
    %dma_start3A_33 = tpu.memref_slice %arg15[%dma_start3A_32] : memref<640xf32, #tpu.memory_space<vmem>> -> memref<128xf32, #tpu.memory_space<vmem>>
    %dma_start3A_34 = arith.constant 0 : i32
    %dma_start3A_35 = tpu.memref_slice %arg13[%dma_start3A_34] : memref<640xi32, #tpu.memory_space<vmem>> -> memref<128xi32, #tpu.memory_space<vmem>>
    %dma_start3A_36 = arith.constant 0 : i32
    %dma_start3A_37 = tpu.memref_slice %arg4[%dma_start3A_36] : memref<20000xf32, #tpu.memory_space<hbm>> -> memref<20000xf32, #tpu.memory_space<hbm>>
    tpu.enqueue_indirect_dma source(%dma_start3A_37 : memref<20000xf32, #tpu.memory_space<hbm>>) target(%dma_start3A_33 : memref<128xf32, #tpu.memory_space<vmem>>) offsets(%dma_start3A_35 : memref<128xi32, #tpu.memory_space<vmem>>) semaphore(%arg19 : memref<!tpu.dma_semaphore, #tpu.memory_space<semaphore_mem>>)
    %dma_start3A_38 = arith.constant 128 : i32
    %dma_start3A_39 = tpu.memref_slice %arg15[%dma_start3A_38] : memref<640xf32, #tpu.memory_space<vmem>> -> memref<128xf32, #tpu.memory_space<vmem>>
    %dma_start3A_40 = arith.constant 128 : i32
    %dma_start3A_41 = tpu.memref_slice %arg13[%dma_start3A_40] : memref<640xi32, #tpu.memory_space<vmem>> -> memref<128xi32, #tpu.memory_space<vmem>>
    %dma_start3A_42 = arith.constant 0 : i32
    %dma_start3A_43 = tpu.memref_slice %arg4[%dma_start3A_42] : memref<20000xf32, #tpu.memory_space<hbm>> -> memref<20000xf32, #tpu.memory_space<hbm>>
    tpu.enqueue_indirect_dma source(%dma_start3A_43 : memref<20000xf32, #tpu.memory_space<hbm>>) target(%dma_start3A_39 : memref<128xf32, #tpu.memory_space<vmem>>) offsets(%dma_start3A_41 : memref<128xi32, #tpu.memory_space<vmem>>) semaphore(%arg19 : memref<!tpu.dma_semaphore, #tpu.memory_space<semaphore_mem>>)
    %dma_start3A_44 = arith.constant 256 : i32
    %dma_start3A_45 = tpu.memref_slice %arg15[%dma_start3A_44] : memref<640xf32, #tpu.memory_space<vmem>> -> memref<128xf32, #tpu.memory_space<vmem>>
    %dma_start3A_46 = arith.constant 256 : i32
    %dma_start3A_47 = tpu.memref_slice %arg13[%dma_start3A_46] : memref<640xi32, #tpu.memory_space<vmem>> -> memref<128xi32, #tpu.memory_space<vmem>>
    %dma_start3A_48 = arith.constant 0 : i32
    %dma_start3A_49 = tpu.memref_slice %arg4[%dma_start3A_48] : memref<20000xf32, #tpu.memory_space<hbm>> -> memref<20000xf32, #tpu.memory_space<hbm>>
    tpu.enqueue_indirect_dma source(%dma_start3A_49 : memref<20000xf32, #tpu.memory_space<hbm>>) target(%dma_start3A_45 : memref<128xf32, #tpu.memory_space<vmem>>) offsets(%dma_start3A_47 : memref<128xi32, #tpu.memory_space<vmem>>) semaphore(%arg19 : memref<!tpu.dma_semaphore, #tpu.memory_space<semaphore_mem>>)
    %dma_start3A_50 = arith.constant 384 : i32
    %dma_start3A_51 = tpu.memref_slice %arg15[%dma_start3A_50] : memref<640xf32, #tpu.memory_space<vmem>> -> memref<128xf32, #tpu.memory_space<vmem>>
    %dma_start3A_52 = arith.constant 384 : i32
    %dma_start3A_53 = tpu.memref_slice %arg13[%dma_start3A_52] : memref<640xi32, #tpu.memory_space<vmem>> -> memref<128xi32, #tpu.memory_space<vmem>>
    %dma_start3A_54 = arith.constant 0 : i32
    %dma_start3A_55 = tpu.memref_slice %arg4[%dma_start3A_54] : memref<20000xf32, #tpu.memory_space<hbm>> -> memref<20000xf32, #tpu.memory_space<hbm>>
    tpu.enqueue_indirect_dma source(%dma_start3A_55 : memref<20000xf32, #tpu.memory_space<hbm>>) target(%dma_start3A_51 : memref<128xf32, #tpu.memory_space<vmem>>) offsets(%dma_start3A_53 : memref<128xi32, #tpu.memory_space<vmem>>) semaphore(%arg19 : memref<!tpu.dma_semaphore, #tpu.memory_space<semaphore_mem>>)
    %dma_start3A_56 = arith.constant 512 : i32
    %dma_start3A_57 = tpu.memref_slice %arg15[%dma_start3A_56] : memref<640xf32, #tpu.memory_space<vmem>> -> memref<128xf32, #tpu.memory_space<vmem>>
    %dma_start3A_58 = arith.constant 512 : i32
    %dma_start3A_59 = tpu.memref_slice %arg13[%dma_start3A_58] : memref<640xi32, #tpu.memory_space<vmem>> -> memref<128xi32, #tpu.memory_space<vmem>>
    %dma_start3A_60 = arith.constant 0 : i32
    %dma_start3A_61 = tpu.memref_slice %arg4[%dma_start3A_60] : memref<20000xf32, #tpu.memory_space<hbm>> -> memref<20000xf32, #tpu.memory_space<hbm>>
    tpu.enqueue_indirect_dma source(%dma_start3A_61 : memref<20000xf32, #tpu.memory_space<hbm>>) target(%dma_start3A_57 : memref<128xf32, #tpu.memory_space<vmem>>) offsets(%dma_start3A_59 : memref<128xi32, #tpu.memory_space<vmem>>) semaphore(%arg19 : memref<!tpu.dma_semaphore, #tpu.memory_space<semaphore_mem>>)
    %dma_start3A_62 = arith.constant 0 : i32
    %dma_start3A_63 = tpu.memref_slice %arg16[%dma_start3A_62] : memref<640xf32, #tpu.memory_space<vmem>> -> memref<128xf32, #tpu.memory_space<vmem>>
    %dma_start3A_64 = arith.constant 0 : i32
    %dma_start3A_65 = tpu.memref_slice %arg13[%dma_start3A_64] : memref<640xi32, #tpu.memory_space<vmem>> -> memref<128xi32, #tpu.memory_space<vmem>>
    %dma_start3A_66 = arith.constant 0 : i32
    %dma_start3A_67 = tpu.memref_slice %arg5[%dma_start3A_66] : memref<20000xf32, #tpu.memory_space<hbm>> -> memref<20000xf32, #tpu.memory_space<hbm>>
    tpu.enqueue_indirect_dma source(%dma_start3A_67 : memref<20000xf32, #tpu.memory_space<hbm>>) target(%dma_start3A_63 : memref<128xf32, #tpu.memory_space<vmem>>) offsets(%dma_start3A_65 : memref<128xi32, #tpu.memory_space<vmem>>) semaphore(%arg19 : memref<!tpu.dma_semaphore, #tpu.memory_space<semaphore_mem>>)
    %dma_start3A_68 = arith.constant 128 : i32
    %dma_start3A_69 = tpu.memref_slice %arg16[%dma_start3A_68] : memref<640xf32, #tpu.memory_space<vmem>> -> memref<128xf32, #tpu.memory_space<vmem>>
    %dma_start3A_70 = arith.constant 128 : i32
    %dma_start3A_71 = tpu.memref_slice %arg13[%dma_start3A_70] : memref<640xi32, #tpu.memory_space<vmem>> -> memref<128xi32, #tpu.memory_space<vmem>>
    %dma_start3A_72 = arith.constant 0 : i32
    %dma_start3A_73 = tpu.memref_slice %arg5[%dma_start3A_72] : memref<20000xf32, #tpu.memory_space<hbm>> -> memref<20000xf32, #tpu.memory_space<hbm>>
    tpu.enqueue_indirect_dma source(%dma_start3A_73 : memref<20000xf32, #tpu.memory_space<hbm>>) target(%dma_start3A_69 : memref<128xf32, #tpu.memory_space<vmem>>) offsets(%dma_start3A_71 : memref<128xi32, #tpu.memory_space<vmem>>) semaphore(%arg19 : memref<!tpu.dma_semaphore, #tpu.memory_space<semaphore_mem>>)
    %dma_start3A_74 = arith.constant 256 : i32
    %dma_start3A_75 = tpu.memref_slice %arg16[%dma_start3A_74] : memref<640xf32, #tpu.memory_space<vmem>> -> memref<128xf32, #tpu.memory_space<vmem>>
    %dma_start3A_76 = arith.constant 256 : i32
    %dma_start3A_77 = tpu.memref_slice %arg13[%dma_start3A_76] : memref<640xi32, #tpu.memory_space<vmem>> -> memref<128xi32, #tpu.memory_space<vmem>>
    %dma_start3A_78 = arith.constant 0 : i32
    %dma_start3A_79 = tpu.memref_slice %arg5[%dma_start3A_78] : memref<20000xf32, #tpu.memory_space<hbm>> -> memref<20000xf32, #tpu.memory_space<hbm>>
    tpu.enqueue_indirect_dma source(%dma_start3A_79 : memref<20000xf32, #tpu.memory_space<hbm>>) target(%dma_start3A_75 : memref<128xf32, #tpu.memory_space<vmem>>) offsets(%dma_start3A_77 : memref<128xi32, #tpu.memory_space<vmem>>) semaphore(%arg19 : memref<!tpu.dma_semaphore, #tpu.memory_space<semaphore_mem>>)
    %dma_start3A_80 = arith.constant 384 : i32
    %dma_start3A_81 = tpu.memref_slice %arg16[%dma_start3A_80] : memref<640xf32, #tpu.memory_space<vmem>> -> memref<128xf32, #tpu.memory_space<vmem>>
    %dma_start3A_82 = arith.constant 384 : i32
    %dma_start3A_83 = tpu.memref_slice %arg13[%dma_start3A_82] : memref<640xi32, #tpu.memory_space<vmem>> -> memref<128xi32, #tpu.memory_space<vmem>>
    %dma_start3A_84 = arith.constant 0 : i32
    %dma_start3A_85 = tpu.memref_slice %arg5[%dma_start3A_84] : memref<20000xf32, #tpu.memory_space<hbm>> -> memref<20000xf32, #tpu.memory_space<hbm>>
    tpu.enqueue_indirect_dma source(%dma_start3A_85 : memref<20000xf32, #tpu.memory_space<hbm>>) target(%dma_start3A_81 : memref<128xf32, #tpu.memory_space<vmem>>) offsets(%dma_start3A_83 : memref<128xi32, #tpu.memory_space<vmem>>) semaphore(%arg19 : memref<!tpu.dma_semaphore, #tpu.memory_space<semaphore_mem>>)
    %dma_start3A_86 = arith.constant 512 : i32
    %dma_start3A_87 = tpu.memref_slice %arg16[%dma_start3A_86] : memref<640xf32, #tpu.memory_space<vmem>> -> memref<128xf32, #tpu.memory_space<vmem>>
    %dma_start3A_88 = arith.constant 512 : i32
    %dma_start3A_89 = tpu.memref_slice %arg13[%dma_start3A_88] : memref<640xi32, #tpu.memory_space<vmem>> -> memref<128xi32, #tpu.memory_space<vmem>>
    %dma_start3A_90 = arith.constant 0 : i32
    %dma_start3A_91 = tpu.memref_slice %arg5[%dma_start3A_90] : memref<20000xf32, #tpu.memory_space<hbm>> -> memref<20000xf32, #tpu.memory_space<hbm>>
    tpu.enqueue_indirect_dma source(%dma_start3A_91 : memref<20000xf32, #tpu.memory_space<hbm>>) target(%dma_start3A_87 : memref<128xf32, #tpu.memory_space<vmem>>) offsets(%dma_start3A_89 : memref<128xi32, #tpu.memory_space<vmem>>) semaphore(%arg19 : memref<!tpu.dma_semaphore, #tpu.memory_space<semaphore_mem>>)
    %dma_start3A_92 = arith.constant 0 : i32
    %dma_start3A_93 = tpu.memref_slice %arg17[%dma_start3A_92] : memref<640xf32, #tpu.memory_space<vmem>> -> memref<128xf32, #tpu.memory_space<vmem>>
    %dma_start3A_94 = arith.constant 0 : i32
    %dma_start3A_95 = tpu.memref_slice %arg13[%dma_start3A_94] : memref<640xi32, #tpu.memory_space<vmem>> -> memref<128xi32, #tpu.memory_space<vmem>>
    %dma_start3A_96 = arith.constant 0 : i32
    %dma_start3A_97 = tpu.memref_slice %arg6[%dma_start3A_96] : memref<20000xf32, #tpu.memory_space<hbm>> -> memref<20000xf32, #tpu.memory_space<hbm>>
    tpu.enqueue_indirect_dma source(%dma_start3A_97 : memref<20000xf32, #tpu.memory_space<hbm>>) target(%dma_start3A_93 : memref<128xf32, #tpu.memory_space<vmem>>) offsets(%dma_start3A_95 : memref<128xi32, #tpu.memory_space<vmem>>) semaphore(%arg19 : memref<!tpu.dma_semaphore, #tpu.memory_space<semaphore_mem>>)
    %dma_start3A_98 = arith.constant 128 : i32
    %dma_start3A_99 = tpu.memref_slice %arg17[%dma_start3A_98] : memref<640xf32, #tpu.memory_space<vmem>> -> memref<128xf32, #tpu.memory_space<vmem>>
    %dma_start3A_100 = arith.constant 128 : i32
    %dma_start3A_101 = tpu.memref_slice %arg13[%dma_start3A_100] : memref<640xi32, #tpu.memory_space<vmem>> -> memref<128xi32, #tpu.memory_space<vmem>>
    %dma_start3A_102 = arith.constant 0 : i32
    %dma_start3A_103 = tpu.memref_slice %arg6[%dma_start3A_102] : memref<20000xf32, #tpu.memory_space<hbm>> -> memref<20000xf32, #tpu.memory_space<hbm>>
    tpu.enqueue_indirect_dma source(%dma_start3A_103 : memref<20000xf32, #tpu.memory_space<hbm>>) target(%dma_start3A_99 : memref<128xf32, #tpu.memory_space<vmem>>) offsets(%dma_start3A_101 : memref<128xi32, #tpu.memory_space<vmem>>) semaphore(%arg19 : memref<!tpu.dma_semaphore, #tpu.memory_space<semaphore_mem>>)
    %dma_start3A_104 = arith.constant 256 : i32
    %dma_start3A_105 = tpu.memref_slice %arg17[%dma_start3A_104] : memref<640xf32, #tpu.memory_space<vmem>> -> memref<128xf32, #tpu.memory_space<vmem>>
    %dma_start3A_106 = arith.constant 256 : i32
    %dma_start3A_107 = tpu.memref_slice %arg13[%dma_start3A_106] : memref<640xi32, #tpu.memory_space<vmem>> -> memref<128xi32, #tpu.memory_space<vmem>>
    %dma_start3A_108 = arith.constant 0 : i32
    %dma_start3A_109 = tpu.memref_slice %arg6[%dma_start3A_108] : memref<20000xf32, #tpu.memory_space<hbm>> -> memref<20000xf32, #tpu.memory_space<hbm>>
    tpu.enqueue_indirect_dma source(%dma_start3A_109 : memref<20000xf32, #tpu.memory_space<hbm>>) target(%dma_start3A_105 : memref<128xf32, #tpu.memory_space<vmem>>) offsets(%dma_start3A_107 : memref<128xi32, #tpu.memory_space<vmem>>) semaphore(%arg19 : memref<!tpu.dma_semaphore, #tpu.memory_space<semaphore_mem>>)
    %dma_start3A_110 = arith.constant 384 : i32
    %dma_start3A_111 = tpu.memref_slice %arg17[%dma_start3A_110] : memref<640xf32, #tpu.memory_space<vmem>> -> memref<128xf32, #tpu.memory_space<vmem>>
    %dma_start3A_112 = arith.constant 384 : i32
    %dma_start3A_113 = tpu.memref_slice %arg13[%dma_start3A_112] : memref<640xi32, #tpu.memory_space<vmem>> -> memref<128xi32, #tpu.memory_space<vmem>>
    %dma_start3A_114 = arith.constant 0 : i32
    %dma_start3A_115 = tpu.memref_slice %arg6[%dma_start3A_114] : memref<20000xf32, #tpu.memory_space<hbm>> -> memref<20000xf32, #tpu.memory_space<hbm>>
    tpu.enqueue_indirect_dma source(%dma_start3A_115 : memref<20000xf32, #tpu.memory_space<hbm>>) target(%dma_start3A_111 : memref<128xf32, #tpu.memory_space<vmem>>) offsets(%dma_start3A_113 : memref<128xi32, #tpu.memory_space<vmem>>) semaphore(%arg19 : memref<!tpu.dma_semaphore, #tpu.memory_space<semaphore_mem>>)
    %dma_start3A_116 = arith.constant 512 : i32
    %dma_start3A_117 = tpu.memref_slice %arg17[%dma_start3A_116] : memref<640xf32, #tpu.memory_space<vmem>> -> memref<128xf32, #tpu.memory_space<vmem>>
    %dma_start3A_118 = arith.constant 512 : i32
    %dma_start3A_119 = tpu.memref_slice %arg13[%dma_start3A_118] : memref<640xi32, #tpu.memory_space<vmem>> -> memref<128xi32, #tpu.memory_space<vmem>>
    %dma_start3A_120 = arith.constant 0 : i32
    %dma_start3A_121 = tpu.memref_slice %arg6[%dma_start3A_120] : memref<20000xf32, #tpu.memory_space<hbm>> -> memref<20000xf32, #tpu.memory_space<hbm>>
    tpu.enqueue_indirect_dma source(%dma_start3A_121 : memref<20000xf32, #tpu.memory_space<hbm>>) target(%dma_start3A_117 : memref<128xf32, #tpu.memory_space<vmem>>) offsets(%dma_start3A_119 : memref<128xi32, #tpu.memory_space<vmem>>) semaphore(%arg19 : memref<!tpu.dma_semaphore, #tpu.memory_space<semaphore_mem>>)
    %dma_start3A_122 = arith.constant 0 : i32
    %dma_start3A_123 = tpu.memref_slice %arg18[%dma_start3A_122] : memref<640xf32, #tpu.memory_space<vmem>> -> memref<128xf32, #tpu.memory_space<vmem>>
    %dma_start3A_124 = arith.constant 0 : i32
    %dma_start3A_125 = tpu.memref_slice %arg13[%dma_start3A_124] : memref<640xi32, #tpu.memory_space<vmem>> -> memref<128xi32, #tpu.memory_space<vmem>>
    %dma_start3A_126 = arith.constant 0 : i32
    %dma_start3A_127 = tpu.memref_slice %arg7[%dma_start3A_126] : memref<20000xf32, #tpu.memory_space<hbm>> -> memref<20000xf32, #tpu.memory_space<hbm>>
    tpu.enqueue_indirect_dma source(%dma_start3A_127 : memref<20000xf32, #tpu.memory_space<hbm>>) target(%dma_start3A_123 : memref<128xf32, #tpu.memory_space<vmem>>) offsets(%dma_start3A_125 : memref<128xi32, #tpu.memory_space<vmem>>) semaphore(%arg19 : memref<!tpu.dma_semaphore, #tpu.memory_space<semaphore_mem>>)
    %dma_start3A_128 = arith.constant 128 : i32
    %dma_start3A_129 = tpu.memref_slice %arg18[%dma_start3A_128] : memref<640xf32, #tpu.memory_space<vmem>> -> memref<128xf32, #tpu.memory_space<vmem>>
    %dma_start3A_130 = arith.constant 128 : i32
    %dma_start3A_131 = tpu.memref_slice %arg13[%dma_start3A_130] : memref<640xi32, #tpu.memory_space<vmem>> -> memref<128xi32, #tpu.memory_space<vmem>>
    %dma_start3A_132 = arith.constant 0 : i32
    %dma_start3A_133 = tpu.memref_slice %arg7[%dma_start3A_132] : memref<20000xf32, #tpu.memory_space<hbm>> -> memref<20000xf32, #tpu.memory_space<hbm>>
    tpu.enqueue_indirect_dma source(%dma_start3A_133 : memref<20000xf32, #tpu.memory_space<hbm>>) target(%dma_start3A_129 : memref<128xf32, #tpu.memory_space<vmem>>) offsets(%dma_start3A_131 : memref<128xi32, #tpu.memory_space<vmem>>) semaphore(%arg19 : memref<!tpu.dma_semaphore, #tpu.memory_space<semaphore_mem>>)
    %dma_start3A_134 = arith.constant 256 : i32
    %dma_start3A_135 = tpu.memref_slice %arg18[%dma_start3A_134] : memref<640xf32, #tpu.memory_space<vmem>> -> memref<128xf32, #tpu.memory_space<vmem>>
    %dma_start3A_136 = arith.constant 256 : i32
    %dma_start3A_137 = tpu.memref_slice %arg13[%dma_start3A_136] : memref<640xi32, #tpu.memory_space<vmem>> -> memref<128xi32, #tpu.memory_space<vmem>>
    %dma_start3A_138 = arith.constant 0 : i32
    %dma_start3A_139 = tpu.memref_slice %arg7[%dma_start3A_138] : memref<20000xf32, #tpu.memory_space<hbm>> -> memref<20000xf32, #tpu.memory_space<hbm>>
    tpu.enqueue_indirect_dma source(%dma_start3A_139 : memref<20000xf32, #tpu.memory_space<hbm>>) target(%dma_start3A_135 : memref<128xf32, #tpu.memory_space<vmem>>) offsets(%dma_start3A_137 : memref<128xi32, #tpu.memory_space<vmem>>) semaphore(%arg19 : memref<!tpu.dma_semaphore, #tpu.memory_space<semaphore_mem>>)
    %dma_start3A_140 = arith.constant 384 : i32
    %dma_start3A_141 = tpu.memref_slice %arg18[%dma_start3A_140] : memref<640xf32, #tpu.memory_space<vmem>> -> memref<128xf32, #tpu.memory_space<vmem>>
    %dma_start3A_142 = arith.constant 384 : i32
    %dma_start3A_143 = tpu.memref_slice %arg13[%dma_start3A_142] : memref<640xi32, #tpu.memory_space<vmem>> -> memref<128xi32, #tpu.memory_space<vmem>>
    %dma_start3A_144 = arith.constant 0 : i32
    %dma_start3A_145 = tpu.memref_slice %arg7[%dma_start3A_144] : memref<20000xf32, #tpu.memory_space<hbm>> -> memref<20000xf32, #tpu.memory_space<hbm>>
    tpu.enqueue_indirect_dma source(%dma_start3A_145 : memref<20000xf32, #tpu.memory_space<hbm>>) target(%dma_start3A_141 : memref<128xf32, #tpu.memory_space<vmem>>) offsets(%dma_start3A_143 : memref<128xi32, #tpu.memory_space<vmem>>) semaphore(%arg19 : memref<!tpu.dma_semaphore, #tpu.memory_space<semaphore_mem>>)
    %dma_start3A_146 = arith.constant 512 : i32
    %dma_start3A_147 = tpu.memref_slice %arg18[%dma_start3A_146] : memref<640xf32, #tpu.memory_space<vmem>> -> memref<128xf32, #tpu.memory_space<vmem>>
    %dma_start3A_148 = arith.constant 512 : i32
    %dma_start3A_149 = tpu.memref_slice %arg13[%dma_start3A_148] : memref<640xi32, #tpu.memory_space<vmem>> -> memref<128xi32, #tpu.memory_space<vmem>>
    %dma_start3A_150 = arith.constant 0 : i32
    %dma_start3A_151 = tpu.memref_slice %arg7[%dma_start3A_150] : memref<20000xf32, #tpu.memory_space<hbm>> -> memref<20000xf32, #tpu.memory_space<hbm>>
    tpu.enqueue_indirect_dma source(%dma_start3A_151 : memref<20000xf32, #tpu.memory_space<hbm>>) target(%dma_start3A_147 : memref<128xf32, #tpu.memory_space<vmem>>) offsets(%dma_start3A_149 : memref<128xi32, #tpu.memory_space<vmem>>) semaphore(%arg19 : memref<!tpu.dma_semaphore, #tpu.memory_space<semaphore_mem>>)
    %dma_wait3A = arith.constant 0 : i32
    %dma_wait3A_152 = tpu.memref_slice %arg14[%dma_wait3A] : memref<640xf32, #tpu.memory_space<vmem>> -> memref<128xf32, #tpu.memory_space<vmem>>
    %dma_wait3A_153 = arith.constant 0 : i32
    %dma_wait3A_154 = tpu.memref_slice %arg13[%dma_wait3A_153] : memref<640xi32, #tpu.memory_space<vmem>> -> memref<128xi32, #tpu.memory_space<vmem>>
    %dma_wait3A_155 = arith.constant 0 : i32
    %dma_wait3A_156 = tpu.memref_slice %arg3[%dma_wait3A_155] : memref<20000xf32, #tpu.memory_space<hbm>> -> memref<20000xf32, #tpu.memory_space<hbm>>
    tpu.wait_indirect_dma semaphore(%arg19 : memref<!tpu.dma_semaphore, #tpu.memory_space<semaphore_mem>>) src(%dma_wait3A_156 : memref<20000xf32, #tpu.memory_space<hbm>>) dst(%dma_wait3A_152 : memref<128xf32, #tpu.memory_space<vmem>>)
    %dma_wait3A_157 = arith.constant 128 : i32
    %dma_wait3A_158 = tpu.memref_slice %arg14[%dma_wait3A_157] : memref<640xf32, #tpu.memory_space<vmem>> -> memref<128xf32, #tpu.memory_space<vmem>>
    %dma_wait3A_159 = arith.constant 128 : i32
    %dma_wait3A_160 = tpu.memref_slice %arg13[%dma_wait3A_159] : memref<640xi32, #tpu.memory_space<vmem>> -> memref<128xi32, #tpu.memory_space<vmem>>
    %dma_wait3A_161 = arith.constant 0 : i32
    %dma_wait3A_162 = tpu.memref_slice %arg3[%dma_wait3A_161] : memref<20000xf32, #tpu.memory_space<hbm>> -> memref<20000xf32, #tpu.memory_space<hbm>>
    tpu.wait_indirect_dma semaphore(%arg19 : memref<!tpu.dma_semaphore, #tpu.memory_space<semaphore_mem>>) src(%dma_wait3A_162 : memref<20000xf32, #tpu.memory_space<hbm>>) dst(%dma_wait3A_158 : memref<128xf32, #tpu.memory_space<vmem>>)
    %dma_wait3A_163 = arith.constant 256 : i32
    %dma_wait3A_164 = tpu.memref_slice %arg14[%dma_wait3A_163] : memref<640xf32, #tpu.memory_space<vmem>> -> memref<128xf32, #tpu.memory_space<vmem>>
    %dma_wait3A_165 = arith.constant 256 : i32
    %dma_wait3A_166 = tpu.memref_slice %arg13[%dma_wait3A_165] : memref<640xi32, #tpu.memory_space<vmem>> -> memref<128xi32, #tpu.memory_space<vmem>>
    %dma_wait3A_167 = arith.constant 0 : i32
    %dma_wait3A_168 = tpu.memref_slice %arg3[%dma_wait3A_167] : memref<20000xf32, #tpu.memory_space<hbm>> -> memref<20000xf32, #tpu.memory_space<hbm>>
    tpu.wait_indirect_dma semaphore(%arg19 : memref<!tpu.dma_semaphore, #tpu.memory_space<semaphore_mem>>) src(%dma_wait3A_168 : memref<20000xf32, #tpu.memory_space<hbm>>) dst(%dma_wait3A_164 : memref<128xf32, #tpu.memory_space<vmem>>)
    %dma_wait3A_169 = arith.constant 384 : i32
    %dma_wait3A_170 = tpu.memref_slice %arg14[%dma_wait3A_169] : memref<640xf32, #tpu.memory_space<vmem>> -> memref<128xf32, #tpu.memory_space<vmem>>
    %dma_wait3A_171 = arith.constant 384 : i32
    %dma_wait3A_172 = tpu.memref_slice %arg13[%dma_wait3A_171] : memref<640xi32, #tpu.memory_space<vmem>> -> memref<128xi32, #tpu.memory_space<vmem>>
    %dma_wait3A_173 = arith.constant 0 : i32
    %dma_wait3A_174 = tpu.memref_slice %arg3[%dma_wait3A_173] : memref<20000xf32, #tpu.memory_space<hbm>> -> memref<20000xf32, #tpu.memory_space<hbm>>
    tpu.wait_indirect_dma semaphore(%arg19 : memref<!tpu.dma_semaphore, #tpu.memory_space<semaphore_mem>>) src(%dma_wait3A_174 : memref<20000xf32, #tpu.memory_space<hbm>>) dst(%dma_wait3A_170 : memref<128xf32, #tpu.memory_space<vmem>>)
    %dma_wait3A_175 = arith.constant 512 : i32
    %dma_wait3A_176 = tpu.memref_slice %arg14[%dma_wait3A_175] : memref<640xf32, #tpu.memory_space<vmem>> -> memref<128xf32, #tpu.memory_space<vmem>>
    %dma_wait3A_177 = arith.constant 512 : i32
    %dma_wait3A_178 = tpu.memref_slice %arg13[%dma_wait3A_177] : memref<640xi32, #tpu.memory_space<vmem>> -> memref<128xi32, #tpu.memory_space<vmem>>
    %dma_wait3A_179 = arith.constant 0 : i32
    %dma_wait3A_180 = tpu.memref_slice %arg3[%dma_wait3A_179] : memref<20000xf32, #tpu.memory_space<hbm>> -> memref<20000xf32, #tpu.memory_space<hbm>>
    tpu.wait_indirect_dma semaphore(%arg19 : memref<!tpu.dma_semaphore, #tpu.memory_space<semaphore_mem>>) src(%dma_wait3A_180 : memref<20000xf32, #tpu.memory_space<hbm>>) dst(%dma_wait3A_176 : memref<128xf32, #tpu.memory_space<vmem>>)
    %dma_wait3A_181 = arith.constant 0 : i32
    %dma_wait3A_182 = tpu.memref_slice %arg15[%dma_wait3A_181] : memref<640xf32, #tpu.memory_space<vmem>> -> memref<128xf32, #tpu.memory_space<vmem>>
    %dma_wait3A_183 = arith.constant 0 : i32
    %dma_wait3A_184 = tpu.memref_slice %arg13[%dma_wait3A_183] : memref<640xi32, #tpu.memory_space<vmem>> -> memref<128xi32, #tpu.memory_space<vmem>>
    %dma_wait3A_185 = arith.constant 0 : i32
    %dma_wait3A_186 = tpu.memref_slice %arg4[%dma_wait3A_185] : memref<20000xf32, #tpu.memory_space<hbm>> -> memref<20000xf32, #tpu.memory_space<hbm>>
    tpu.wait_indirect_dma semaphore(%arg19 : memref<!tpu.dma_semaphore, #tpu.memory_space<semaphore_mem>>) src(%dma_wait3A_186 : memref<20000xf32, #tpu.memory_space<hbm>>) dst(%dma_wait3A_182 : memref<128xf32, #tpu.memory_space<vmem>>)
    %dma_wait3A_187 = arith.constant 128 : i32
    %dma_wait3A_188 = tpu.memref_slice %arg15[%dma_wait3A_187] : memref<640xf32, #tpu.memory_space<vmem>> -> memref<128xf32, #tpu.memory_space<vmem>>
    %dma_wait3A_189 = arith.constant 128 : i32
    %dma_wait3A_190 = tpu.memref_slice %arg13[%dma_wait3A_189] : memref<640xi32, #tpu.memory_space<vmem>> -> memref<128xi32, #tpu.memory_space<vmem>>
    %dma_wait3A_191 = arith.constant 0 : i32
    %dma_wait3A_192 = tpu.memref_slice %arg4[%dma_wait3A_191] : memref<20000xf32, #tpu.memory_space<hbm>> -> memref<20000xf32, #tpu.memory_space<hbm>>
    tpu.wait_indirect_dma semaphore(%arg19 : memref<!tpu.dma_semaphore, #tpu.memory_space<semaphore_mem>>) src(%dma_wait3A_192 : memref<20000xf32, #tpu.memory_space<hbm>>) dst(%dma_wait3A_188 : memref<128xf32, #tpu.memory_space<vmem>>)
    %dma_wait3A_193 = arith.constant 256 : i32
    %dma_wait3A_194 = tpu.memref_slice %arg15[%dma_wait3A_193] : memref<640xf32, #tpu.memory_space<vmem>> -> memref<128xf32, #tpu.memory_space<vmem>>
    %dma_wait3A_195 = arith.constant 256 : i32
    %dma_wait3A_196 = tpu.memref_slice %arg13[%dma_wait3A_195] : memref<640xi32, #tpu.memory_space<vmem>> -> memref<128xi32, #tpu.memory_space<vmem>>
    %dma_wait3A_197 = arith.constant 0 : i32
    %dma_wait3A_198 = tpu.memref_slice %arg4[%dma_wait3A_197] : memref<20000xf32, #tpu.memory_space<hbm>> -> memref<20000xf32, #tpu.memory_space<hbm>>
    tpu.wait_indirect_dma semaphore(%arg19 : memref<!tpu.dma_semaphore, #tpu.memory_space<semaphore_mem>>) src(%dma_wait3A_198 : memref<20000xf32, #tpu.memory_space<hbm>>) dst(%dma_wait3A_194 : memref<128xf32, #tpu.memory_space<vmem>>)
    %dma_wait3A_199 = arith.constant 384 : i32
    %dma_wait3A_200 = tpu.memref_slice %arg15[%dma_wait3A_199] : memref<640xf32, #tpu.memory_space<vmem>> -> memref<128xf32, #tpu.memory_space<vmem>>
    %dma_wait3A_201 = arith.constant 384 : i32
    %dma_wait3A_202 = tpu.memref_slice %arg13[%dma_wait3A_201] : memref<640xi32, #tpu.memory_space<vmem>> -> memref<128xi32, #tpu.memory_space<vmem>>
    %dma_wait3A_203 = arith.constant 0 : i32
    %dma_wait3A_204 = tpu.memref_slice %arg4[%dma_wait3A_203] : memref<20000xf32, #tpu.memory_space<hbm>> -> memref<20000xf32, #tpu.memory_space<hbm>>
    tpu.wait_indirect_dma semaphore(%arg19 : memref<!tpu.dma_semaphore, #tpu.memory_space<semaphore_mem>>) src(%dma_wait3A_204 : memref<20000xf32, #tpu.memory_space<hbm>>) dst(%dma_wait3A_200 : memref<128xf32, #tpu.memory_space<vmem>>)
    %dma_wait3A_205 = arith.constant 512 : i32
    %dma_wait3A_206 = tpu.memref_slice %arg15[%dma_wait3A_205] : memref<640xf32, #tpu.memory_space<vmem>> -> memref<128xf32, #tpu.memory_space<vmem>>
    %dma_wait3A_207 = arith.constant 512 : i32
    %dma_wait3A_208 = tpu.memref_slice %arg13[%dma_wait3A_207] : memref<640xi32, #tpu.memory_space<vmem>> -> memref<128xi32, #tpu.memory_space<vmem>>
    %dma_wait3A_209 = arith.constant 0 : i32
    %dma_wait3A_210 = tpu.memref_slice %arg4[%dma_wait3A_209] : memref<20000xf32, #tpu.memory_space<hbm>> -> memref<20000xf32, #tpu.memory_space<hbm>>
    tpu.wait_indirect_dma semaphore(%arg19 : memref<!tpu.dma_semaphore, #tpu.memory_space<semaphore_mem>>) src(%dma_wait3A_210 : memref<20000xf32, #tpu.memory_space<hbm>>) dst(%dma_wait3A_206 : memref<128xf32, #tpu.memory_space<vmem>>)
    %dma_wait3A_211 = arith.constant 0 : i32
    %dma_wait3A_212 = tpu.memref_slice %arg16[%dma_wait3A_211] : memref<640xf32, #tpu.memory_space<vmem>> -> memref<128xf32, #tpu.memory_space<vmem>>
    %dma_wait3A_213 = arith.constant 0 : i32
    %dma_wait3A_214 = tpu.memref_slice %arg13[%dma_wait3A_213] : memref<640xi32, #tpu.memory_space<vmem>> -> memref<128xi32, #tpu.memory_space<vmem>>
    %dma_wait3A_215 = arith.constant 0 : i32
    %dma_wait3A_216 = tpu.memref_slice %arg5[%dma_wait3A_215] : memref<20000xf32, #tpu.memory_space<hbm>> -> memref<20000xf32, #tpu.memory_space<hbm>>
    tpu.wait_indirect_dma semaphore(%arg19 : memref<!tpu.dma_semaphore, #tpu.memory_space<semaphore_mem>>) src(%dma_wait3A_216 : memref<20000xf32, #tpu.memory_space<hbm>>) dst(%dma_wait3A_212 : memref<128xf32, #tpu.memory_space<vmem>>)
    %dma_wait3A_217 = arith.constant 128 : i32
    %dma_wait3A_218 = tpu.memref_slice %arg16[%dma_wait3A_217] : memref<640xf32, #tpu.memory_space<vmem>> -> memref<128xf32, #tpu.memory_space<vmem>>
    %dma_wait3A_219 = arith.constant 128 : i32
    %dma_wait3A_220 = tpu.memref_slice %arg13[%dma_wait3A_219] : memref<640xi32, #tpu.memory_space<vmem>> -> memref<128xi32, #tpu.memory_space<vmem>>
    %dma_wait3A_221 = arith.constant 0 : i32
    %dma_wait3A_222 = tpu.memref_slice %arg5[%dma_wait3A_221] : memref<20000xf32, #tpu.memory_space<hbm>> -> memref<20000xf32, #tpu.memory_space<hbm>>
    tpu.wait_indirect_dma semaphore(%arg19 : memref<!tpu.dma_semaphore, #tpu.memory_space<semaphore_mem>>) src(%dma_wait3A_222 : memref<20000xf32, #tpu.memory_space<hbm>>) dst(%dma_wait3A_218 : memref<128xf32, #tpu.memory_space<vmem>>)
    %dma_wait3A_223 = arith.constant 256 : i32
    %dma_wait3A_224 = tpu.memref_slice %arg16[%dma_wait3A_223] : memref<640xf32, #tpu.memory_space<vmem>> -> memref<128xf32, #tpu.memory_space<vmem>>
    %dma_wait3A_225 = arith.constant 256 : i32
    %dma_wait3A_226 = tpu.memref_slice %arg13[%dma_wait3A_225] : memref<640xi32, #tpu.memory_space<vmem>> -> memref<128xi32, #tpu.memory_space<vmem>>
    %dma_wait3A_227 = arith.constant 0 : i32
    %dma_wait3A_228 = tpu.memref_slice %arg5[%dma_wait3A_227] : memref<20000xf32, #tpu.memory_space<hbm>> -> memref<20000xf32, #tpu.memory_space<hbm>>
    tpu.wait_indirect_dma semaphore(%arg19 : memref<!tpu.dma_semaphore, #tpu.memory_space<semaphore_mem>>) src(%dma_wait3A_228 : memref<20000xf32, #tpu.memory_space<hbm>>) dst(%dma_wait3A_224 : memref<128xf32, #tpu.memory_space<vmem>>)
    %dma_wait3A_229 = arith.constant 384 : i32
    %dma_wait3A_230 = tpu.memref_slice %arg16[%dma_wait3A_229] : memref<640xf32, #tpu.memory_space<vmem>> -> memref<128xf32, #tpu.memory_space<vmem>>
    %dma_wait3A_231 = arith.constant 384 : i32
    %dma_wait3A_232 = tpu.memref_slice %arg13[%dma_wait3A_231] : memref<640xi32, #tpu.memory_space<vmem>> -> memref<128xi32, #tpu.memory_space<vmem>>
    %dma_wait3A_233 = arith.constant 0 : i32
    %dma_wait3A_234 = tpu.memref_slice %arg5[%dma_wait3A_233] : memref<20000xf32, #tpu.memory_space<hbm>> -> memref<20000xf32, #tpu.memory_space<hbm>>
    tpu.wait_indirect_dma semaphore(%arg19 : memref<!tpu.dma_semaphore, #tpu.memory_space<semaphore_mem>>) src(%dma_wait3A_234 : memref<20000xf32, #tpu.memory_space<hbm>>) dst(%dma_wait3A_230 : memref<128xf32, #tpu.memory_space<vmem>>)
    %dma_wait3A_235 = arith.constant 512 : i32
    %dma_wait3A_236 = tpu.memref_slice %arg16[%dma_wait3A_235] : memref<640xf32, #tpu.memory_space<vmem>> -> memref<128xf32, #tpu.memory_space<vmem>>
    %dma_wait3A_237 = arith.constant 512 : i32
    %dma_wait3A_238 = tpu.memref_slice %arg13[%dma_wait3A_237] : memref<640xi32, #tpu.memory_space<vmem>> -> memref<128xi32, #tpu.memory_space<vmem>>
    %dma_wait3A_239 = arith.constant 0 : i32
    %dma_wait3A_240 = tpu.memref_slice %arg5[%dma_wait3A_239] : memref<20000xf32, #tpu.memory_space<hbm>> -> memref<20000xf32, #tpu.memory_space<hbm>>
    tpu.wait_indirect_dma semaphore(%arg19 : memref<!tpu.dma_semaphore, #tpu.memory_space<semaphore_mem>>) src(%dma_wait3A_240 : memref<20000xf32, #tpu.memory_space<hbm>>) dst(%dma_wait3A_236 : memref<128xf32, #tpu.memory_space<vmem>>)
    %dma_wait3A_241 = arith.constant 0 : i32
    %dma_wait3A_242 = tpu.memref_slice %arg17[%dma_wait3A_241] : memref<640xf32, #tpu.memory_space<vmem>> -> memref<128xf32, #tpu.memory_space<vmem>>
    %dma_wait3A_243 = arith.constant 0 : i32
    %dma_wait3A_244 = tpu.memref_slice %arg13[%dma_wait3A_243] : memref<640xi32, #tpu.memory_space<vmem>> -> memref<128xi32, #tpu.memory_space<vmem>>
    %dma_wait3A_245 = arith.constant 0 : i32
    %dma_wait3A_246 = tpu.memref_slice %arg6[%dma_wait3A_245] : memref<20000xf32, #tpu.memory_space<hbm>> -> memref<20000xf32, #tpu.memory_space<hbm>>
    tpu.wait_indirect_dma semaphore(%arg19 : memref<!tpu.dma_semaphore, #tpu.memory_space<semaphore_mem>>) src(%dma_wait3A_246 : memref<20000xf32, #tpu.memory_space<hbm>>) dst(%dma_wait3A_242 : memref<128xf32, #tpu.memory_space<vmem>>)
    %dma_wait3A_247 = arith.constant 128 : i32
    %dma_wait3A_248 = tpu.memref_slice %arg17[%dma_wait3A_247] : memref<640xf32, #tpu.memory_space<vmem>> -> memref<128xf32, #tpu.memory_space<vmem>>
    %dma_wait3A_249 = arith.constant 128 : i32
    %dma_wait3A_250 = tpu.memref_slice %arg13[%dma_wait3A_249] : memref<640xi32, #tpu.memory_space<vmem>> -> memref<128xi32, #tpu.memory_space<vmem>>
    %dma_wait3A_251 = arith.constant 0 : i32
    %dma_wait3A_252 = tpu.memref_slice %arg6[%dma_wait3A_251] : memref<20000xf32, #tpu.memory_space<hbm>> -> memref<20000xf32, #tpu.memory_space<hbm>>
    tpu.wait_indirect_dma semaphore(%arg19 : memref<!tpu.dma_semaphore, #tpu.memory_space<semaphore_mem>>) src(%dma_wait3A_252 : memref<20000xf32, #tpu.memory_space<hbm>>) dst(%dma_wait3A_248 : memref<128xf32, #tpu.memory_space<vmem>>)
    %dma_wait3A_253 = arith.constant 256 : i32
    %dma_wait3A_254 = tpu.memref_slice %arg17[%dma_wait3A_253] : memref<640xf32, #tpu.memory_space<vmem>> -> memref<128xf32, #tpu.memory_space<vmem>>
    %dma_wait3A_255 = arith.constant 256 : i32
    %dma_wait3A_256 = tpu.memref_slice %arg13[%dma_wait3A_255] : memref<640xi32, #tpu.memory_space<vmem>> -> memref<128xi32, #tpu.memory_space<vmem>>
    %dma_wait3A_257 = arith.constant 0 : i32
    %dma_wait3A_258 = tpu.memref_slice %arg6[%dma_wait3A_257] : memref<20000xf32, #tpu.memory_space<hbm>> -> memref<20000xf32, #tpu.memory_space<hbm>>
    tpu.wait_indirect_dma semaphore(%arg19 : memref<!tpu.dma_semaphore, #tpu.memory_space<semaphore_mem>>) src(%dma_wait3A_258 : memref<20000xf32, #tpu.memory_space<hbm>>) dst(%dma_wait3A_254 : memref<128xf32, #tpu.memory_space<vmem>>)
    %dma_wait3A_259 = arith.constant 384 : i32
    %dma_wait3A_260 = tpu.memref_slice %arg17[%dma_wait3A_259] : memref<640xf32, #tpu.memory_space<vmem>> -> memref<128xf32, #tpu.memory_space<vmem>>
    %dma_wait3A_261 = arith.constant 384 : i32
    %dma_wait3A_262 = tpu.memref_slice %arg13[%dma_wait3A_261] : memref<640xi32, #tpu.memory_space<vmem>> -> memref<128xi32, #tpu.memory_space<vmem>>
    %dma_wait3A_263 = arith.constant 0 : i32
    %dma_wait3A_264 = tpu.memref_slice %arg6[%dma_wait3A_263] : memref<20000xf32, #tpu.memory_space<hbm>> -> memref<20000xf32, #tpu.memory_space<hbm>>
    tpu.wait_indirect_dma semaphore(%arg19 : memref<!tpu.dma_semaphore, #tpu.memory_space<semaphore_mem>>) src(%dma_wait3A_264 : memref<20000xf32, #tpu.memory_space<hbm>>) dst(%dma_wait3A_260 : memref<128xf32, #tpu.memory_space<vmem>>)
    %dma_wait3A_265 = arith.constant 512 : i32
    %dma_wait3A_266 = tpu.memref_slice %arg17[%dma_wait3A_265] : memref<640xf32, #tpu.memory_space<vmem>> -> memref<128xf32, #tpu.memory_space<vmem>>
    %dma_wait3A_267 = arith.constant 512 : i32
    %dma_wait3A_268 = tpu.memref_slice %arg13[%dma_wait3A_267] : memref<640xi32, #tpu.memory_space<vmem>> -> memref<128xi32, #tpu.memory_space<vmem>>
    %dma_wait3A_269 = arith.constant 0 : i32
    %dma_wait3A_270 = tpu.memref_slice %arg6[%dma_wait3A_269] : memref<20000xf32, #tpu.memory_space<hbm>> -> memref<20000xf32, #tpu.memory_space<hbm>>
    tpu.wait_indirect_dma semaphore(%arg19 : memref<!tpu.dma_semaphore, #tpu.memory_space<semaphore_mem>>) src(%dma_wait3A_270 : memref<20000xf32, #tpu.memory_space<hbm>>) dst(%dma_wait3A_266 : memref<128xf32, #tpu.memory_space<vmem>>)
    %dma_wait3A_271 = arith.constant 0 : i32
    %dma_wait3A_272 = tpu.memref_slice %arg18[%dma_wait3A_271] : memref<640xf32, #tpu.memory_space<vmem>> -> memref<128xf32, #tpu.memory_space<vmem>>
    %dma_wait3A_273 = arith.constant 0 : i32
    %dma_wait3A_274 = tpu.memref_slice %arg13[%dma_wait3A_273] : memref<640xi32, #tpu.memory_space<vmem>> -> memref<128xi32, #tpu.memory_space<vmem>>
    %dma_wait3A_275 = arith.constant 0 : i32
    %dma_wait3A_276 = tpu.memref_slice %arg7[%dma_wait3A_275] : memref<20000xf32, #tpu.memory_space<hbm>> -> memref<20000xf32, #tpu.memory_space<hbm>>
    tpu.wait_indirect_dma semaphore(%arg19 : memref<!tpu.dma_semaphore, #tpu.memory_space<semaphore_mem>>) src(%dma_wait3A_276 : memref<20000xf32, #tpu.memory_space<hbm>>) dst(%dma_wait3A_272 : memref<128xf32, #tpu.memory_space<vmem>>)
    %dma_wait3A_277 = arith.constant 128 : i32
    %dma_wait3A_278 = tpu.memref_slice %arg18[%dma_wait3A_277] : memref<640xf32, #tpu.memory_space<vmem>> -> memref<128xf32, #tpu.memory_space<vmem>>
    %dma_wait3A_279 = arith.constant 128 : i32
    %dma_wait3A_280 = tpu.memref_slice %arg13[%dma_wait3A_279] : memref<640xi32, #tpu.memory_space<vmem>> -> memref<128xi32, #tpu.memory_space<vmem>>
    %dma_wait3A_281 = arith.constant 0 : i32
    %dma_wait3A_282 = tpu.memref_slice %arg7[%dma_wait3A_281] : memref<20000xf32, #tpu.memory_space<hbm>> -> memref<20000xf32, #tpu.memory_space<hbm>>
    tpu.wait_indirect_dma semaphore(%arg19 : memref<!tpu.dma_semaphore, #tpu.memory_space<semaphore_mem>>) src(%dma_wait3A_282 : memref<20000xf32, #tpu.memory_space<hbm>>) dst(%dma_wait3A_278 : memref<128xf32, #tpu.memory_space<vmem>>)
    %dma_wait3A_283 = arith.constant 256 : i32
    %dma_wait3A_284 = tpu.memref_slice %arg18[%dma_wait3A_283] : memref<640xf32, #tpu.memory_space<vmem>> -> memref<128xf32, #tpu.memory_space<vmem>>
    %dma_wait3A_285 = arith.constant 256 : i32
    %dma_wait3A_286 = tpu.memref_slice %arg13[%dma_wait3A_285] : memref<640xi32, #tpu.memory_space<vmem>> -> memref<128xi32, #tpu.memory_space<vmem>>
    %dma_wait3A_287 = arith.constant 0 : i32
    %dma_wait3A_288 = tpu.memref_slice %arg7[%dma_wait3A_287] : memref<20000xf32, #tpu.memory_space<hbm>> -> memref<20000xf32, #tpu.memory_space<hbm>>
    tpu.wait_indirect_dma semaphore(%arg19 : memref<!tpu.dma_semaphore, #tpu.memory_space<semaphore_mem>>) src(%dma_wait3A_288 : memref<20000xf32, #tpu.memory_space<hbm>>) dst(%dma_wait3A_284 : memref<128xf32, #tpu.memory_space<vmem>>)
    %dma_wait3A_289 = arith.constant 384 : i32
    %dma_wait3A_290 = tpu.memref_slice %arg18[%dma_wait3A_289] : memref<640xf32, #tpu.memory_space<vmem>> -> memref<128xf32, #tpu.memory_space<vmem>>
    %dma_wait3A_291 = arith.constant 384 : i32
    %dma_wait3A_292 = tpu.memref_slice %arg13[%dma_wait3A_291] : memref<640xi32, #tpu.memory_space<vmem>> -> memref<128xi32, #tpu.memory_space<vmem>>
    %dma_wait3A_293 = arith.constant 0 : i32
    %dma_wait3A_294 = tpu.memref_slice %arg7[%dma_wait3A_293] : memref<20000xf32, #tpu.memory_space<hbm>> -> memref<20000xf32, #tpu.memory_space<hbm>>
    tpu.wait_indirect_dma semaphore(%arg19 : memref<!tpu.dma_semaphore, #tpu.memory_space<semaphore_mem>>) src(%dma_wait3A_294 : memref<20000xf32, #tpu.memory_space<hbm>>) dst(%dma_wait3A_290 : memref<128xf32, #tpu.memory_space<vmem>>)
    %dma_wait3A_295 = arith.constant 512 : i32
    %dma_wait3A_296 = tpu.memref_slice %arg18[%dma_wait3A_295] : memref<640xf32, #tpu.memory_space<vmem>> -> memref<128xf32, #tpu.memory_space<vmem>>
    %dma_wait3A_297 = arith.constant 512 : i32
    %dma_wait3A_298 = tpu.memref_slice %arg13[%dma_wait3A_297] : memref<640xi32, #tpu.memory_space<vmem>> -> memref<128xi32, #tpu.memory_space<vmem>>
    %dma_wait3A_299 = arith.constant 0 : i32
    %dma_wait3A_300 = tpu.memref_slice %arg7[%dma_wait3A_299] : memref<20000xf32, #tpu.memory_space<hbm>> -> memref<20000xf32, #tpu.memory_space<hbm>>
    tpu.wait_indirect_dma semaphore(%arg19 : memref<!tpu.dma_semaphore, #tpu.memory_space<semaphore_mem>>) src(%dma_wait3A_300 : memref<20000xf32, #tpu.memory_space<hbm>>) dst(%dma_wait3A_296 : memref<128xf32, #tpu.memory_space<vmem>>)
    "tpu.region"() ({
      %run_scoped3A = tpu.sem_alloc : memref<!tpu.dma_semaphore, #tpu.memory_space<semaphore_mem>>
      %dma_start3A_301 = tpu.memref_slice %arg8[%mul3A_2] : memref<20480xf32, #tpu.memory_space<hbm>> -> memref<640xf32, #tpu.memory_space<hbm>>
      %dma_start3A_302 = tpu.memref_slice %arg8[%mul3A_2] : memref<20480xf32, #tpu.memory_space<hbm>> -> memref<640xf32, #tpu.memory_space<hbm>>
      tpu.enqueue_dma source(%arg14 : memref<640xf32, #tpu.memory_space<vmem>>) target(%dma_start3A_302 : memref<640xf32, #tpu.memory_space<hbm>>) target_semaphore(%run_scoped3A : memref<!tpu.dma_semaphore, #tpu.memory_space<semaphore_mem>>)
      %dma_wait3A_303 = tpu.memref_slice %arg8[%mul3A_2] : memref<20480xf32, #tpu.memory_space<hbm>> -> memref<640xf32, #tpu.memory_space<hbm>>
      %dma_wait3A_304 = tpu.memref_slice %arg8[%mul3A_2] : memref<20480xf32, #tpu.memory_space<hbm>> -> memref<640xf32, #tpu.memory_space<hbm>>
      tpu.wait_dma2 semaphore(%run_scoped3A : memref<!tpu.dma_semaphore, #tpu.memory_space<semaphore_mem>>) src(%arg14 : memref<640xf32, #tpu.memory_space<vmem>>) dst(%dma_wait3A_304 : memref<640xf32, #tpu.memory_space<hbm>>)
      tpu.yield
    }) : () -> ()
    "tpu.region"() ({
      %run_scoped3A = tpu.sem_alloc : memref<!tpu.dma_semaphore, #tpu.memory_space<semaphore_mem>>
      %dma_start3A_301 = tpu.memref_slice %arg9[%mul3A_2] : memref<20480xf32, #tpu.memory_space<hbm>> -> memref<640xf32, #tpu.memory_space<hbm>>
      %dma_start3A_302 = tpu.memref_slice %arg9[%mul3A_2] : memref<20480xf32, #tpu.memory_space<hbm>> -> memref<640xf32, #tpu.memory_space<hbm>>
      tpu.enqueue_dma source(%arg15 : memref<640xf32, #tpu.memory_space<vmem>>) target(%dma_start3A_302 : memref<640xf32, #tpu.memory_space<hbm>>) target_semaphore(%run_scoped3A : memref<!tpu.dma_semaphore, #tpu.memory_space<semaphore_mem>>)
      %dma_wait3A_303 = tpu.memref_slice %arg9[%mul3A_2] : memref<20480xf32, #tpu.memory_space<hbm>> -> memref<640xf32, #tpu.memory_space<hbm>>
      %dma_wait3A_304 = tpu.memref_slice %arg9[%mul3A_2] : memref<20480xf32, #tpu.memory_space<hbm>> -> memref<640xf32, #tpu.memory_space<hbm>>
      tpu.wait_dma2 semaphore(%run_scoped3A : memref<!tpu.dma_semaphore, #tpu.memory_space<semaphore_mem>>) src(%arg15 : memref<640xf32, #tpu.memory_space<vmem>>) dst(%dma_wait3A_304 : memref<640xf32, #tpu.memory_space<hbm>>)
      tpu.yield
    }) : () -> ()
    "tpu.region"() ({
      %run_scoped3A = tpu.sem_alloc : memref<!tpu.dma_semaphore, #tpu.memory_space<semaphore_mem>>
      %dma_start3A_301 = tpu.memref_slice %arg10[%mul3A_2] : memref<20480xf32, #tpu.memory_space<hbm>> -> memref<640xf32, #tpu.memory_space<hbm>>
      %dma_start3A_302 = tpu.memref_slice %arg10[%mul3A_2] : memref<20480xf32, #tpu.memory_space<hbm>> -> memref<640xf32, #tpu.memory_space<hbm>>
      tpu.enqueue_dma source(%arg16 : memref<640xf32, #tpu.memory_space<vmem>>) target(%dma_start3A_302 : memref<640xf32, #tpu.memory_space<hbm>>) target_semaphore(%run_scoped3A : memref<!tpu.dma_semaphore, #tpu.memory_space<semaphore_mem>>)
      %dma_wait3A_303 = tpu.memref_slice %arg10[%mul3A_2] : memref<20480xf32, #tpu.memory_space<hbm>> -> memref<640xf32, #tpu.memory_space<hbm>>
      %dma_wait3A_304 = tpu.memref_slice %arg10[%mul3A_2] : memref<20480xf32, #tpu.memory_space<hbm>> -> memref<640xf32, #tpu.memory_space<hbm>>
      tpu.wait_dma2 semaphore(%run_scoped3A : memref<!tpu.dma_semaphore, #tpu.memory_space<semaphore_mem>>) src(%arg16 : memref<640xf32, #tpu.memory_space<vmem>>) dst(%dma_wait3A_304 : memref<640xf32, #tpu.memory_space<hbm>>)
      tpu.yield
    }) : () -> ()
    "tpu.region"() ({
      %run_scoped3A = tpu.sem_alloc : memref<!tpu.dma_semaphore, #tpu.memory_space<semaphore_mem>>
      %dma_start3A_301 = tpu.memref_slice %arg11[%mul3A_2] : memref<20480xf32, #tpu.memory_space<hbm>> -> memref<640xf32, #tpu.memory_space<hbm>>
      %dma_start3A_302 = tpu.memref_slice %arg11[%mul3A_2] : memref<20480xf32, #tpu.memory_space<hbm>> -> memref<640xf32, #tpu.memory_space<hbm>>
      tpu.enqueue_dma source(%arg17 : memref<640xf32, #tpu.memory_space<vmem>>) target(%dma_start3A_302 : memref<640xf32, #tpu.memory_space<hbm>>) target_semaphore(%run_scoped3A : memref<!tpu.dma_semaphore, #tpu.memory_space<semaphore_mem>>)
      %dma_wait3A_303 = tpu.memref_slice %arg11[%mul3A_2] : memref<20480xf32, #tpu.memory_space<hbm>> -> memref<640xf32, #tpu.memory_space<hbm>>
      %dma_wait3A_304 = tpu.memref_slice %arg11[%mul3A_2] : memref<20480xf32, #tpu.memory_space<hbm>> -> memref<640xf32, #tpu.memory_space<hbm>>
      tpu.wait_dma2 semaphore(%run_scoped3A : memref<!tpu.dma_semaphore, #tpu.memory_space<semaphore_mem>>) src(%arg17 : memref<640xf32, #tpu.memory_space<vmem>>) dst(%dma_wait3A_304 : memref<640xf32, #tpu.memory_space<hbm>>)
      tpu.yield
    }) : () -> ()
    "tpu.region"() ({
      %run_scoped3A = tpu.sem_alloc : memref<!tpu.dma_semaphore, #tpu.memory_space<semaphore_mem>>
      %dma_start3A_301 = tpu.memref_slice %arg12[%mul3A_2] : memref<20480xf32, #tpu.memory_space<hbm>> -> memref<640xf32, #tpu.memory_space<hbm>>
      %dma_start3A_302 = tpu.memref_slice %arg12[%mul3A_2] : memref<20480xf32, #tpu.memory_space<hbm>> -> memref<640xf32, #tpu.memory_space<hbm>>
      tpu.enqueue_dma source(%arg18 : memref<640xf32, #tpu.memory_space<vmem>>) target(%dma_start3A_302 : memref<640xf32, #tpu.memory_space<hbm>>) target_semaphore(%run_scoped3A : memref<!tpu.dma_semaphore, #tpu.memory_space<semaphore_mem>>)
      %dma_wait3A_303 = tpu.memref_slice %arg12[%mul3A_2] : memref<20480xf32, #tpu.memory_space<hbm>> -> memref<640xf32, #tpu.memory_space<hbm>>
      %dma_wait3A_304 = tpu.memref_slice %arg12[%mul3A_2] : memref<20480xf32, #tpu.memory_space<hbm>> -> memref<640xf32, #tpu.memory_space<hbm>>
      tpu.wait_dma2 semaphore(%run_scoped3A : memref<!tpu.dma_semaphore, #tpu.memory_space<semaphore_mem>>) src(%arg18 : memref<640xf32, #tpu.memory_space<vmem>>) dst(%dma_wait3A_304 : memref<640xf32, #tpu.memory_space<hbm>>)
      tpu.yield
    }) : () -> ()
    return
  }
}

#map = affine_map<(d0, d1) -> (0)>
module attributes {stable_mosaic.version = 14 : i64} {
  func.func @_sc_select_body(%arg0: i32, %arg1: i32, %arg2: memref<20096xi32, #tpu.memory_space<hbm>>, %arg3: memref<16xi32, #tpu.memory_space<hbm>>, %arg4: memref<20096xf32, #tpu.memory_space<hbm>>, %arg5: memref<20096xf32, #tpu.memory_space<hbm>>, %arg6: memref<20096xf32, #tpu.memory_space<hbm>>, %arg7: memref<20096xf32, #tpu.memory_space<hbm>>, %arg8: memref<20096xf32, #tpu.memory_space<hbm>>, %arg9: memref<1024xf32, #tpu.memory_space<hbm>>, %arg10: memref<1024xf32, #tpu.memory_space<hbm>>, %arg11: memref<1024xf32, #tpu.memory_space<hbm>>, %arg12: memref<1024xf32, #tpu.memory_space<hbm>>, %arg13: memref<1024xf32, #tpu.memory_space<hbm>>, %arg14: memref<20096xi32, #tpu.memory_space<vmem>>, %arg15: memref<16xi32, #tpu.memory_space<vmem>>, %arg16: memref<20096xf32, #tpu.memory_space<vmem>>, %arg17: memref<20096xf32, #tpu.memory_space<vmem>>, %arg18: memref<20096xf32, #tpu.memory_space<vmem>>, %arg19: memref<20096xf32, #tpu.memory_space<vmem>>, %arg20: memref<20096xf32, #tpu.memory_space<vmem>>, %arg21: memref<1024xi32, #tpu.memory_space<vmem>>, %arg22: memref<1024xf32, #tpu.memory_space<vmem>>, %arg23: memref<1024xf32, #tpu.memory_space<vmem>>, %arg24: memref<1024xf32, #tpu.memory_space<vmem>>, %arg25: memref<1024xf32, #tpu.memory_space<vmem>>, %arg26: memref<1024xf32, #tpu.memory_space<vmem>>) attributes {dimension_semantics = [#tpu.dimension_semantics<core_parallel>, #tpu.dimension_semantics<subcore_parallel>], iteration_bounds = array<i64: 2, 16>, scalar_prefetch = 0 : i64, scratch_operands = 13 : i64, tpu.core_type = #tpu.core_type<sc_vector_subcore>, window_params = [{transform_indices = #map}, {transform_indices = #map}, {transform_indices = #map}, {transform_indices = #map}, {transform_indices = #map}, {transform_indices = #map}, {transform_indices = #map}, {transform_indices = #map}, {transform_indices = #map}, {transform_indices = #map}, {transform_indices = #map}, {transform_indices = #map}]} {
    %eq3A = arith.constant 0 : i32
    %eq3A_0 = arith.cmpi eq, %arg0, %eq3A : i32
    %eq3A_1 = arith.constant 0 : i32
    %eq3A_2 = arith.cmpi eq, %arg1, %eq3A_1 : i32
    %and3A = arith.andi %eq3A_0, %eq3A_2 : i1
    %convert_element_type3A = arith.extui %and3A : i1 to i32
    %cond3A = arith.constant 0 : i32
    %cond3A_3 = arith.cmpi ne, %convert_element_type3A, %cond3A : i32
    scf.if %cond3A_3 {
      "tpu.region"() ({
        %run_scoped3A = tpu.sem_alloc : memref<!tpu.dma_semaphore, #tpu.memory_space<semaphore_mem>>
        tpu.enqueue_dma source(%arg2 : memref<20096xi32, #tpu.memory_space<hbm>>) target(%arg14 : memref<20096xi32, #tpu.memory_space<vmem>>) target_semaphore(%run_scoped3A : memref<!tpu.dma_semaphore, #tpu.memory_space<semaphore_mem>>)
        tpu.wait_dma2 semaphore(%run_scoped3A : memref<!tpu.dma_semaphore, #tpu.memory_space<semaphore_mem>>) src(%arg2 : memref<20096xi32, #tpu.memory_space<hbm>>) dst(%arg14 : memref<20096xi32, #tpu.memory_space<vmem>>)
        tpu.yield
      }) : () -> ()
      "tpu.region"() ({
        %run_scoped3A = tpu.sem_alloc : memref<!tpu.dma_semaphore, #tpu.memory_space<semaphore_mem>>
        tpu.enqueue_dma source(%arg3 : memref<16xi32, #tpu.memory_space<hbm>>) target(%arg15 : memref<16xi32, #tpu.memory_space<vmem>>) target_semaphore(%run_scoped3A : memref<!tpu.dma_semaphore, #tpu.memory_space<semaphore_mem>>)
        tpu.wait_dma2 semaphore(%run_scoped3A : memref<!tpu.dma_semaphore, #tpu.memory_space<semaphore_mem>>) src(%arg3 : memref<16xi32, #tpu.memory_space<hbm>>) dst(%arg15 : memref<16xi32, #tpu.memory_space<vmem>>)
        tpu.yield
      }) : () -> ()
      "tpu.region"() ({
        %run_scoped3A = tpu.sem_alloc : memref<!tpu.dma_semaphore, #tpu.memory_space<semaphore_mem>>
        tpu.enqueue_dma source(%arg4 : memref<20096xf32, #tpu.memory_space<hbm>>) target(%arg16 : memref<20096xf32, #tpu.memory_space<vmem>>) target_semaphore(%run_scoped3A : memref<!tpu.dma_semaphore, #tpu.memory_space<semaphore_mem>>)
        tpu.wait_dma2 semaphore(%run_scoped3A : memref<!tpu.dma_semaphore, #tpu.memory_space<semaphore_mem>>) src(%arg4 : memref<20096xf32, #tpu.memory_space<hbm>>) dst(%arg16 : memref<20096xf32, #tpu.memory_space<vmem>>)
        tpu.yield
      }) : () -> ()
      "tpu.region"() ({
        %run_scoped3A = tpu.sem_alloc : memref<!tpu.dma_semaphore, #tpu.memory_space<semaphore_mem>>
        tpu.enqueue_dma source(%arg5 : memref<20096xf32, #tpu.memory_space<hbm>>) target(%arg17 : memref<20096xf32, #tpu.memory_space<vmem>>) target_semaphore(%run_scoped3A : memref<!tpu.dma_semaphore, #tpu.memory_space<semaphore_mem>>)
        tpu.wait_dma2 semaphore(%run_scoped3A : memref<!tpu.dma_semaphore, #tpu.memory_space<semaphore_mem>>) src(%arg5 : memref<20096xf32, #tpu.memory_space<hbm>>) dst(%arg17 : memref<20096xf32, #tpu.memory_space<vmem>>)
        tpu.yield
      }) : () -> ()
      "tpu.region"() ({
        %run_scoped3A = tpu.sem_alloc : memref<!tpu.dma_semaphore, #tpu.memory_space<semaphore_mem>>
        tpu.enqueue_dma source(%arg6 : memref<20096xf32, #tpu.memory_space<hbm>>) target(%arg18 : memref<20096xf32, #tpu.memory_space<vmem>>) target_semaphore(%run_scoped3A : memref<!tpu.dma_semaphore, #tpu.memory_space<semaphore_mem>>)
        tpu.wait_dma2 semaphore(%run_scoped3A : memref<!tpu.dma_semaphore, #tpu.memory_space<semaphore_mem>>) src(%arg6 : memref<20096xf32, #tpu.memory_space<hbm>>) dst(%arg18 : memref<20096xf32, #tpu.memory_space<vmem>>)
        tpu.yield
      }) : () -> ()
      "tpu.region"() ({
        %run_scoped3A = tpu.sem_alloc : memref<!tpu.dma_semaphore, #tpu.memory_space<semaphore_mem>>
        tpu.enqueue_dma source(%arg7 : memref<20096xf32, #tpu.memory_space<hbm>>) target(%arg19 : memref<20096xf32, #tpu.memory_space<vmem>>) target_semaphore(%run_scoped3A : memref<!tpu.dma_semaphore, #tpu.memory_space<semaphore_mem>>)
        tpu.wait_dma2 semaphore(%run_scoped3A : memref<!tpu.dma_semaphore, #tpu.memory_space<semaphore_mem>>) src(%arg7 : memref<20096xf32, #tpu.memory_space<hbm>>) dst(%arg19 : memref<20096xf32, #tpu.memory_space<vmem>>)
        tpu.yield
      }) : () -> ()
      "tpu.region"() ({
        %run_scoped3A = tpu.sem_alloc : memref<!tpu.dma_semaphore, #tpu.memory_space<semaphore_mem>>
        tpu.enqueue_dma source(%arg8 : memref<20096xf32, #tpu.memory_space<hbm>>) target(%arg20 : memref<20096xf32, #tpu.memory_space<vmem>>) target_semaphore(%run_scoped3A : memref<!tpu.dma_semaphore, #tpu.memory_space<semaphore_mem>>)
        tpu.wait_dma2 semaphore(%run_scoped3A : memref<!tpu.dma_semaphore, #tpu.memory_space<semaphore_mem>>) src(%arg8 : memref<20096xf32, #tpu.memory_space<hbm>>) dst(%arg20 : memref<20096xf32, #tpu.memory_space<vmem>>)
        tpu.yield
      }) : () -> ()
      %iota3A = tpu.iota {dimensions = array<i32: 0>} : vector<16xi32>
      %get3A = arith.constant 0 : index
      %get3A_4 = tpu.vector_load %arg15[%get3A] {strides = array<i32>} : memref<16xi32, #tpu.memory_space<vmem>>, vector<16xi32>,
      %scan3A = arith.constant 0 : i32
      %scan3A_5 = arith.constant 0 : i32
      %scan3A_6 = arith.constant 64 : i32
      %scan3A_7 = arith.addi %scan3A_5, %scan3A_6 : i32
      %scan3A_8 = arith.constant 1 : i32
      %scan3A_9 = scf.for %scan3A_25 = %scan3A_5 to %scan3A_7 step %scan3A_8 iter_args(%scan3A_26 = %scan3A) -> (i32)  : i32 {
        %mul3A = arith.constant 16 : i32
        %mul3A_27 = arith.muli %scan3A_25, %mul3A : i32
        %add3A = vector.broadcast %mul3A_27 : i32 to vector<16xi32>
        %add3A_28 = arith.addi %add3A, %iota3A : vector<16xi32>
        %sub3A = arith.subi %add3A_28, %get3A_4 : vector<16xi32>
        %max3A = arith.constant 0 : i32
        %max3A_29 = vector.broadcast %max3A : i32 to vector<16xi32>
        %max3A_30 = arith.maxsi %sub3A, %max3A_29 : vector<16xi32>
        %mul3A_31 = arith.constant 16 : i32
        %mul3A_32 = arith.muli %scan3A_25, %mul3A_31 : i32
        %swap3A = arith.index_cast %mul3A_32 : i32 to index
        %swap3A_33 = tpu.vector_load %arg21[%swap3A] {strides = array<i32>} : memref<1024xi32, #tpu.memory_space<vmem>>, vector<16xi32>,
        tpu.vector_store %arg21[%swap3A], %max3A_30 {strides = array<i32>} : memref<1024xi32, #tpu.memory_space<vmem>>, vector<16xi32>,
        %scan3A_34 = arith.constant 0 : i32
        scf.yield %scan3A_34 : i32
      }
      %scan3A_10 = arith.constant 64 : i32
      %broadcast_in_dim3A = arith.constant 0 : i32
      %broadcast_in_dim3A_11 = vector.broadcast %broadcast_in_dim3A : i32 to vector<16xi32>
      %scan3A_12 = arith.constant 0 : i32
      %scan3A_13 = arith.constant 157 : i32
      %scan3A_14 = arith.addi %scan3A_12, %scan3A_13 : i32
      %scan3A_15 = arith.constant 1 : i32
      %scan3A_16 = scf.for %scan3A_25 = %scan3A_12 to %scan3A_14 step %scan3A_15 iter_args(%scan3A_26 = %broadcast_in_dim3A_11) -> (vector<16xi32>)  : i32 {
        %mul3A = arith.constant 8 : i32
        %mul3A_27 = arith.muli %scan3A_25, %mul3A : i32
        %add3A = arith.constant 0 : i32
        %add3A_28 = arith.addi %mul3A_27, %add3A : i32
        %mul3A_29 = arith.constant 16 : i32
        %mul3A_30 = arith.muli %add3A_28, %mul3A_29 : i32
        %get3A_31 = arith.index_cast %mul3A_30 : i32 to index
        %get3A_32 = tpu.vector_load %arg14[%get3A_31] {strides = array<i32>} : memref<20096xi32, #tpu.memory_space<vmem>>, vector<16xi32>,
        %broadcast_in_dim3A_33 = arith.constant true
        %broadcast_in_dim3A_34 = vector.broadcast %broadcast_in_dim3A_33 : i1 to vector<16xi1>
        %masked_cumsum3A = tpu.scan <sum>, %get3A_32 masked %broadcast_in_dim3A_34 : vector<16xi32>, vector<16xi1> -> vector<16xi32>
        %sub3A = arith.subi %masked_cumsum3A, %get3A_32 : vector<16xi32>
        %add3A_35 = arith.addi %sub3A, %scan3A_26 : vector<16xi32>
        %gt3A = arith.constant 0 : i32
        %gt3A_36 = vector.broadcast %gt3A : i32 to vector<16xi32>
        %gt3A_37 = arith.cmpi sgt, %get3A_32, %gt3A_36 : vector<16xi32>
        %lt3A = arith.constant 1000 : i32
        %lt3A_38 = vector.broadcast %lt3A : i32 to vector<16xi32>
        %lt3A_39 = arith.cmpi slt, %add3A_35, %lt3A_38 : vector<16xi32>
        %and3A_40 = arith.andi %gt3A_37, %lt3A_39 : vector<16xi1>
        %mul3A_41 = arith.constant 16 : i32
        %mul3A_42 = arith.muli %add3A_28, %mul3A_41 : i32
        %add3A_43 = vector.broadcast %mul3A_42 : i32 to vector<16xi32>
        %add3A_44 = arith.addi %add3A_43, %iota3A : vector<16xi32>
        tpu.vector_store_idx %arg21[%add3A_35], %add3A_44 masked %and3A_40 : memref<1024xi32, #tpu.memory_space<vmem>>[vector<16xi32>], vector<16xi32>, vector<16xi1>
        %gt3A_45 = arith.constant 0 : i32
        %gt3A_46 = vector.broadcast %gt3A_45 : i32 to vector<16xi32>
        %gt3A_47 = arith.cmpi sgt, %get3A_32, %gt3A_46 : vector<16xi32>
        %all_reduce_population_count3A = tpu.all_reduce %gt3A_47 {dim = 0 : i64, kind = #tpu.reduction_kind<sum>} : vector<16xi1> -> vector<16xi32>
        %add3A_48 = arith.addi %scan3A_26, %all_reduce_population_count3A : vector<16xi32>
        %mul3A_49 = arith.constant 8 : i32
        %mul3A_50 = arith.muli %scan3A_25, %mul3A_49 : i32
        %add3A_51 = arith.constant 1 : i32
        %add3A_52 = arith.addi %mul3A_50, %add3A_51 : i32
        %mul3A_53 = arith.constant 16 : i32
        %mul3A_54 = arith.muli %add3A_52, %mul3A_53 : i32
        %get3A_55 = arith.index_cast %mul3A_54 : i32 to index
        %get3A_56 = tpu.vector_load %arg14[%get3A_55] {strides = array<i32>} : memref<20096xi32, #tpu.memory_space<vmem>>, vector<16xi32>,
        %broadcast_in_dim3A_57 = arith.constant true
        %broadcast_in_dim3A_58 = vector.broadcast %broadcast_in_dim3A_57 : i1 to vector<16xi1>
        %masked_cumsum3A_59 = tpu.scan <sum>, %get3A_56 masked %broadcast_in_dim3A_58 : vector<16xi32>, vector<16xi1> -> vector<16xi32>
        %sub3A_60 = arith.subi %masked_cumsum3A_59, %get3A_56 : vector<16xi32>
        %add3A_61 = arith.addi %sub3A_60, %add3A_48 : vector<16xi32>
        %gt3A_62 = arith.constant 0 : i32
        %gt3A_63 = vector.broadcast %gt3A_62 : i32 to vector<16xi32>
        %gt3A_64 = arith.cmpi sgt, %get3A_56, %gt3A_63 : vector<16xi32>
        %lt3A_65 = arith.constant 1000 : i32
        %lt3A_66 = vector.broadcast %lt3A_65 : i32 to vector<16xi32>
        %lt3A_67 = arith.cmpi slt, %add3A_61, %lt3A_66 : vector<16xi32>
        %and3A_68 = arith.andi %gt3A_64, %lt3A_67 : vector<16xi1>
        %mul3A_69 = arith.constant 16 : i32
        %mul3A_70 = arith.muli %add3A_52, %mul3A_69 : i32
        %add3A_71 = vector.broadcast %mul3A_70 : i32 to vector<16xi32>
        %add3A_72 = arith.addi %add3A_71, %iota3A : vector<16xi32>
        tpu.vector_store_idx %arg21[%add3A_61], %add3A_72 masked %and3A_68 : memref<1024xi32, #tpu.memory_space<vmem>>[vector<16xi32>], vector<16xi32>, vector<16xi1>
        %gt3A_73 = arith.constant 0 : i32
        %gt3A_74 = vector.broadcast %gt3A_73 : i32 to vector<16xi32>
        %gt3A_75 = arith.cmpi sgt, %get3A_56, %gt3A_74 : vector<16xi32>
        %all_reduce_population_count3A_76 = tpu.all_reduce %gt3A_75 {dim = 0 : i64, kind = #tpu.reduction_kind<sum>} : vector<16xi1> -> vector<16xi32>
        %add3A_77 = arith.addi %add3A_48, %all_reduce_population_count3A_76 : vector<16xi32>
        %mul3A_78 = arith.constant 8 : i32
        %mul3A_79 = arith.muli %scan3A_25, %mul3A_78 : i32
        %add3A_80 = arith.constant 2 : i32
        %add3A_81 = arith.addi %mul3A_79, %add3A_80 : i32
        %mul3A_82 = arith.constant 16 : i32
        %mul3A_83 = arith.muli %add3A_81, %mul3A_82 : i32
        %get3A_84 = arith.index_cast %mul3A_83 : i32 to index
        %get3A_85 = tpu.vector_load %arg14[%get3A_84] {strides = array<i32>} : memref<20096xi32, #tpu.memory_space<vmem>>, vector<16xi32>,
        %broadcast_in_dim3A_86 = arith.constant true
        %broadcast_in_dim3A_87 = vector.broadcast %broadcast_in_dim3A_86 : i1 to vector<16xi1>
        %masked_cumsum3A_88 = tpu.scan <sum>, %get3A_85 masked %broadcast_in_dim3A_87 : vector<16xi32>, vector<16xi1> -> vector<16xi32>
        %sub3A_89 = arith.subi %masked_cumsum3A_88, %get3A_85 : vector<16xi32>
        %add3A_90 = arith.addi %sub3A_89, %add3A_77 : vector<16xi32>
        %gt3A_91 = arith.constant 0 : i32
        %gt3A_92 = vector.broadcast %gt3A_91 : i32 to vector<16xi32>
        %gt3A_93 = arith.cmpi sgt, %get3A_85, %gt3A_92 : vector<16xi32>
        %lt3A_94 = arith.constant 1000 : i32
        %lt3A_95 = vector.broadcast %lt3A_94 : i32 to vector<16xi32>
        %lt3A_96 = arith.cmpi slt, %add3A_90, %lt3A_95 : vector<16xi32>
        %and3A_97 = arith.andi %gt3A_93, %lt3A_96 : vector<16xi1>
        %mul3A_98 = arith.constant 16 : i32
        %mul3A_99 = arith.muli %add3A_81, %mul3A_98 : i32
        %add3A_100 = vector.broadcast %mul3A_99 : i32 to vector<16xi32>
        %add3A_101 = arith.addi %add3A_100, %iota3A : vector<16xi32>
        tpu.vector_store_idx %arg21[%add3A_90], %add3A_101 masked %and3A_97 : memref<1024xi32, #tpu.memory_space<vmem>>[vector<16xi32>], vector<16xi32>, vector<16xi1>
        %gt3A_102 = arith.constant 0 : i32
        %gt3A_103 = vector.broadcast %gt3A_102 : i32 to vector<16xi32>
        %gt3A_104 = arith.cmpi sgt, %get3A_85, %gt3A_103 : vector<16xi32>
        %all_reduce_population_count3A_105 = tpu.all_reduce %gt3A_104 {dim = 0 : i64, kind = #tpu.reduction_kind<sum>} : vector<16xi1> -> vector<16xi32>
        %add3A_106 = arith.addi %add3A_77, %all_reduce_population_count3A_105 : vector<16xi32>
        %mul3A_107 = arith.constant 8 : i32
        %mul3A_108 = arith.muli %scan3A_25, %mul3A_107 : i32
        %add3A_109 = arith.constant 3 : i32
        %add3A_110 = arith.addi %mul3A_108, %add3A_109 : i32
        %mul3A_111 = arith.constant 16 : i32
        %mul3A_112 = arith.muli %add3A_110, %mul3A_111 : i32
        %get3A_113 = arith.index_cast %mul3A_112 : i32 to index
        %get3A_114 = tpu.vector_load %arg14[%get3A_113] {strides = array<i32>} : memref<20096xi32, #tpu.memory_space<vmem>>, vector<16xi32>,
        %broadcast_in_dim3A_115 = arith.constant true
        %broadcast_in_dim3A_116 = vector.broadcast %broadcast_in_dim3A_115 : i1 to vector<16xi1>
        %masked_cumsum3A_117 = tpu.scan <sum>, %get3A_114 masked %broadcast_in_dim3A_116 : vector<16xi32>, vector<16xi1> -> vector<16xi32>
        %sub3A_118 = arith.subi %masked_cumsum3A_117, %get3A_114 : vector<16xi32>
        %add3A_119 = arith.addi %sub3A_118, %add3A_106 : vector<16xi32>
        %gt3A_120 = arith.constant 0 : i32
        %gt3A_121 = vector.broadcast %gt3A_120 : i32 to vector<16xi32>
        %gt3A_122 = arith.cmpi sgt, %get3A_114, %gt3A_121 : vector<16xi32>
        %lt3A_123 = arith.constant 1000 : i32
        %lt3A_124 = vector.broadcast %lt3A_123 : i32 to vector<16xi32>
        %lt3A_125 = arith.cmpi slt, %add3A_119, %lt3A_124 : vector<16xi32>
        %and3A_126 = arith.andi %gt3A_122, %lt3A_125 : vector<16xi1>
        %mul3A_127 = arith.constant 16 : i32
        %mul3A_128 = arith.muli %add3A_110, %mul3A_127 : i32
        %add3A_129 = vector.broadcast %mul3A_128 : i32 to vector<16xi32>
        %add3A_130 = arith.addi %add3A_129, %iota3A : vector<16xi32>
        tpu.vector_store_idx %arg21[%add3A_119], %add3A_130 masked %and3A_126 : memref<1024xi32, #tpu.memory_space<vmem>>[vector<16xi32>], vector<16xi32>, vector<16xi1>
        %gt3A_131 = arith.constant 0 : i32
        %gt3A_132 = vector.broadcast %gt3A_131 : i32 to vector<16xi32>
        %gt3A_133 = arith.cmpi sgt, %get3A_114, %gt3A_132 : vector<16xi32>
        %all_reduce_population_count3A_134 = tpu.all_reduce %gt3A_133 {dim = 0 : i64, kind = #tpu.reduction_kind<sum>} : vector<16xi1> -> vector<16xi32>
        %add3A_135 = arith.addi %add3A_106, %all_reduce_population_count3A_134 : vector<16xi32>
        %mul3A_136 = arith.constant 8 : i32
        %mul3A_137 = arith.muli %scan3A_25, %mul3A_136 : i32
        %add3A_138 = arith.constant 4 : i32
        %add3A_139 = arith.addi %mul3A_137, %add3A_138 : i32
        %mul3A_140 = arith.constant 16 : i32
        %mul3A_141 = arith.muli %add3A_139, %mul3A_140 : i32
        %get3A_142 = arith.index_cast %mul3A_141 : i32 to index
        %get3A_143 = tpu.vector_load %arg14[%get3A_142] {strides = array<i32>} : memref<20096xi32, #tpu.memory_space<vmem>>, vector<16xi32>,
        %broadcast_in_dim3A_144 = arith.constant true
        %broadcast_in_dim3A_145 = vector.broadcast %broadcast_in_dim3A_144 : i1 to vector<16xi1>
        %masked_cumsum3A_146 = tpu.scan <sum>, %get3A_143 masked %broadcast_in_dim3A_145 : vector<16xi32>, vector<16xi1> -> vector<16xi32>
        %sub3A_147 = arith.subi %masked_cumsum3A_146, %get3A_143 : vector<16xi32>
        %add3A_148 = arith.addi %sub3A_147, %add3A_135 : vector<16xi32>
        %gt3A_149 = arith.constant 0 : i32
        %gt3A_150 = vector.broadcast %gt3A_149 : i32 to vector<16xi32>
        %gt3A_151 = arith.cmpi sgt, %get3A_143, %gt3A_150 : vector<16xi32>
        %lt3A_152 = arith.constant 1000 : i32
        %lt3A_153 = vector.broadcast %lt3A_152 : i32 to vector<16xi32>
        %lt3A_154 = arith.cmpi slt, %add3A_148, %lt3A_153 : vector<16xi32>
        %and3A_155 = arith.andi %gt3A_151, %lt3A_154 : vector<16xi1>
        %mul3A_156 = arith.constant 16 : i32
        %mul3A_157 = arith.muli %add3A_139, %mul3A_156 : i32
        %add3A_158 = vector.broadcast %mul3A_157 : i32 to vector<16xi32>
        %add3A_159 = arith.addi %add3A_158, %iota3A : vector<16xi32>
        tpu.vector_store_idx %arg21[%add3A_148], %add3A_159 masked %and3A_155 : memref<1024xi32, #tpu.memory_space<vmem>>[vector<16xi32>], vector<16xi32>, vector<16xi1>
        %gt3A_160 = arith.constant 0 : i32
        %gt3A_161 = vector.broadcast %gt3A_160 : i32 to vector<16xi32>
        %gt3A_162 = arith.cmpi sgt, %get3A_143, %gt3A_161 : vector<16xi32>
        %all_reduce_population_count3A_163 = tpu.all_reduce %gt3A_162 {dim = 0 : i64, kind = #tpu.reduction_kind<sum>} : vector<16xi1> -> vector<16xi32>
        %add3A_164 = arith.addi %add3A_135, %all_reduce_population_count3A_163 : vector<16xi32>
        %mul3A_165 = arith.constant 8 : i32
        %mul3A_166 = arith.muli %scan3A_25, %mul3A_165 : i32
        %add3A_167 = arith.constant 5 : i32
        %add3A_168 = arith.addi %mul3A_166, %add3A_167 : i32
        %mul3A_169 = arith.constant 16 : i32
        %mul3A_170 = arith.muli %add3A_168, %mul3A_169 : i32
        %get3A_171 = arith.index_cast %mul3A_170 : i32 to index
        %get3A_172 = tpu.vector_load %arg14[%get3A_171] {strides = array<i32>} : memref<20096xi32, #tpu.memory_space<vmem>>, vector<16xi32>,
        %broadcast_in_dim3A_173 = arith.constant true
        %broadcast_in_dim3A_174 = vector.broadcast %broadcast_in_dim3A_173 : i1 to vector<16xi1>
        %masked_cumsum3A_175 = tpu.scan <sum>, %get3A_172 masked %broadcast_in_dim3A_174 : vector<16xi32>, vector<16xi1> -> vector<16xi32>
        %sub3A_176 = arith.subi %masked_cumsum3A_175, %get3A_172 : vector<16xi32>
        %add3A_177 = arith.addi %sub3A_176, %add3A_164 : vector<16xi32>
        %gt3A_178 = arith.constant 0 : i32
        %gt3A_179 = vector.broadcast %gt3A_178 : i32 to vector<16xi32>
        %gt3A_180 = arith.cmpi sgt, %get3A_172, %gt3A_179 : vector<16xi32>
        %lt3A_181 = arith.constant 1000 : i32
        %lt3A_182 = vector.broadcast %lt3A_181 : i32 to vector<16xi32>
        %lt3A_183 = arith.cmpi slt, %add3A_177, %lt3A_182 : vector<16xi32>
        %and3A_184 = arith.andi %gt3A_180, %lt3A_183 : vector<16xi1>
        %mul3A_185 = arith.constant 16 : i32
        %mul3A_186 = arith.muli %add3A_168, %mul3A_185 : i32
        %add3A_187 = vector.broadcast %mul3A_186 : i32 to vector<16xi32>
        %add3A_188 = arith.addi %add3A_187, %iota3A : vector<16xi32>
        tpu.vector_store_idx %arg21[%add3A_177], %add3A_188 masked %and3A_184 : memref<1024xi32, #tpu.memory_space<vmem>>[vector<16xi32>], vector<16xi32>, vector<16xi1>
        %gt3A_189 = arith.constant 0 : i32
        %gt3A_190 = vector.broadcast %gt3A_189 : i32 to vector<16xi32>
        %gt3A_191 = arith.cmpi sgt, %get3A_172, %gt3A_190 : vector<16xi32>
        %all_reduce_population_count3A_192 = tpu.all_reduce %gt3A_191 {dim = 0 : i64, kind = #tpu.reduction_kind<sum>} : vector<16xi1> -> vector<16xi32>
        %add3A_193 = arith.addi %add3A_164, %all_reduce_population_count3A_192 : vector<16xi32>
        %mul3A_194 = arith.constant 8 : i32
        %mul3A_195 = arith.muli %scan3A_25, %mul3A_194 : i32
        %add3A_196 = arith.constant 6 : i32
        %add3A_197 = arith.addi %mul3A_195, %add3A_196 : i32
        %mul3A_198 = arith.constant 16 : i32
        %mul3A_199 = arith.muli %add3A_197, %mul3A_198 : i32
        %get3A_200 = arith.index_cast %mul3A_199 : i32 to index
        %get3A_201 = tpu.vector_load %arg14[%get3A_200] {strides = array<i32>} : memref<20096xi32, #tpu.memory_space<vmem>>, vector<16xi32>,
        %broadcast_in_dim3A_202 = arith.constant true
        %broadcast_in_dim3A_203 = vector.broadcast %broadcast_in_dim3A_202 : i1 to vector<16xi1>
        %masked_cumsum3A_204 = tpu.scan <sum>, %get3A_201 masked %broadcast_in_dim3A_203 : vector<16xi32>, vector<16xi1> -> vector<16xi32>
        %sub3A_205 = arith.subi %masked_cumsum3A_204, %get3A_201 : vector<16xi32>
        %add3A_206 = arith.addi %sub3A_205, %add3A_193 : vector<16xi32>
        %gt3A_207 = arith.constant 0 : i32
        %gt3A_208 = vector.broadcast %gt3A_207 : i32 to vector<16xi32>
        %gt3A_209 = arith.cmpi sgt, %get3A_201, %gt3A_208 : vector<16xi32>
        %lt3A_210 = arith.constant 1000 : i32
        %lt3A_211 = vector.broadcast %lt3A_210 : i32 to vector<16xi32>
        %lt3A_212 = arith.cmpi slt, %add3A_206, %lt3A_211 : vector<16xi32>
        %and3A_213 = arith.andi %gt3A_209, %lt3A_212 : vector<16xi1>
        %mul3A_214 = arith.constant 16 : i32
        %mul3A_215 = arith.muli %add3A_197, %mul3A_214 : i32
        %add3A_216 = vector.broadcast %mul3A_215 : i32 to vector<16xi32>
        %add3A_217 = arith.addi %add3A_216, %iota3A : vector<16xi32>
        tpu.vector_store_idx %arg21[%add3A_206], %add3A_217 masked %and3A_213 : memref<1024xi32, #tpu.memory_space<vmem>>[vector<16xi32>], vector<16xi32>, vector<16xi1>
        %gt3A_218 = arith.constant 0 : i32
        %gt3A_219 = vector.broadcast %gt3A_218 : i32 to vector<16xi32>
        %gt3A_220 = arith.cmpi sgt, %get3A_201, %gt3A_219 : vector<16xi32>
        %all_reduce_population_count3A_221 = tpu.all_reduce %gt3A_220 {dim = 0 : i64, kind = #tpu.reduction_kind<sum>} : vector<16xi1> -> vector<16xi32>
        %add3A_222 = arith.addi %add3A_193, %all_reduce_population_count3A_221 : vector<16xi32>
        %mul3A_223 = arith.constant 8 : i32
        %mul3A_224 = arith.muli %scan3A_25, %mul3A_223 : i32
        %add3A_225 = arith.constant 7 : i32
        %add3A_226 = arith.addi %mul3A_224, %add3A_225 : i32
        %mul3A_227 = arith.constant 16 : i32
        %mul3A_228 = arith.muli %add3A_226, %mul3A_227 : i32
        %get3A_229 = arith.index_cast %mul3A_228 : i32 to index
        %get3A_230 = tpu.vector_load %arg14[%get3A_229] {strides = array<i32>} : memref<20096xi32, #tpu.memory_space<vmem>>, vector<16xi32>,
        %broadcast_in_dim3A_231 = arith.constant true
        %broadcast_in_dim3A_232 = vector.broadcast %broadcast_in_dim3A_231 : i1 to vector<16xi1>
        %masked_cumsum3A_233 = tpu.scan <sum>, %get3A_230 masked %broadcast_in_dim3A_232 : vector<16xi32>, vector<16xi1> -> vector<16xi32>
        %sub3A_234 = arith.subi %masked_cumsum3A_233, %get3A_230 : vector<16xi32>
        %add3A_235 = arith.addi %sub3A_234, %add3A_222 : vector<16xi32>
        %gt3A_236 = arith.constant 0 : i32
        %gt3A_237 = vector.broadcast %gt3A_236 : i32 to vector<16xi32>
        %gt3A_238 = arith.cmpi sgt, %get3A_230, %gt3A_237 : vector<16xi32>
        %lt3A_239 = arith.constant 1000 : i32
        %lt3A_240 = vector.broadcast %lt3A_239 : i32 to vector<16xi32>
        %lt3A_241 = arith.cmpi slt, %add3A_235, %lt3A_240 : vector<16xi32>
        %and3A_242 = arith.andi %gt3A_238, %lt3A_241 : vector<16xi1>
        %mul3A_243 = arith.constant 16 : i32
        %mul3A_244 = arith.muli %add3A_226, %mul3A_243 : i32
        %add3A_245 = vector.broadcast %mul3A_244 : i32 to vector<16xi32>
        %add3A_246 = arith.addi %add3A_245, %iota3A : vector<16xi32>
        tpu.vector_store_idx %arg21[%add3A_235], %add3A_246 masked %and3A_242 : memref<1024xi32, #tpu.memory_space<vmem>>[vector<16xi32>], vector<16xi32>, vector<16xi1>
        %gt3A_247 = arith.constant 0 : i32
        %gt3A_248 = vector.broadcast %gt3A_247 : i32 to vector<16xi32>
        %gt3A_249 = arith.cmpi sgt, %get3A_230, %gt3A_248 : vector<16xi32>
        %all_reduce_population_count3A_250 = tpu.all_reduce %gt3A_249 {dim = 0 : i64, kind = #tpu.reduction_kind<sum>} : vector<16xi1> -> vector<16xi32>
        %add3A_251 = arith.addi %add3A_222, %all_reduce_population_count3A_250 : vector<16xi32>
        scf.yield %add3A_251 : vector<16xi32>
      }
      %scan3A_17 = arith.constant 157 : i32
      %scan3A_18 = arith.constant 0 : i32
      %scan3A_19 = arith.constant 0 : i32
      %scan3A_20 = arith.constant 64 : i32
      %scan3A_21 = arith.addi %scan3A_19, %scan3A_20 : i32
      %scan3A_22 = arith.constant 1 : i32
      %scan3A_23 = scf.for %scan3A_25 = %scan3A_19 to %scan3A_21 step %scan3A_22 iter_args(%scan3A_26 = %scan3A_18) -> (i32)  : i32 {
        %mul3A = arith.constant 16 : i32
        %mul3A_27 = arith.muli %scan3A_25, %mul3A : i32
        %get3A_28 = arith.index_cast %mul3A_27 : i32 to index
        %get3A_29 = tpu.vector_load %arg21[%get3A_28] {strides = array<i32>} : memref<1024xi32, #tpu.memory_space<vmem>>, vector<16xi32>,
        %gather3A = tpu.vector_load_idx %arg16[%get3A_29] : memref<20096xf32, #tpu.memory_space<vmem>>[vector<16xi32>], vector<16xf32>,
        %mul3A_30 = arith.constant 16 : i32
        %mul3A_31 = arith.muli %scan3A_25, %mul3A_30 : i32
        %swap3A = arith.index_cast %mul3A_31 : i32 to index
        %swap3A_32 = tpu.vector_load %arg22[%swap3A] {strides = array<i32>} : memref<1024xf32, #tpu.memory_space<vmem>>, vector<16xf32>,
        tpu.vector_store %arg22[%swap3A], %gather3A {strides = array<i32>} : memref<1024xf32, #tpu.memory_space<vmem>>, vector<16xf32>,
        %gather3A_33 = tpu.vector_load_idx %arg17[%get3A_29] : memref<20096xf32, #tpu.memory_space<vmem>>[vector<16xi32>], vector<16xf32>,
        %mul3A_34 = arith.constant 16 : i32
        %mul3A_35 = arith.muli %scan3A_25, %mul3A_34 : i32
        %swap3A_36 = arith.index_cast %mul3A_35 : i32 to index
        %swap3A_37 = tpu.vector_load %arg23[%swap3A_36] {strides = array<i32>} : memref<1024xf32, #tpu.memory_space<vmem>>, vector<16xf32>,
        tpu.vector_store %arg23[%swap3A_36], %gather3A_33 {strides = array<i32>} : memref<1024xf32, #tpu.memory_space<vmem>>, vector<16xf32>,
        %gather3A_38 = tpu.vector_load_idx %arg18[%get3A_29] : memref<20096xf32, #tpu.memory_space<vmem>>[vector<16xi32>], vector<16xf32>,
        %mul3A_39 = arith.constant 16 : i32
        %mul3A_40 = arith.muli %scan3A_25, %mul3A_39 : i32
        %swap3A_41 = arith.index_cast %mul3A_40 : i32 to index
        %swap3A_42 = tpu.vector_load %arg24[%swap3A_41] {strides = array<i32>} : memref<1024xf32, #tpu.memory_space<vmem>>, vector<16xf32>,
        tpu.vector_store %arg24[%swap3A_41], %gather3A_38 {strides = array<i32>} : memref<1024xf32, #tpu.memory_space<vmem>>, vector<16xf32>,
        %gather3A_43 = tpu.vector_load_idx %arg19[%get3A_29] : memref<20096xf32, #tpu.memory_space<vmem>>[vector<16xi32>], vector<16xf32>,
        %mul3A_44 = arith.constant 16 : i32
        %mul3A_45 = arith.muli %scan3A_25, %mul3A_44 : i32
        %swap3A_46 = arith.index_cast %mul3A_45 : i32 to index
        %swap3A_47 = tpu.vector_load %arg25[%swap3A_46] {strides = array<i32>} : memref<1024xf32, #tpu.memory_space<vmem>>, vector<16xf32>,
        tpu.vector_store %arg25[%swap3A_46], %gather3A_43 {strides = array<i32>} : memref<1024xf32, #tpu.memory_space<vmem>>, vector<16xf32>,
        %gather3A_48 = tpu.vector_load_idx %arg20[%get3A_29] : memref<20096xf32, #tpu.memory_space<vmem>>[vector<16xi32>], vector<16xf32>,
        %mul3A_49 = arith.constant 16 : i32
        %mul3A_50 = arith.muli %scan3A_25, %mul3A_49 : i32
        %swap3A_51 = arith.index_cast %mul3A_50 : i32 to index
        %swap3A_52 = tpu.vector_load %arg26[%swap3A_51] {strides = array<i32>} : memref<1024xf32, #tpu.memory_space<vmem>>, vector<16xf32>,
        tpu.vector_store %arg26[%swap3A_51], %gather3A_48 {strides = array<i32>} : memref<1024xf32, #tpu.memory_space<vmem>>, vector<16xf32>,
        %scan3A_53 = arith.constant 0 : i32
        scf.yield %scan3A_53 : i32
      }
      %scan3A_24 = arith.constant 64 : i32
      "tpu.region"() ({
        %run_scoped3A = tpu.sem_alloc : memref<!tpu.dma_semaphore, #tpu.memory_space<semaphore_mem>>
        tpu.enqueue_dma source(%arg22 : memref<1024xf32, #tpu.memory_space<vmem>>) target(%arg9 : memref<1024xf32, #tpu.memory_space<hbm>>) target_semaphore(%run_scoped3A : memref<!tpu.dma_semaphore, #tpu.memory_space<semaphore_mem>>)
        tpu.wait_dma2 semaphore(%run_scoped3A : memref<!tpu.dma_semaphore, #tpu.memory_space<semaphore_mem>>) src(%arg22 : memref<1024xf32, #tpu.memory_space<vmem>>) dst(%arg9 : memref<1024xf32, #tpu.memory_space<hbm>>)
        tpu.yield
      }) : () -> ()
      "tpu.region"() ({
        %run_scoped3A = tpu.sem_alloc : memref<!tpu.dma_semaphore, #tpu.memory_space<semaphore_mem>>
        tpu.enqueue_dma source(%arg23 : memref<1024xf32, #tpu.memory_space<vmem>>) target(%arg10 : memref<1024xf32, #tpu.memory_space<hbm>>) target_semaphore(%run_scoped3A : memref<!tpu.dma_semaphore, #tpu.memory_space<semaphore_mem>>)
        tpu.wait_dma2 semaphore(%run_scoped3A : memref<!tpu.dma_semaphore, #tpu.memory_space<semaphore_mem>>) src(%arg23 : memref<1024xf32, #tpu.memory_space<vmem>>) dst(%arg10 : memref<1024xf32, #tpu.memory_space<hbm>>)
        tpu.yield
      }) : () -> ()
      "tpu.region"() ({
        %run_scoped3A = tpu.sem_alloc : memref<!tpu.dma_semaphore, #tpu.memory_space<semaphore_mem>>
        tpu.enqueue_dma source(%arg24 : memref<1024xf32, #tpu.memory_space<vmem>>) target(%arg11 : memref<1024xf32, #tpu.memory_space<hbm>>) target_semaphore(%run_scoped3A : memref<!tpu.dma_semaphore, #tpu.memory_space<semaphore_mem>>)
        tpu.wait_dma2 semaphore(%run_scoped3A : memref<!tpu.dma_semaphore, #tpu.memory_space<semaphore_mem>>) src(%arg24 : memref<1024xf32, #tpu.memory_space<vmem>>) dst(%arg11 : memref<1024xf32, #tpu.memory_space<hbm>>)
        tpu.yield
      }) : () -> ()
      "tpu.region"() ({
        %run_scoped3A = tpu.sem_alloc : memref<!tpu.dma_semaphore, #tpu.memory_space<semaphore_mem>>
        tpu.enqueue_dma source(%arg25 : memref<1024xf32, #tpu.memory_space<vmem>>) target(%arg12 : memref<1024xf32, #tpu.memory_space<hbm>>) target_semaphore(%run_scoped3A : memref<!tpu.dma_semaphore, #tpu.memory_space<semaphore_mem>>)
        tpu.wait_dma2 semaphore(%run_scoped3A : memref<!tpu.dma_semaphore, #tpu.memory_space<semaphore_mem>>) src(%arg25 : memref<1024xf32, #tpu.memory_space<vmem>>) dst(%arg12 : memref<1024xf32, #tpu.memory_space<hbm>>)
        tpu.yield
      }) : () -> ()
      "tpu.region"() ({
        %run_scoped3A = tpu.sem_alloc : memref<!tpu.dma_semaphore, #tpu.memory_space<semaphore_mem>>
        tpu.enqueue_dma source(%arg26 : memref<1024xf32, #tpu.memory_space<vmem>>) target(%arg13 : memref<1024xf32, #tpu.memory_space<hbm>>) target_semaphore(%run_scoped3A : memref<!tpu.dma_semaphore, #tpu.memory_space<semaphore_mem>>)
        tpu.wait_dma2 semaphore(%run_scoped3A : memref<!tpu.dma_semaphore, #tpu.memory_space<semaphore_mem>>) src(%arg26 : memref<1024xf32, #tpu.memory_space<vmem>>) dst(%arg13 : memref<1024xf32, #tpu.memory_space<hbm>>)
        tpu.yield
      }) : () -> ()
    } else {
    }
    return
  }
}

module attributes {stable_mosaic.version = 14 : i64} {
  func.func @_nms_body(%arg0: memref<157x1x128xf32, #tpu.memory_space<vmem>>, %arg1: memref<157x1x128xf32, #tpu.memory_space<vmem>>, %arg2: memref<157x1x128xf32, #tpu.memory_space<vmem>>, %arg3: memref<157x1x128xf32, #tpu.memory_space<vmem>>, %arg4: memref<157x1x128xf32, #tpu.memory_space<vmem>>, %arg5: memref<1x1xi32, #tpu.memory_space<smem>>, %arg6: memref<157x1x128xf32, #tpu.memory_space<vmem>>, %arg7: memref<128x128xf32, #tpu.memory_space<vmem>>, %arg8: memref<1x128xf32, #tpu.memory_space<vmem>>, %arg9: memref<1x128xf32, #tpu.memory_space<vmem>>, %arg10: memref<128x128xf32, #tpu.memory_space<vmem>>, %arg11: memref<1xi32, #tpu.memory_space<smem>>) attributes {dimension_semantics = [], scalar_prefetch = 0 : i64, scratch_operands = 6 : i64, tpu.core_type = #tpu.core_type<tc>} {
    %iota3A = tpu.iota {dimensions = array<i32: 0>} : vector<128x128xi32>
    %iota3A_0 = tpu.iota {dimensions = array<i32: 1>} : vector<128x128xi32>
    %eq3A = arith.cmpi eq, %iota3A, %iota3A_0 : vector<128x128xi32>
    %jit3A = arith.constant 1.000000e+00 : f32
    %jit3A_1 = arith.constant 0.000000e+00 : f32
    %broadcast_in_dim3A = vector.broadcast %jit3A : f32 to vector<128x128xf32>
    %broadcast_in_dim3A_2 = vector.broadcast %jit3A_1 : f32 to vector<128x128xf32>
    %select_n3A = arith.select %eq3A, %broadcast_in_dim3A, %broadcast_in_dim3A_2 : vector<128x128xi1>, vector<128x128xf32>
    %swap3A = arith.constant 0 : index
    %swap3A_3 = arith.constant 0 : index
    %swap3A_4 = vector.load %arg10[%swap3A, %swap3A_3] : memref<128x128xf32, #tpu.memory_space<vmem>>, vector<128x128xf32>
    tpu.vector_store %arg10[%swap3A, %swap3A_3], %select_n3A {strides = array<i32>} : memref<128x128xf32, #tpu.memory_space<vmem>>, vector<128x128xf32>,
    %swap3A_5 = arith.constant 0 : i32
    %swap3A_6 = arith.constant 0 : index
    %swap3A_7 = arith.constant 0 : index
    %swap3A_8 = memref.load %arg5[%swap3A_6, %swap3A_7] : memref<1x1xi32, #tpu.memory_space<smem>>
    memref.store %swap3A_5, %arg5[%swap3A_6, %swap3A_7] : memref<1x1xi32, #tpu.memory_space<smem>>
    %scan3A = arith.constant 0 : i32
    %scan3A_9 = arith.constant 157 : i32
    %scan3A_10 = arith.addi %scan3A, %scan3A_9 : i32
    %scan3A_11 = arith.constant 1 : i32
    scf.for %scan3A_20 = %scan3A to %scan3A_10 step %scan3A_11  : i32 {
      %get3A_21 = arith.index_cast %scan3A_20 : i32 to index
      %get3A_22 = arith.constant 0 : index
      %get3A_23 = arith.constant 0 : index
      %get3A_24 = vector.load %arg0[%get3A_21, %get3A_22, %get3A_23] : memref<157x1x128xf32, #tpu.memory_space<vmem>>, vector<1x1x128xf32>
      %reshape3A = vector.shape_cast %get3A_24 : vector<1x1x128xf32> to vector<1x128xf32>
      %get3A_25 = arith.index_cast %scan3A_20 : i32 to index
      %get3A_26 = arith.constant 0 : index
      %get3A_27 = arith.constant 0 : index
      %get3A_28 = vector.load %arg1[%get3A_25, %get3A_26, %get3A_27] : memref<157x1x128xf32, #tpu.memory_space<vmem>>, vector<1x1x128xf32>
      %reshape3A_29 = vector.shape_cast %get3A_28 : vector<1x1x128xf32> to vector<1x128xf32>
      %get3A_30 = arith.index_cast %scan3A_20 : i32 to index
      %get3A_31 = arith.constant 0 : index
      %get3A_32 = arith.constant 0 : index
      %get3A_33 = vector.load %arg2[%get3A_30, %get3A_31, %get3A_32] : memref<157x1x128xf32, #tpu.memory_space<vmem>>, vector<1x1x128xf32>
      %reshape3A_34 = vector.shape_cast %get3A_33 : vector<1x1x128xf32> to vector<1x128xf32>
      %get3A_35 = arith.index_cast %scan3A_20 : i32 to index
      %get3A_36 = arith.constant 0 : index
      %get3A_37 = arith.constant 0 : index
      %get3A_38 = vector.load %arg3[%get3A_35, %get3A_36, %get3A_37] : memref<157x1x128xf32, #tpu.memory_space<vmem>>, vector<1x1x128xf32>
      %reshape3A_39 = vector.shape_cast %get3A_38 : vector<1x1x128xf32> to vector<1x128xf32>
      %sub3A = arith.subf %reshape3A_39, %reshape3A_29 : vector<1x128xf32>
      %sub3A_40 = arith.subf %reshape3A_34, %reshape3A : vector<1x128xf32>
      %mul3A = arith.mulf %sub3A, %sub3A_40 : vector<1x128xf32>
      %reshape3A_41 = vector.shape_cast %mul3A : vector<1x128xf32> to vector<1x1x128xf32>
      %swap3A_42 = arith.index_cast %scan3A_20 : i32 to index
      %swap3A_43 = arith.constant 0 : index
      %swap3A_44 = arith.constant 0 : index
      %swap3A_45 = vector.load %arg6[%swap3A_42, %swap3A_43, %swap3A_44] : memref<157x1x128xf32, #tpu.memory_space<vmem>>, vector<1x1x128xf32>
      tpu.vector_store %arg6[%swap3A_42, %swap3A_43, %swap3A_44], %reshape3A_41 {strides = array<i32>} : memref<157x1x128xf32, #tpu.memory_space<vmem>>, vector<1x1x128xf32>,
      %broadcast_in_dim3A_46 = arith.constant 0.000000e+00 : f32
      %broadcast_in_dim3A_47 = vector.broadcast %broadcast_in_dim3A_46 : f32 to vector<1x1x128xf32>
      %swap3A_48 = arith.index_cast %scan3A_20 : i32 to index
      %swap3A_49 = arith.constant 0 : index
      %swap3A_50 = arith.constant 0 : index
      %swap3A_51 = vector.load %arg4[%swap3A_48, %swap3A_49, %swap3A_50] : memref<157x1x128xf32, #tpu.memory_space<vmem>>, vector<1x1x128xf32>
      tpu.vector_store %arg4[%swap3A_48, %swap3A_49, %swap3A_50], %broadcast_in_dim3A_47 {strides = array<i32>} : memref<157x1x128xf32, #tpu.memory_space<vmem>>, vector<1x1x128xf32>,
    }
    %scan3A_12 = arith.constant 157 : i32
    %get3A = arith.constant 0 : index
    %get3A_13 = arith.constant 0 : index
    %get3A_14 = vector.load %arg10[%get3A, %get3A_13] : memref<128x128xf32, #tpu.memory_space<vmem>>, vector<128x128xf32>
    %scan3A_15 = arith.constant 0 : i32
    %scan3A_16 = arith.constant 157 : i32
    %scan3A_17 = arith.addi %scan3A_15, %scan3A_16 : i32
    %scan3A_18 = arith.constant 1 : i32
    scf.for %scan3A_20 = %scan3A_15 to %scan3A_17 step %scan3A_18  : i32 {
      %get3A_21 = arith.constant 0 : index
      %get3A_22 = arith.constant 0 : index
      %get3A_23 = memref.load %arg5[%get3A_21, %get3A_22] : memref<1x1xi32, #tpu.memory_space<smem>>
      %lt3A = arith.constant 1000 : i32
      %lt3A_24 = arith.cmpi slt, %get3A_23, %lt3A : i32
      %convert_element_type3A = arith.extui %lt3A_24 : i1 to i32
      %cond3A = arith.constant 0 : i32
      %cond3A_25 = arith.cmpi ne, %convert_element_type3A, %cond3A : i32
      scf.if %cond3A_25 {
        %get3A_26 = arith.index_cast %scan3A_20 : i32 to index
        %get3A_27 = arith.constant 0 : index
        %get3A_28 = arith.constant 0 : index
        %get3A_29 = vector.load %arg0[%get3A_26, %get3A_27, %get3A_28] : memref<157x1x128xf32, #tpu.memory_space<vmem>>, vector<1x1x128xf32>
        %reshape3A = vector.shape_cast %get3A_29 : vector<1x1x128xf32> to vector<1x128xf32>
        %get3A_30 = arith.index_cast %scan3A_20 : i32 to index
        %get3A_31 = arith.constant 0 : index
        %get3A_32 = arith.constant 0 : index
        %get3A_33 = vector.load %arg1[%get3A_30, %get3A_31, %get3A_32] : memref<157x1x128xf32, #tpu.memory_space<vmem>>, vector<1x1x128xf32>
        %reshape3A_34 = vector.shape_cast %get3A_33 : vector<1x1x128xf32> to vector<1x128xf32>
        %get3A_35 = arith.index_cast %scan3A_20 : i32 to index
        %get3A_36 = arith.constant 0 : index
        %get3A_37 = arith.constant 0 : index
        %get3A_38 = vector.load %arg2[%get3A_35, %get3A_36, %get3A_37] : memref<157x1x128xf32, #tpu.memory_space<vmem>>, vector<1x1x128xf32>
        %reshape3A_39 = vector.shape_cast %get3A_38 : vector<1x1x128xf32> to vector<1x128xf32>
        %get3A_40 = arith.index_cast %scan3A_20 : i32 to index
        %get3A_41 = arith.constant 0 : index
        %get3A_42 = arith.constant 0 : index
        %get3A_43 = vector.load %arg3[%get3A_40, %get3A_41, %get3A_42] : memref<157x1x128xf32, #tpu.memory_space<vmem>>, vector<1x1x128xf32>
        %reshape3A_44 = vector.shape_cast %get3A_43 : vector<1x1x128xf32> to vector<1x128xf32>
        %get3A_45 = arith.index_cast %scan3A_20 : i32 to index
        %get3A_46 = arith.constant 0 : index
        %get3A_47 = arith.constant 0 : index
        %get3A_48 = vector.load %arg6[%get3A_45, %get3A_46, %get3A_47] : memref<157x1x128xf32, #tpu.memory_space<vmem>>, vector<1x1x128xf32>
        %reshape3A_49 = vector.shape_cast %get3A_48 : vector<1x1x128xf32> to vector<1x128xf32>
        %broadcast_in_dim3A_50 = arith.constant 0.000000e+00 : f32
        %broadcast_in_dim3A_51 = vector.broadcast %broadcast_in_dim3A_50 : f32 to vector<1x128xf32>
        %swap3A_52 = arith.constant 0 : index
        %swap3A_53 = arith.constant 0 : index
        %swap3A_54 = vector.load %arg8[%swap3A_52, %swap3A_53] : memref<1x128xf32, #tpu.memory_space<vmem>>, vector<1x128xf32>
        tpu.vector_store %arg8[%swap3A_52, %swap3A_53], %broadcast_in_dim3A_51 {strides = array<i32>} : memref<1x128xf32, #tpu.memory_space<vmem>>, vector<1x128xf32>,
        %while3A = arith.constant 0 : i32
        %while3A_55 = arith.constant 0 : i32
        %while3A_56 = arith.subi %scan3A_20, %while3A : i32
        %while3A_57 = arith.addi %while3A, %while3A_56 : i32
        %while3A_58 = arith.constant 1 : i32
        %while3A_59 = arith.divsi %while3A_56, %while3A_58 : i32
        %while3A_60 = arith.muli %while3A_59, %while3A_58 : i32
        %while3A_61 = arith.addi %while3A, %while3A_60 : i32
        %while3A_62 = arith.constant 1 : i32
        %while3A_63 = scf.for %while3A_162 = %while3A to %while3A_61 step %while3A_62 iter_args(%while3A_163 = %while3A_55) -> (i32)  : i32 {
          %get3A_164 = arith.index_cast %while3A_162 : i32 to index
          %get3A_165 = arith.constant 0 : index
          %get3A_166 = arith.constant 0 : index
          %get3A_167 = vector.load %arg0[%get3A_164, %get3A_165, %get3A_166] : memref<157x1x128xf32, #tpu.memory_space<vmem>>, vector<1x1x128xf32>
          %reshape3A_168 = vector.shape_cast %get3A_167 : vector<1x1x128xf32> to vector<1x128xf32>
          %get3A_169 = arith.index_cast %while3A_162 : i32 to index
          %get3A_170 = arith.constant 0 : index
          %get3A_171 = arith.constant 0 : index
          %get3A_172 = vector.load %arg1[%get3A_169, %get3A_170, %get3A_171] : memref<157x1x128xf32, #tpu.memory_space<vmem>>, vector<1x1x128xf32>
          %reshape3A_173 = vector.shape_cast %get3A_172 : vector<1x1x128xf32> to vector<1x128xf32>
          %get3A_174 = arith.index_cast %while3A_162 : i32 to index
          %get3A_175 = arith.constant 0 : index
          %get3A_176 = arith.constant 0 : index
          %get3A_177 = vector.load %arg2[%get3A_174, %get3A_175, %get3A_176] : memref<157x1x128xf32, #tpu.memory_space<vmem>>, vector<1x1x128xf32>
          %reshape3A_178 = vector.shape_cast %get3A_177 : vector<1x1x128xf32> to vector<1x128xf32>
          %get3A_179 = arith.index_cast %while3A_162 : i32 to index
          %get3A_180 = arith.constant 0 : index
          %get3A_181 = arith.constant 0 : index
          %get3A_182 = vector.load %arg3[%get3A_179, %get3A_180, %get3A_181] : memref<157x1x128xf32, #tpu.memory_space<vmem>>, vector<1x1x128xf32>
          %reshape3A_183 = vector.shape_cast %get3A_182 : vector<1x1x128xf32> to vector<1x128xf32>
          %dot_general3A_184 = arith.constant dense<0.000000e+00> : vector<128x1xf32>
          %dot_general3A_185 = tpu.matmul %get3A_14, %reshape3A_168, %dot_general3A_184 {dimension_numbers = #tpu.dot_dimension_numbers<[1], [1], [0], [0], [0, 0, 1, 0], [], []>, transpose_lhs_hint = false} : vector<128x128xf32>, vector<1x128xf32>, vector<128x1xf32> -> vector<128x1xf32>
          %dot_general3A_186 = arith.constant dense<0.000000e+00> : vector<128x1xf32>
          %dot_general3A_187 = tpu.matmul %get3A_14, %reshape3A_173, %dot_general3A_186 {dimension_numbers = #tpu.dot_dimension_numbers<[1], [1], [0], [0], [0, 0, 1, 0], [], []>, transpose_lhs_hint = false} : vector<128x128xf32>, vector<1x128xf32>, vector<128x1xf32> -> vector<128x1xf32>
          %dot_general3A_188 = arith.constant dense<0.000000e+00> : vector<128x1xf32>
          %dot_general3A_189 = tpu.matmul %get3A_14, %reshape3A_178, %dot_general3A_188 {dimension_numbers = #tpu.dot_dimension_numbers<[1], [1], [0], [0], [0, 0, 1, 0], [], []>, transpose_lhs_hint = false} : vector<128x128xf32>, vector<1x128xf32>, vector<128x1xf32> -> vector<128x1xf32>
          %dot_general3A_190 = arith.constant dense<0.000000e+00> : vector<128x1xf32>
          %dot_general3A_191 = tpu.matmul %get3A_14, %reshape3A_183, %dot_general3A_190 {dimension_numbers = #tpu.dot_dimension_numbers<[1], [1], [0], [0], [0, 0, 1, 0], [], []>, transpose_lhs_hint = false} : vector<128x128xf32>, vector<1x128xf32>, vector<128x1xf32> -> vector<128x1xf32>
          %get3A_192 = arith.index_cast %while3A_162 : i32 to index
          %get3A_193 = arith.constant 0 : index
          %get3A_194 = arith.constant 0 : index
          %get3A_195 = vector.load %arg6[%get3A_192, %get3A_193, %get3A_194] : memref<157x1x128xf32, #tpu.memory_space<vmem>>, vector<1x1x128xf32>
          %reshape3A_196 = vector.shape_cast %get3A_195 : vector<1x1x128xf32> to vector<1x128xf32>
          %dot_general3A_197 = arith.constant dense<0.000000e+00> : vector<128x1xf32>
          %dot_general3A_198 = tpu.matmul %get3A_14, %reshape3A_196, %dot_general3A_197 {dimension_numbers = #tpu.dot_dimension_numbers<[1], [1], [0], [0], [0, 0, 1, 0], [], []>, transpose_lhs_hint = false} : vector<128x128xf32>, vector<1x128xf32>, vector<128x1xf32> -> vector<128x1xf32>
          %max3A_199 = vector.broadcast %dot_general3A_187 : vector<128x1xf32> to vector<128x128xf32>
          %max3A_200 = vector.broadcast %reshape3A_34 : vector<1x128xf32> to vector<128x128xf32>
          %max3A_201 = arith.maximumf %max3A_199, %max3A_200 : vector<128x128xf32>
          %max3A_202 = vector.broadcast %dot_general3A_185 : vector<128x1xf32> to vector<128x128xf32>
          %max3A_203 = vector.broadcast %reshape3A : vector<1x128xf32> to vector<128x128xf32>
          %max3A_204 = arith.maximumf %max3A_202, %max3A_203 : vector<128x128xf32>
          %min3A_205 = vector.broadcast %dot_general3A_191 : vector<128x1xf32> to vector<128x128xf32>
          %min3A_206 = vector.broadcast %reshape3A_44 : vector<1x128xf32> to vector<128x128xf32>
          %min3A_207 = arith.minimumf %min3A_205, %min3A_206 : vector<128x128xf32>
          %min3A_208 = vector.broadcast %dot_general3A_189 : vector<128x1xf32> to vector<128x128xf32>
          %min3A_209 = vector.broadcast %reshape3A_39 : vector<1x128xf32> to vector<128x128xf32>
          %min3A_210 = arith.minimumf %min3A_208, %min3A_209 : vector<128x128xf32>
          %sub3A_211 = arith.subf %min3A_207, %max3A_201 : vector<128x128xf32>
          %max3A_212 = arith.constant 0.000000e+00 : f32
          %max3A_213 = vector.broadcast %max3A_212 : f32 to vector<128x128xf32>
          %max3A_214 = arith.maximumf %sub3A_211, %max3A_213 : vector<128x128xf32>
          %sub3A_215 = arith.subf %min3A_210, %max3A_204 : vector<128x128xf32>
          %max3A_216 = arith.constant 0.000000e+00 : f32
          %max3A_217 = vector.broadcast %max3A_216 : f32 to vector<128x128xf32>
          %max3A_218 = arith.maximumf %sub3A_215, %max3A_217 : vector<128x128xf32>
          %mul3A_219 = arith.mulf %max3A_214, %max3A_218 : vector<128x128xf32>
          %add3A_220 = vector.broadcast %dot_general3A_198 : vector<128x1xf32> to vector<128x128xf32>
          %add3A_221 = vector.broadcast %reshape3A_49 : vector<1x128xf32> to vector<128x128xf32>
          %add3A_222 = arith.addf %add3A_220, %add3A_221 : vector<128x128xf32>
          %sub3A_223 = arith.subf %add3A_222, %mul3A_219 : vector<128x128xf32>
          %div3A_224 = arith.divf %mul3A_219, %sub3A_223 : vector<128x128xf32>
          %gt3A_225 = arith.constant 0.699999988 : f32
          %gt3A_226 = vector.broadcast %gt3A_225 : f32 to vector<128x128xf32>
          %gt3A_227 = arith.cmpf ogt, %div3A_224, %gt3A_226 : vector<128x128xf32>
          %jit3A_228 = arith.constant 1.000000e+00 : f32
          %jit3A_229 = arith.constant 0.000000e+00 : f32
          %broadcast_in_dim3A_230 = vector.broadcast %jit3A_228 : f32 to vector<128x128xf32>
          %broadcast_in_dim3A_231 = vector.broadcast %jit3A_229 : f32 to vector<128x128xf32>
          %select_n3A_232 = arith.select %gt3A_227, %broadcast_in_dim3A_230, %broadcast_in_dim3A_231 : vector<128x128xi1>, vector<128x128xf32>
          %get3A_233 = arith.index_cast %while3A_162 : i32 to index
          %get3A_234 = arith.constant 0 : index
          %get3A_235 = arith.constant 0 : index
          %get3A_236 = vector.load %arg4[%get3A_233, %get3A_234, %get3A_235] : memref<157x1x128xf32, #tpu.memory_space<vmem>>, vector<1x1x128xf32>
          %reshape3A_237 = vector.shape_cast %get3A_236 : vector<1x1x128xf32> to vector<1x128xf32>
          %dot_general3A_238 = arith.constant dense<0.000000e+00> : vector<1x128xf32>
          %dot_general3A_239 = tpu.matmul %reshape3A_237, %select_n3A_232, %dot_general3A_238 {dimension_numbers = #tpu.dot_dimension_numbers<[1], [0], [0], [1], [0, 0, 1, 1], [], []>, transpose_lhs_hint = false} : vector<1x128xf32>, vector<128x128xf32>, vector<1x128xf32> -> vector<1x128xf32>
          %get3A_240 = arith.constant 0 : index
          %get3A_241 = arith.constant 0 : index
          %get3A_242 = vector.load %arg8[%get3A_240, %get3A_241] : memref<1x128xf32, #tpu.memory_space<vmem>>, vector<1x128xf32>
          %gt3A_243 = arith.constant 0.000000e+00 : f32
          %gt3A_244 = vector.broadcast %gt3A_243 : f32 to vector<1x128xf32>
          %gt3A_245 = arith.cmpf ogt, %dot_general3A_239, %gt3A_244 : vector<1x128xf32>
          %jit3A_246 = arith.constant 1.000000e+00 : f32
          %jit3A_247 = arith.constant 0.000000e+00 : f32
          %broadcast_in_dim3A_248 = vector.broadcast %jit3A_246 : f32 to vector<1x128xf32>
          %broadcast_in_dim3A_249 = vector.broadcast %jit3A_247 : f32 to vector<1x128xf32>
          %select_n3A_250 = arith.select %gt3A_245, %broadcast_in_dim3A_248, %broadcast_in_dim3A_249 : vector<1x128xi1>, vector<1x128xf32>
          %max3A_251 = arith.maximumf %get3A_242, %select_n3A_250 : vector<1x128xf32>
          %swap3A_252 = arith.constant 0 : index
          %swap3A_253 = arith.constant 0 : index
          %swap3A_254 = vector.load %arg8[%swap3A_252, %swap3A_253] : memref<1x128xf32, #tpu.memory_space<vmem>>, vector<1x128xf32>
          tpu.vector_store %arg8[%swap3A_252, %swap3A_253], %max3A_251 {strides = array<i32>} : memref<1x128xf32, #tpu.memory_space<vmem>>, vector<1x128xf32>,
          %while3A_255 = arith.constant 0 : i32
          scf.yield %while3A_255 : i32
        }
        %while3A_64 = arith.constant 1 : i32
        %while3A_65 = scf.for %while3A_162 = %while3A_61 to %while3A_57 step %while3A_64 iter_args(%while3A_163 = %while3A_63) -> (i32)  : i32 {
          %get3A_164 = arith.index_cast %while3A_162 : i32 to index
          %get3A_165 = arith.constant 0 : index
          %get3A_166 = arith.constant 0 : index
          %get3A_167 = vector.load %arg0[%get3A_164, %get3A_165, %get3A_166] : memref<157x1x128xf32, #tpu.memory_space<vmem>>, vector<1x1x128xf32>
          %reshape3A_168 = vector.shape_cast %get3A_167 : vector<1x1x128xf32> to vector<1x128xf32>
          %get3A_169 = arith.index_cast %while3A_162 : i32 to index
          %get3A_170 = arith.constant 0 : index
          %get3A_171 = arith.constant 0 : index
          %get3A_172 = vector.load %arg1[%get3A_169, %get3A_170, %get3A_171] : memref<157x1x128xf32, #tpu.memory_space<vmem>>, vector<1x1x128xf32>
          %reshape3A_173 = vector.shape_cast %get3A_172 : vector<1x1x128xf32> to vector<1x128xf32>
          %get3A_174 = arith.index_cast %while3A_162 : i32 to index
          %get3A_175 = arith.constant 0 : index
          %get3A_176 = arith.constant 0 : index
          %get3A_177 = vector.load %arg2[%get3A_174, %get3A_175, %get3A_176] : memref<157x1x128xf32, #tpu.memory_space<vmem>>, vector<1x1x128xf32>
          %reshape3A_178 = vector.shape_cast %get3A_177 : vector<1x1x128xf32> to vector<1x128xf32>
          %get3A_179 = arith.index_cast %while3A_162 : i32 to index
          %get3A_180 = arith.constant 0 : index
          %get3A_181 = arith.constant 0 : index
          %get3A_182 = vector.load %arg3[%get3A_179, %get3A_180, %get3A_181] : memref<157x1x128xf32, #tpu.memory_space<vmem>>, vector<1x1x128xf32>
          %reshape3A_183 = vector.shape_cast %get3A_182 : vector<1x1x128xf32> to vector<1x128xf32>
          %dot_general3A_184 = arith.constant dense<0.000000e+00> : vector<128x1xf32>
          %dot_general3A_185 = tpu.matmul %get3A_14, %reshape3A_168, %dot_general3A_184 {dimension_numbers = #tpu.dot_dimension_numbers<[1], [1], [0], [0], [0, 0, 1, 0], [], []>, transpose_lhs_hint = false} : vector<128x128xf32>, vector<1x128xf32>, vector<128x1xf32> -> vector<128x1xf32>
          %dot_general3A_186 = arith.constant dense<0.000000e+00> : vector<128x1xf32>
          %dot_general3A_187 = tpu.matmul %get3A_14, %reshape3A_173, %dot_general3A_186 {dimension_numbers = #tpu.dot_dimension_numbers<[1], [1], [0], [0], [0, 0, 1, 0], [], []>, transpose_lhs_hint = false} : vector<128x128xf32>, vector<1x128xf32>, vector<128x1xf32> -> vector<128x1xf32>
          %dot_general3A_188 = arith.constant dense<0.000000e+00> : vector<128x1xf32>
          %dot_general3A_189 = tpu.matmul %get3A_14, %reshape3A_178, %dot_general3A_188 {dimension_numbers = #tpu.dot_dimension_numbers<[1], [1], [0], [0], [0, 0, 1, 0], [], []>, transpose_lhs_hint = false} : vector<128x128xf32>, vector<1x128xf32>, vector<128x1xf32> -> vector<128x1xf32>
          %dot_general3A_190 = arith.constant dense<0.000000e+00> : vector<128x1xf32>
          %dot_general3A_191 = tpu.matmul %get3A_14, %reshape3A_183, %dot_general3A_190 {dimension_numbers = #tpu.dot_dimension_numbers<[1], [1], [0], [0], [0, 0, 1, 0], [], []>, transpose_lhs_hint = false} : vector<128x128xf32>, vector<1x128xf32>, vector<128x1xf32> -> vector<128x1xf32>
          %get3A_192 = arith.index_cast %while3A_162 : i32 to index
          %get3A_193 = arith.constant 0 : index
          %get3A_194 = arith.constant 0 : index
          %get3A_195 = vector.load %arg6[%get3A_192, %get3A_193, %get3A_194] : memref<157x1x128xf32, #tpu.memory_space<vmem>>, vector<1x1x128xf32>
          %reshape3A_196 = vector.shape_cast %get3A_195 : vector<1x1x128xf32> to vector<1x128xf32>
          %dot_general3A_197 = arith.constant dense<0.000000e+00> : vector<128x1xf32>
          %dot_general3A_198 = tpu.matmul %get3A_14, %reshape3A_196, %dot_general3A_197 {dimension_numbers = #tpu.dot_dimension_numbers<[1], [1], [0], [0], [0, 0, 1, 0], [], []>, transpose_lhs_hint = false} : vector<128x128xf32>, vector<1x128xf32>, vector<128x1xf32> -> vector<128x1xf32>
          %max3A_199 = vector.broadcast %dot_general3A_187 : vector<128x1xf32> to vector<128x128xf32>
          %max3A_200 = vector.broadcast %reshape3A_34 : vector<1x128xf32> to vector<128x128xf32>
          %max3A_201 = arith.maximumf %max3A_199, %max3A_200 : vector<128x128xf32>
          %max3A_202 = vector.broadcast %dot_general3A_185 : vector<128x1xf32> to vector<128x128xf32>
          %max3A_203 = vector.broadcast %reshape3A : vector<1x128xf32> to vector<128x128xf32>
          %max3A_204 = arith.maximumf %max3A_202, %max3A_203 : vector<128x128xf32>
          %min3A_205 = vector.broadcast %dot_general3A_191 : vector<128x1xf32> to vector<128x128xf32>
          %min3A_206 = vector.broadcast %reshape3A_44 : vector<1x128xf32> to vector<128x128xf32>
          %min3A_207 = arith.minimumf %min3A_205, %min3A_206 : vector<128x128xf32>
          %min3A_208 = vector.broadcast %dot_general3A_189 : vector<128x1xf32> to vector<128x128xf32>
          %min3A_209 = vector.broadcast %reshape3A_39 : vector<1x128xf32> to vector<128x128xf32>
          %min3A_210 = arith.minimumf %min3A_208, %min3A_209 : vector<128x128xf32>
          %sub3A_211 = arith.subf %min3A_207, %max3A_201 : vector<128x128xf32>
          %max3A_212 = arith.constant 0.000000e+00 : f32
          %max3A_213 = vector.broadcast %max3A_212 : f32 to vector<128x128xf32>
          %max3A_214 = arith.maximumf %sub3A_211, %max3A_213 : vector<128x128xf32>
          %sub3A_215 = arith.subf %min3A_210, %max3A_204 : vector<128x128xf32>
          %max3A_216 = arith.constant 0.000000e+00 : f32
          %max3A_217 = vector.broadcast %max3A_216 : f32 to vector<128x128xf32>
          %max3A_218 = arith.maximumf %sub3A_215, %max3A_217 : vector<128x128xf32>
          %mul3A_219 = arith.mulf %max3A_214, %max3A_218 : vector<128x128xf32>
          %add3A_220 = vector.broadcast %dot_general3A_198 : vector<128x1xf32> to vector<128x128xf32>
          %add3A_221 = vector.broadcast %reshape3A_49 : vector<1x128xf32> to vector<128x128xf32>
          %add3A_222 = arith.addf %add3A_220, %add3A_221 : vector<128x128xf32>
          %sub3A_223 = arith.subf %add3A_222, %mul3A_219 : vector<128x128xf32>
          %div3A_224 = arith.divf %mul3A_219, %sub3A_223 : vector<128x128xf32>
          %gt3A_225 = arith.constant 0.699999988 : f32
          %gt3A_226 = vector.broadcast %gt3A_225 : f32 to vector<128x128xf32>
          %gt3A_227 = arith.cmpf ogt, %div3A_224, %gt3A_226 : vector<128x128xf32>
          %jit3A_228 = arith.constant 1.000000e+00 : f32
          %jit3A_229 = arith.constant 0.000000e+00 : f32
          %broadcast_in_dim3A_230 = vector.broadcast %jit3A_228 : f32 to vector<128x128xf32>
          %broadcast_in_dim3A_231 = vector.broadcast %jit3A_229 : f32 to vector<128x128xf32>
          %select_n3A_232 = arith.select %gt3A_227, %broadcast_in_dim3A_230, %broadcast_in_dim3A_231 : vector<128x128xi1>, vector<128x128xf32>
          %get3A_233 = arith.index_cast %while3A_162 : i32 to index
          %get3A_234 = arith.constant 0 : index
          %get3A_235 = arith.constant 0 : index
          %get3A_236 = vector.load %arg4[%get3A_233, %get3A_234, %get3A_235] : memref<157x1x128xf32, #tpu.memory_space<vmem>>, vector<1x1x128xf32>
          %reshape3A_237 = vector.shape_cast %get3A_236 : vector<1x1x128xf32> to vector<1x128xf32>
          %dot_general3A_238 = arith.constant dense<0.000000e+00> : vector<1x128xf32>
          %dot_general3A_239 = tpu.matmul %reshape3A_237, %select_n3A_232, %dot_general3A_238 {dimension_numbers = #tpu.dot_dimension_numbers<[1], [0], [0], [1], [0, 0, 1, 1], [], []>, transpose_lhs_hint = false} : vector<1x128xf32>, vector<128x128xf32>, vector<1x128xf32> -> vector<1x128xf32>
          %get3A_240 = arith.constant 0 : index
          %get3A_241 = arith.constant 0 : index
          %get3A_242 = vector.load %arg8[%get3A_240, %get3A_241] : memref<1x128xf32, #tpu.memory_space<vmem>>, vector<1x128xf32>
          %gt3A_243 = arith.constant 0.000000e+00 : f32
          %gt3A_244 = vector.broadcast %gt3A_243 : f32 to vector<1x128xf32>
          %gt3A_245 = arith.cmpf ogt, %dot_general3A_239, %gt3A_244 : vector<1x128xf32>
          %jit3A_246 = arith.constant 1.000000e+00 : f32
          %jit3A_247 = arith.constant 0.000000e+00 : f32
          %broadcast_in_dim3A_248 = vector.broadcast %jit3A_246 : f32 to vector<1x128xf32>
          %broadcast_in_dim3A_249 = vector.broadcast %jit3A_247 : f32 to vector<1x128xf32>
          %select_n3A_250 = arith.select %gt3A_245, %broadcast_in_dim3A_248, %broadcast_in_dim3A_249 : vector<1x128xi1>, vector<1x128xf32>
          %max3A_251 = arith.maximumf %get3A_242, %select_n3A_250 : vector<1x128xf32>
          %swap3A_252 = arith.constant 0 : index
          %swap3A_253 = arith.constant 0 : index
          %swap3A_254 = vector.load %arg8[%swap3A_252, %swap3A_253] : memref<1x128xf32, #tpu.memory_space<vmem>>, vector<1x128xf32>
          tpu.vector_store %arg8[%swap3A_252, %swap3A_253], %max3A_251 {strides = array<i32>} : memref<1x128xf32, #tpu.memory_space<vmem>>, vector<1x128xf32>,
          %while3A_255 = arith.constant 0 : i32
          scf.yield %while3A_255 : i32
        }
        %dot_general3A = arith.constant dense<0.000000e+00> : vector<128x1xf32>
        %dot_general3A_66 = tpu.matmul %get3A_14, %reshape3A, %dot_general3A {dimension_numbers = #tpu.dot_dimension_numbers<[1], [1], [0], [0], [0, 0, 1, 0], [], []>, transpose_lhs_hint = false} : vector<128x128xf32>, vector<1x128xf32>, vector<128x1xf32> -> vector<128x1xf32>
        %dot_general3A_67 = arith.constant dense<0.000000e+00> : vector<128x1xf32>
        %dot_general3A_68 = tpu.matmul %get3A_14, %reshape3A_34, %dot_general3A_67 {dimension_numbers = #tpu.dot_dimension_numbers<[1], [1], [0], [0], [0, 0, 1, 0], [], []>, transpose_lhs_hint = false} : vector<128x128xf32>, vector<1x128xf32>, vector<128x1xf32> -> vector<128x1xf32>
        %dot_general3A_69 = arith.constant dense<0.000000e+00> : vector<128x1xf32>
        %dot_general3A_70 = tpu.matmul %get3A_14, %reshape3A_39, %dot_general3A_69 {dimension_numbers = #tpu.dot_dimension_numbers<[1], [1], [0], [0], [0, 0, 1, 0], [], []>, transpose_lhs_hint = false} : vector<128x128xf32>, vector<1x128xf32>, vector<128x1xf32> -> vector<128x1xf32>
        %dot_general3A_71 = arith.constant dense<0.000000e+00> : vector<128x1xf32>
        %dot_general3A_72 = tpu.matmul %get3A_14, %reshape3A_44, %dot_general3A_71 {dimension_numbers = #tpu.dot_dimension_numbers<[1], [1], [0], [0], [0, 0, 1, 0], [], []>, transpose_lhs_hint = false} : vector<128x128xf32>, vector<1x128xf32>, vector<128x1xf32> -> vector<128x1xf32>
        %dot_general3A_73 = arith.constant dense<0.000000e+00> : vector<128x1xf32>
        %dot_general3A_74 = tpu.matmul %get3A_14, %reshape3A_49, %dot_general3A_73 {dimension_numbers = #tpu.dot_dimension_numbers<[1], [1], [0], [0], [0, 0, 1, 0], [], []>, transpose_lhs_hint = false} : vector<128x128xf32>, vector<1x128xf32>, vector<128x1xf32> -> vector<128x1xf32>
        %max3A = vector.broadcast %dot_general3A_68 : vector<128x1xf32> to vector<128x128xf32>
        %max3A_75 = vector.broadcast %reshape3A_34 : vector<1x128xf32> to vector<128x128xf32>
        %max3A_76 = arith.maximumf %max3A, %max3A_75 : vector<128x128xf32>
        %max3A_77 = vector.broadcast %dot_general3A_66 : vector<128x1xf32> to vector<128x128xf32>
        %max3A_78 = vector.broadcast %reshape3A : vector<1x128xf32> to vector<128x128xf32>
        %max3A_79 = arith.maximumf %max3A_77, %max3A_78 : vector<128x128xf32>
        %min3A = vector.broadcast %dot_general3A_72 : vector<128x1xf32> to vector<128x128xf32>
        %min3A_80 = vector.broadcast %reshape3A_44 : vector<1x128xf32> to vector<128x128xf32>
        %min3A_81 = arith.minimumf %min3A, %min3A_80 : vector<128x128xf32>
        %min3A_82 = vector.broadcast %dot_general3A_70 : vector<128x1xf32> to vector<128x128xf32>
        %min3A_83 = vector.broadcast %reshape3A_39 : vector<1x128xf32> to vector<128x128xf32>
        %min3A_84 = arith.minimumf %min3A_82, %min3A_83 : vector<128x128xf32>
        %sub3A = arith.subf %min3A_81, %max3A_76 : vector<128x128xf32>
        %max3A_85 = arith.constant 0.000000e+00 : f32
        %max3A_86 = vector.broadcast %max3A_85 : f32 to vector<128x128xf32>
        %max3A_87 = arith.maximumf %sub3A, %max3A_86 : vector<128x128xf32>
        %sub3A_88 = arith.subf %min3A_84, %max3A_79 : vector<128x128xf32>
        %max3A_89 = arith.constant 0.000000e+00 : f32
        %max3A_90 = vector.broadcast %max3A_89 : f32 to vector<128x128xf32>
        %max3A_91 = arith.maximumf %sub3A_88, %max3A_90 : vector<128x128xf32>
        %mul3A = arith.mulf %max3A_87, %max3A_91 : vector<128x128xf32>
        %add3A = vector.broadcast %dot_general3A_74 : vector<128x1xf32> to vector<128x128xf32>
        %add3A_92 = vector.broadcast %reshape3A_49 : vector<1x128xf32> to vector<128x128xf32>
        %add3A_93 = arith.addf %add3A, %add3A_92 : vector<128x128xf32>
        %sub3A_94 = arith.subf %add3A_93, %mul3A : vector<128x128xf32>
        %div3A = arith.divf %mul3A, %sub3A_94 : vector<128x128xf32>
        %gt3A = arith.constant 0.699999988 : f32
        %gt3A_95 = vector.broadcast %gt3A : f32 to vector<128x128xf32>
        %gt3A_96 = arith.cmpf ogt, %div3A, %gt3A_95 : vector<128x128xf32>
        %jit3A_97 = arith.constant 1.000000e+00 : f32
        %jit3A_98 = arith.constant 0.000000e+00 : f32
        %broadcast_in_dim3A_99 = vector.broadcast %jit3A_97 : f32 to vector<128x128xf32>
        %broadcast_in_dim3A_100 = vector.broadcast %jit3A_98 : f32 to vector<128x128xf32>
        %select_n3A_101 = arith.select %gt3A_96, %broadcast_in_dim3A_99, %broadcast_in_dim3A_100 : vector<128x128xi1>, vector<128x128xf32>
        %lt3A_102 = arith.cmpi slt, %iota3A, %iota3A_0 : vector<128x128xi32>
        %jit3A_103 = arith.constant 1.000000e+00 : f32
        %jit3A_104 = arith.constant 0.000000e+00 : f32
        %broadcast_in_dim3A_105 = vector.broadcast %jit3A_103 : f32 to vector<128x128xf32>
        %broadcast_in_dim3A_106 = vector.broadcast %jit3A_104 : f32 to vector<128x128xf32>
        %select_n3A_107 = arith.select %lt3A_102, %broadcast_in_dim3A_105, %broadcast_in_dim3A_106 : vector<128x128xi1>, vector<128x128xf32>
        %mul3A_108 = arith.mulf %select_n3A_101, %select_n3A_107 : vector<128x128xf32>
        %swap3A_109 = arith.constant 0 : index
        %swap3A_110 = arith.constant 0 : index
        %swap3A_111 = vector.load %arg7[%swap3A_109, %swap3A_110] : memref<128x128xf32, #tpu.memory_space<vmem>>, vector<128x128xf32>
        tpu.vector_store %arg7[%swap3A_109, %swap3A_110], %mul3A_108 {strides = array<i32>} : memref<128x128xf32, #tpu.memory_space<vmem>>, vector<128x128xf32>,
        %iota3A_112 = tpu.iota {dimensions = array<i32: 1>} : vector<1x128xi32>
        %mul3A_113 = arith.constant 128 : i32
        %mul3A_114 = arith.muli %scan3A_20, %mul3A_113 : i32
        %add3A_115 = vector.broadcast %mul3A_114 : i32 to vector<1x128xi32>
        %add3A_116 = arith.addi %add3A_115, %iota3A_112 : vector<1x128xi32>
        %lt3A_117 = arith.constant 20000 : i32
        %lt3A_118 = vector.broadcast %lt3A_117 : i32 to vector<1x128xi32>
        %lt3A_119 = arith.cmpi slt, %add3A_116, %lt3A_118 : vector<1x128xi32>
        %jit3A_120 = arith.constant 1.000000e+00 : f32
        %jit3A_121 = arith.constant 0.000000e+00 : f32
        %broadcast_in_dim3A_122 = vector.broadcast %jit3A_120 : f32 to vector<1x128xf32>
        %broadcast_in_dim3A_123 = vector.broadcast %jit3A_121 : f32 to vector<1x128xf32>
        %select_n3A_124 = arith.select %lt3A_119, %broadcast_in_dim3A_122, %broadcast_in_dim3A_123 : vector<1x128xi1>, vector<1x128xf32>
        %get3A_125 = arith.constant 0 : index
        %get3A_126 = arith.constant 0 : index
        %get3A_127 = vector.load %arg8[%get3A_125, %get3A_126] : memref<1x128xf32, #tpu.memory_space<vmem>>, vector<1x128xf32>
        %sub3A_128 = arith.constant 1.000000e+00 : f32
        %sub3A_129 = vector.broadcast %sub3A_128 : f32 to vector<1x128xf32>
        %sub3A_130 = arith.subf %sub3A_129, %get3A_127 : vector<1x128xf32>
        %mul3A_131 = arith.mulf %sub3A_130, %select_n3A_124 : vector<1x128xf32>
        %swap3A_132 = arith.constant 0 : index
        %swap3A_133 = arith.constant 0 : index
        %swap3A_134 = vector.load %arg9[%swap3A_132, %swap3A_133] : memref<1x128xf32, #tpu.memory_space<vmem>>, vector<1x128xf32>
        tpu.vector_store %arg9[%swap3A_132, %swap3A_133], %mul3A_131 {strides = array<i32>} : memref<1x128xf32, #tpu.memory_space<vmem>>, vector<1x128xf32>,
        %swap3A_135 = arith.constant 0 : i32
        %swap3A_136 = arith.constant 0 : index
        %swap3A_137 = memref.load %arg11[%swap3A_136] : memref<1xi32, #tpu.memory_space<smem>>
        memref.store %swap3A_135, %arg11[%swap3A_136] : memref<1xi32, #tpu.memory_space<smem>>
        %scan3A_138 = arith.constant 0 : i32
        %scan3A_139 = arith.constant 128 : i32
        %scan3A_140 = arith.addi %scan3A_138, %scan3A_139 : i32
        %scan3A_141 = arith.constant 1 : i32
        scf.for %scan3A_162 = %scan3A_138 to %scan3A_140 step %scan3A_141  : i32 {
          %get3A_163 = arith.constant 0 : index
          %get3A_164 = memref.load %arg11[%get3A_163] : memref<1xi32, #tpu.memory_space<smem>>
          %eq3A_165 = arith.constant 0 : i32
          %eq3A_166 = arith.cmpi eq, %get3A_164, %eq3A_165 : i32
          %convert_element_type3A_167 = arith.extui %eq3A_166 : i1 to i32
          %cond3A_168 = arith.constant 0 : i32
          %cond3A_169 = arith.cmpi ne, %convert_element_type3A_167, %cond3A_168 : i32
          scf.if %cond3A_169 {
            %get3A_170 = arith.constant 0 : index
            %get3A_171 = arith.constant 0 : index
            %get3A_172 = vector.load %arg9[%get3A_170, %get3A_171] : memref<1x128xf32, #tpu.memory_space<vmem>>, vector<1x128xf32>
            %get3A_173 = arith.constant 0 : index
            %get3A_174 = arith.constant 0 : index
            %get3A_175 = vector.load %arg7[%get3A_173, %get3A_174] : memref<128x128xf32, #tpu.memory_space<vmem>>, vector<128x128xf32>
            %dot_general3A_176 = arith.constant dense<0.000000e+00> : vector<1x128xf32>
            %dot_general3A_177 = tpu.matmul %get3A_172, %get3A_175, %dot_general3A_176 {dimension_numbers = #tpu.dot_dimension_numbers<[1], [0], [0], [1], [0, 0, 1, 1], [], []>, transpose_lhs_hint = false} : vector<1x128xf32>, vector<128x128xf32>, vector<1x128xf32> -> vector<1x128xf32>
            %gt3A_178 = arith.constant 0.000000e+00 : f32
            %gt3A_179 = vector.broadcast %gt3A_178 : f32 to vector<1x128xf32>
            %gt3A_180 = arith.cmpf ogt, %dot_general3A_177, %gt3A_179 : vector<1x128xf32>
            %jit3A_181 = arith.constant 0.000000e+00 : f32
            %jit3A_182 = arith.constant 1.000000e+00 : f32
            %broadcast_in_dim3A_183 = vector.broadcast %jit3A_181 : f32 to vector<1x128xf32>
            %broadcast_in_dim3A_184 = vector.broadcast %jit3A_182 : f32 to vector<1x128xf32>
            %select_n3A_185 = arith.select %gt3A_180, %broadcast_in_dim3A_183, %broadcast_in_dim3A_184 : vector<1x128xi1>, vector<1x128xf32>
            %mul3A_186 = arith.mulf %mul3A_131, %select_n3A_185 : vector<1x128xf32>
            %sub3A_187 = arith.subf %mul3A_186, %get3A_172 : vector<1x128xf32>
            %abs3A = math.absf %sub3A_187 : vector<1x128xf32>
            %reduce_sum3A_188 = vector.shape_cast %abs3A : vector<1x128xf32> to vector<1x1x128xf32>
            %reduce_sum3A_189 = arith.constant dense<0.000000e+00> : vector<1xf32>
            %reduce_sum3A_190 = vector.multi_reduction <add>, %reduce_sum3A_188, %reduce_sum3A_189 [1, 2] : vector<1x1x128xf32> to vector<1xf32>
            %reduce_sum3A_191 = vector.shape_cast %reduce_sum3A_190 : vector<1xf32> to vector<1x1x1xf32>
            %reduce_sum3A_192 = vector.extract %reduce_sum3A_191[0, 0, 0] : f32 from vector<1x1x1xf32>
            %swap3A_193 = arith.constant 0 : index
            %swap3A_194 = arith.constant 0 : index
            %swap3A_195 = vector.load %arg9[%swap3A_193, %swap3A_194] : memref<1x128xf32, #tpu.memory_space<vmem>>, vector<1x128xf32>
            tpu.vector_store %arg9[%swap3A_193, %swap3A_194], %mul3A_186 {strides = array<i32>} : memref<1x128xf32, #tpu.memory_space<vmem>>, vector<1x128xf32>,
            %gt3A_196 = arith.constant 0.000000e+00 : f32
            %gt3A_197 = arith.cmpf ogt, %reduce_sum3A_192, %gt3A_196 : f32
            %jit3A_198 = arith.constant 0 : i32
            %jit3A_199 = arith.constant 1 : i32
            %select_n3A_200 = arith.select %gt3A_197, %jit3A_198, %jit3A_199 : i32
            %swap3A_201 = arith.constant 0 : index
            %swap3A_202 = memref.load %arg11[%swap3A_201] : memref<1xi32, #tpu.memory_space<smem>>
            memref.store %select_n3A_200, %arg11[%swap3A_201] : memref<1xi32, #tpu.memory_space<smem>>
          } else {
          }
        }
        %get3A_142 = arith.constant 0 : index
        %get3A_143 = arith.constant 0 : index
        %get3A_144 = vector.load %arg9[%get3A_142, %get3A_143] : memref<1x128xf32, #tpu.memory_space<vmem>>, vector<1x128xf32>
        %reshape3A_145 = vector.shape_cast %get3A_144 : vector<1x128xf32> to vector<1x1x128xf32>
        %swap3A_146 = arith.index_cast %scan3A_20 : i32 to index
        %swap3A_147 = arith.constant 0 : index
        %swap3A_148 = arith.constant 0 : index
        %swap3A_149 = vector.load %arg4[%swap3A_146, %swap3A_147, %swap3A_148] : memref<157x1x128xf32, #tpu.memory_space<vmem>>, vector<1x1x128xf32>
        tpu.vector_store %arg4[%swap3A_146, %swap3A_147, %swap3A_148], %reshape3A_145 {strides = array<i32>} : memref<157x1x128xf32, #tpu.memory_space<vmem>>, vector<1x1x128xf32>,
        %get3A_150 = arith.constant 0 : index
        %get3A_151 = arith.constant 0 : index
        %get3A_152 = memref.load %arg5[%get3A_150, %get3A_151] : memref<1x1xi32, #tpu.memory_space<smem>>
        %reduce_sum3A = vector.shape_cast %get3A_144 : vector<1x128xf32> to vector<1x1x128xf32>
        %reduce_sum3A_153 = arith.constant dense<0.000000e+00> : vector<1xf32>
        %reduce_sum3A_154 = vector.multi_reduction <add>, %reduce_sum3A, %reduce_sum3A_153 [1, 2] : vector<1x1x128xf32> to vector<1xf32>
        %reduce_sum3A_155 = vector.shape_cast %reduce_sum3A_154 : vector<1xf32> to vector<1x1x1xf32>
        %reduce_sum3A_156 = vector.extract %reduce_sum3A_155[0, 0, 0] : f32 from vector<1x1x1xf32>
        %convert_element_type3A_157 = arith.fptosi %reduce_sum3A_156 : f32 to i32
        %add3A_158 = arith.addi %get3A_152, %convert_element_type3A_157 : i32
        %swap3A_159 = arith.constant 0 : index
        %swap3A_160 = arith.constant 0 : index
        %swap3A_161 = memref.load %arg5[%swap3A_159, %swap3A_160] : memref<1x1xi32, #tpu.memory_space<smem>>
        memref.store %add3A_158, %arg5[%swap3A_159, %swap3A_160] : memref<1x1xi32, #tpu.memory_space<smem>>
      } else {
      }
    }
    %scan3A_19 = arith.constant 157 : i32
    return
  }
}

</mosaic_0001>

<sc_bundles>
// kernel: kernel.12.cloned.1.call-start
scs
__scs_entry_jumppad:
0x0: {  	(pc) =	sbr.rel $0x88, $3  }
0x1: {  	(tag) =	ssettag $0x0;
	lr =	simm.s32 $0x1  }
0x2: {  	[smem:$0x3F9F] =	sst lr;
	_ =	strace $0xD0000000  }
0x3: {  	_ = 	snop  }
0x4: {  	_ = 	snop  }
0x5: {  	_ = 	snop  }
0x6: {  	_ = 	snop  }
0x7: {  	_ = 	snop  }
__scs_overlays_trampoline_lowered:
0x8: {  	[smem:$0x3FAE] =	sst s0  }
0x9: {  	[smem:$0x3FAF] =	sst s1  }
0xa: {  	[smem:$0x3FB0] =	sst s2  }
0xb: {  	[smem:$0x3FB1] =	sst s3  }
0xc: {  	[smem:$0x3FB2] =	sst s4  }
0xd: {  	[smem:$0x3FB3] =	sst s5  }
0xe: {  	[smem:$0x3FB4] =	sst s6  }
0xf: {  	[smem:$0x3FB5] =	sst s7  }
0x10: {  	[smem:$0x3FB6] =	sst s8  }
0x11: {  	[smem:$0x3FB7] =	sst s9;
	s0 =	simm.s32 @!p0 $0x0  }
0x12: {  	s1 =	sld [smem:$0x3F9D];
	s0 =	simm.s32 @p0 $0x1  }
0x13: {  	[smem:$0x3FB8] =	sst s0;
	s0 =	simm.s32 @!p1 $0x0  }
0x14: {  	s2 =	sld [smem:$0x3F9C];
	s0 =	simm.s32 @p1 $0x1  }
0x15: {  	[smem:$0x3FB9] =	sst s0;
	s0 =	simm.s32 @!p2 $0x0  }
0x16: {  	s3 =	sld [smem:$0x3FDB];
	s0 =	simm.s32 @p2 $0x1  }
0x17: {  	s4 =	simm.s32 $0x1BF5;
	[smem:$0x3FBB] =	sst s0  }
0x18: {  	s0 =	sld [smem:$0x3F9E];
	_ =	swait.ge [sflag:s4], $0x0  }
0x19: {  	s7 =	sld [smem:$0x3F9F]  }
0x1a: {  	s8 =	sadd.s32 $0xFFFFE003, lr  }
0x1b: {  	s9 =	sadd.s32 $0xFFFFFEF7, lr;
	s5 =	simm.s32 $0xFFFFFFFF;
	p2 =	slt.u32 s8, $0xFFFFF086  }
0x1c: {  	p1 =	slt.u32 s9, $0xF7A;
	s5 =	simm.s32 @!p2 $0x0  }
0x1d: {  	s5 =	simm.s32 @p1 $0x1;
	p0 =	seq.s32 s7, s2  }
0x1e: {  	s7 =	smul.u32 @!p0 $0xF7A, s2;
	p2 =	seq.s32 @!p0 s5, $0x0  }
0x1f: {  	s9 =	smul.u32 $0xF7A, s1;
	s8 =	simm.s32 @!p0 $0x1BF5;
	p2 =	por !p2, p0  }
0x20: {  	[sflag:s8] =	ssyncset.s32 @!p0 $0xFFFFF086;
	s6 =	sadd.s32 @!p0 s3, s7;
	s7 =	simm.s32 @!p0 $0x108  }
0x21: {  	s3 =	sadd.s32 s3, s9;
	s6 =	sadd.s32 @!p0 $0x88, s6;
	s7 =	simm.s32 @p2 $0x1082  }
0x22: {  	[simem:s7], [sflag:s8] =	dma.local @!p0 [hbm:s6], $0xF7A  }
0x23: {  	s9 =	sor.u32 $0xD0000000, s2;
	s6 =	simm.s32 $0x108;
	_ =	swait.ge @!p0 [sflag:s8], $0x0  }
0x24: {  	s3 =	sadd.s32 $0x88, s3;
	s6 =	simm.s32 @!p1 $0x1082;
	[sflag:s4] =	ssyncset.s32 $0xFFFFF086  }
0x25: {  	[simem:s6], [sflag:s4] =	dma.local [hbm:s3], $0xF7A  }
0x26: {  	[smem:$0x3F9F] =	sst s1;
	(tag) =	ssettag s2;
	_ =	strace s9  }
0x27: {  	s1 =	sld [smem:$0x3FAF]  }
0x28: {  	s2 =	sld [smem:$0x3FB0]  }
0x29: {  	s4 =	sld [smem:$0x3FB2]  }
0x2a: {  	p0 =	seq.s32 s5, $0x0;
	s5 =	sld [smem:$0x3FB3]  }
0x2b: {  	s6 =	sld [smem:$0x3FB4]  }
0x2c: {  	s7 =	sld [smem:$0x3FB5]  }
0x2d: {  	s3 =	simm.s32 $0x108;
	s8 =	sld [smem:$0x3FB6]  }
0x2e: {  	s3 =	simm.s32 @!p0 $0x1082;
	s9 =	sld [smem:$0x3FB7]  }
0x2f: {  	lr =	sadd.s32 s0, s3;
	s0 =	sld [smem:$0x3FAE]  }
0x30: {  	s3 =	sld [smem:$0x3FB1]  }
0x31: {  	[smem:$0x3FBA] =	sst s10  }
0x32: {  	s10 =	sld [smem:$0x3FB8];
	_ =	sdelay $0x3  }
0x33: {  	p0 =	seq.s32 s10, $0x1;
	s10 =	sld [smem:$0x3FBA];
	_ =	sdelay $0x3  }
0x34: {  	[smem:$0x3FBA] =	sst s10  }
0x35: {  	s10 =	sld [smem:$0x3FB9];
	_ =	sdelay $0x3  }
0x36: {  	p1 =	seq.s32 s10, $0x1;
	s10 =	sld [smem:$0x3FBA];
	_ =	sdelay $0x3  }
0x37: {  	[smem:$0x3FBA] =	sst s10  }
0x38: {  	s10 =	sld [smem:$0x3FBB]  }
0x39: {  	_ = 	snop;
	(pc) =	sbr.ind lr, $3  }
0x3a: {  	_ = 	snop  }
0x3b: {  	_ = 	snop  }
0x3c: {  	p2 =	seq.s32 s10, $0x1;
	s10 =	sld [smem:$0x3FBA]  }
0x3d: {  	_ =	shalt  }
0x3e: {  	_ =	shalt  }
0x3f: {  	_ =	shalt  }
0x40: {  	_ =	shalt  }
0x41: {  	_ =	shalt  }
0x42: {  	_ =	shalt  }
0x43: {  	_ =	shalt  }
0x44: {  	_ =	shalt  }
0x45: {  	_ =	shalt  }
0x46: {  	_ =	shalt  }
0x47: {  	_ =	shalt  }
0x48: {  	_ =	shalt  }
0x49: {  	_ =	shalt  }
0x4a: {  	_ =	shalt  }
0x4b: {  	_ =	shalt  }
0x4c: {  	_ =	shalt  }
0x4d: {  	_ =	shalt  }
0x4e: {  	_ =	shalt  }
0x4f: {  	_ =	shalt  }
0x50: {  	_ =	shalt  }
0x51: {  	_ =	shalt  }
0x52: {  	_ =	shalt  }
0x53: {  	_ =	shalt  }
0x54: {  	_ =	shalt  }
0x55: {  	_ =	shalt  }
0x56: {  	_ =	shalt  }
0x57: {  	_ =	shalt  }
0x58: {  	_ =	shalt  }
0x59: {  	_ =	shalt  }
0x5a: {  	_ =	shalt  }
0x5b: {  	_ =	shalt  }
0x5c: {  	_ =	shalt  }
0x5d: {  	_ =	shalt  }
0x5e: {  	_ =	shalt  }
0x5f: {  	_ =	shalt  }
0x60: {  	_ =	shalt  }
0x61: {  	_ =	shalt  }
0x62: {  	_ =	shalt  }
0x63: {  	_ =	shalt  }
0x64: {  	_ =	shalt  }
0x65: {  	_ =	shalt  }
0x66: {  	_ =	shalt  }
0x67: {  	_ =	shalt  }
0x68: {  	_ =	shalt  }
0x69: {  	_ =	shalt  }
0x6a: {  	_ =	shalt  }
0x6b: {  	_ =	shalt  }
0x6c: {  	_ =	shalt  }
0x6d: {  	_ =	shalt  }
0x6e: {  	_ =	shalt  }
0x6f: {  	_ =	shalt  }
0x70: {  	_ =	shalt  }
0x71: {  	_ =	shalt  }
0x72: {  	_ =	shalt  }
0x73: {  	_ =	shalt  }
0x74: {  	_ =	shalt  }
0x75: {  	_ =	shalt  }
0x76: {  	_ =	shalt  }
0x77: {  	_ =	shalt  }
0x78: {  	_ =	shalt  }
0x79: {  	_ =	shalt  }
0x7a: {  	_ =	shalt  }
0x7b: {  	_ =	shalt  }
0x7c: {  	_ =	shalt  }
0x7d: {  	_ =	shalt  }
0x7e: {  	_ =	shalt  }
0x7f: {  	_ =	shalt  }
0x80: {  	_ =	shalt  }
0x81: {  	_ =	shalt  }
0x82: {  	_ =	shalt  }
0x83: {  	_ =	shalt  }
0x84: {  	_ =	shalt  }
0x85: {  	_ =	shalt  }
0x86: {  	_ =	shalt  }
0x87: {  	_ =	shalt  }
.Lfunc_end0:
.L_simem_size_0:
called_computation.2_lowered:
.L_overlay_start_0:
0x88: {  	s2 =	sld [smem:$0x3FD9]  }
0x89: {  	s3 =	sld [smem:$0x3FFE];
	_ =	sdelay $0x1  }
0x8a: {  	s1 =	srdreg.scid  }
0x8b: {  	s0 =	sand.u32 $0x1, s1  }
0x8c: {  	s14 =	sshll.u32 s0, $0xA;
	s2 =	sadd.s32 s3, s2  }
0x8d: {  	s2 =	sadd.s32 s2, s14  }
0x8e: {  	[smem:$0x3FC6] =	sst s2  }
0x8f: {  	_ = 	snop  }
0x90: {  	s2 =	sld [smem:$0x3FD0];
	_ =	sdelay $0x2  }
0x91: {  	s15 =	simm.s32 $0xA;
	s4 =	simm.s32 $0x10  }
0x92: {  	[smem:s4], [sflag:s15] =	dma.local [hbm:s2], $0x1  }
0x93: {  	_ =	swait.eq [sflag:s15], $0x1  }
0x94: {  	[sflag:s15] =	ssyncset.done $0x0  }
0x95: {  	s16 =	sld [smem:$0x10];
	[sflag:s15] =	ssyncadd.s32 $0xFFFFFFFF  }
0x96: {  	s17 =	sld [smem:$0x11];
	(tm) =	ssettm $0x1  }
0x97: {  	s18 =	sld [smem:$0x3FFB];
	_ =	sdelay $0x3  }
0x98: {  	_ =	strace s18  }
0x99: {  	s4 =	sld [smem:$0x3FFC];
	_ =	sdelay $0x3  }
0x9a: {  	_ =	strace s4  }
0x9b: {  	s4 =	sld [smem:$0x3FFD];
	_ =	sdelay $0x3  }
0x9c: {  	_ =	strace s4  }
0x9d: {  	_ =	strace $0x8FFFFFFF  }
0x9e: {  	s19 =	sld [smem:$0x3FDB];
	_ =	sdelay $0x1  }
0x9f: {  	s5 =	simm.s32 $_scs_section_size  }
0xa0: {  	s6 =	simm.s32 $_size__tile_overlayer_lowered;
	s7 =	simm.s32 $_tile_overlayer_lowered  }
0xa1: {  	s22 =	simm.s32 $0x1BFF;
	s21 =	sshll.u32 s7, $0x1;
	s4 =	sadd.s32 s5, s19  }
0xa2: {  	s8 =	simm.s32 $0x0;
	s20 =	sshll.u32 s6, $0x1;
	s6 =	sadd.s32 s21, s4  }
0xa3: {  	[timem:s8], [sflag:s22] =	dma.local [hbm:s6], s20  }
0xa4: {  	_ =	swait.ge [sflag:s22], s20  }
0xa5: {  	s5 =	ssub.s32 $0x0, s20;
	[sflag:s22] =	ssyncset.done $0x0  }
0xa6: {  	[sflag:s22] =	ssyncadd.s32 s5;
	_ =	sdelay $0x1  }
0xa7: {  	s23 =	simm.s32 $0x1B8B  }
0xa8: {  	_ =	swait.ge [sflag:s23], $0x1  }
0xa9: {  	[sflag:s23] =	ssyncset.done $0x0  }
0xaa: {  	s25 =	simm.s32 $0x1B8E;
	s24 =	sld [smem:$0x3FFE];
	[sflag:s23] =	ssyncadd.s32 $0xFFFFFFFF  }
0xab: {  	s26 =	simm.s32 $execute0_lowered;
	[smem:$0x3FD2] =	sst s25  }
0xac: {  	s6 =	sshll.u32 s26, $0x1;
	_ =	strace $0x8000004C;
	[dreg:$0x1] =	wrdreg $0xFFFFFFFF  }
0xad: {  	s28 =	simm.s32 $_size_execute0_lowered;
	s4 =	sadd.s32 s4, s6;
	[dreg:$0x0] =	wrdreg $0x0  }
0xae: {  	s6 =	sshll.u32 s28, $0x1;
	[dreg:$0x2] =	wrdreg s4  }
0xaf: {  	[dreg:$0x3] =	wrdreg s6  }
0xb0: {  	[dreg:$0x4] =	wrdreg $0xC0  }
0xb1: {  	_ =	task [dreg:s8], $0x5FFFF  }
0xb2: {  	[dreg:$0x1] =	wrdreg $0xFFFFFFFF  }
0xb3: {  	[dreg:$0x0] =	wrdreg $0x60  }
0xb4: {  	[dreg:$0x2] =	wrdreg s24  }
0xb5: {  	[dreg:$0x3] =	wrdreg s16  }
0xb6: {  	[dreg:$0x4] =	wrdreg s17  }
0xb7: {  	[dreg:$0x5] =	wrdreg $0x9  }
0xb8: {  	_ =	task.clear_ibuf [dreg:s8], $0x6FFFF;
	_ =	strace $0x9000004C  }
0xb9: {  	s29 =	simm.s32 $0x9;
	_ =	strace $0x8000004E  }
0xba: {  	_ =	swait.ge [sflag:s29], $0x1  }
0xbb: {  	[sflag:s29] =	ssyncadd.s32 $0xFFFFFFFF  }
0xbc: {  	_ =	strace $0x9000004E  }
0xbd: {  	_ =	sfence  }
0xbe: {  	s30 =	sld [smem:$0x0];
	_ =	sdelay $0x2  }
0xbf: {  	s31 =	sshll.u32 s1, $0xD;
	s1 =	sshrl.u32 s1, $0x2  }
0xc0: {  	s3 =	sand.u32 $0x4000, s31;
	s1 =	sadd.s32 s1, s30  }
0xc1: {  	s0 =	sor.u32 s3, s0;
	s1 =	sshll.u32 s1, $0x11  }
0xc2: {  	s0 =	sor.u32 s1, s0  }
0xc3: {  	s0 =	sadd.s32 $0x8F2B, s0  }
0xc4: {  	[sflag:s0] =	ssyncadd.remote.s32 $0x1  }
0xc5: {  	_ =	sfence.sel $0xFFFF  }
0xc6: {  	[dreg:$0x0] =	wrdreg $0xFFFFFFFF;
	(pc) =	sbr.abs _section_cstart, $3  }
0xc7: {  	[dreg:$0x1] =	wrdreg $0xFFFFFFFF  }
0xc8: {  	_ =	task.clear_ibuf [dreg:s8], $0x2FFFF;
	_ =	strace $0x9FFFFFFF  }
0xc9: {  	(tm) =	ssettm $0x7FFFFFFF  }
tec
execute0_lowered:
.L_overlay_start_1:
0x0: {  	(tag) =	ssettag $0x1  }
0x1: {  	s1 =	srdreg.scid  }
0x2: {  	s4 =	stileid.u32;
	s1 =	sand.u32 $0x1, s1  }
0x3: {  	s4 =	sor.u32 s4, s1  }
0x4: {  	p0 =	sne.s32 s4, $0x0  }
.Ltmp0:
0x5: {  	_ = 	snop;
	(pc) =	sbr.rel @p0 .LBB2_9-.Ltmp0, $4  }
0x6: {  	_ = 	snop  }
0x7: {  	s0 =	rddreg [dreg:$0x0]  }
0x8: {  	s2 =	rddreg [dreg:$0x1]  }
0x9: {  	s3 =	rddreg [dreg:$0x2];
	_ =	strace $0x8000004D  }
0xa: {  	s4 =	sadd.s32 $0x800, s0  }
0xb: {  	s5 =	sadd.s32 $0x1C00, s0;
	s6 =	sadd.s32 $0x1200, s0;
	s7 =	sadd.s32 $0x4E00, s0  }
0xc: {  	s8 =	sadd.s32 $0x5800, s0;
	s9 =	sadd.s32 $0x6200, s0;
	s1 =	ssub.s32 $0x2, s1  }
0xd: {  	s10 =	sadd.s32 $0x6C00, s0;
	s11 =	sadd.s32 $0x2200, s0;
	s12 =	sadd.s32 $0x2000, s0  }
0xe: {  	s13 =	sadd.s32 $0x1E00, s0;
	s15 =	simm.s32 $0x0;
	s16 =	simm.s32 $0x1  }
0xf: {  	s17 =	simm.s32 $0x4E80;
	s18 =	simm.s32 $0x4F00;
	s19 =	simm.s32 $0x9D80  }
0x10: {  	s20 =	simm.s32 $0xEC00;
	s21 =	simm.s32 $0x13A80;
	s22 =	simm.s32 $0x18900  }
0x11: {  	s23 =	simm.s32 $0x1D780;
	s24 =	simm.s32 $0x1DB80;
	s25 =	simm.s32 $0x1DF80  }
0x12: {  	s26 =	simm.s32 $0x1E380;
	s28 =	simm.s32 $0x1E780;
	s14 =	sshrl.u32 s1, $0x1  }
0x13: {  	v0 =	vlaneseq.u32;
	s29 =	simm.s32 $0x1EB80;
	s30 =	simm.s32 $0x0;
	s14 =	ssub.s32 s1, s14  }
.LBB2_2:
0x14: {  	[tilespmem:s15], [sflag:$0x1] =	stream.linear.gather [hbm4b:s4+s15], $0x4E80, $0x38;
	[tilespmem:$0x1EF80] =	vst v63  }
0x15: {  	_ =	swait.ge [sflag:s16], $0x4E80  }
0x16: {  	[sflag:s16] =	ssyncset.done $0x0  }
0x17: {  	[sflag:s16] =	ssyncadd.s32 $0xFFFFB180  }
0x18: {  	[tilespmem:s17], [sflag:$0x1] =	stream.linear.gather [hbm4b:s5+s15], $0x80, $0x38;
	[tilespmem:$0x1EF80] =	vst v63  }
0x19: {  	_ =	swait.ge [sflag:s16], $0x80  }
0x1a: {  	[sflag:s16] =	ssyncset.done $0x0  }
0x1b: {  	[sflag:s16] =	ssyncadd.s32 $0xFFFFFF80  }
0x1c: {  	[tilespmem:s18], [sflag:$0x1] =	stream.linear.gather [hbm4b:s6+s15], $0x4E80, $0x38;
	[tilespmem:$0x1EF80] =	vst v63  }
0x1d: {  	_ =	swait.ge [sflag:s16], $0x4E80  }
0x1e: {  	[sflag:s16] =	ssyncset.done $0x0  }
0x1f: {  	[sflag:s16] =	ssyncadd.s32 $0xFFFFB180  }
0x20: {  	[tilespmem:s19], [sflag:$0x1] =	stream.linear.gather [hbm4b:s7+s15], $0x4E80, $0x38;
	[tilespmem:$0x1EF80] =	vst v63  }
0x21: {  	_ =	swait.ge [sflag:s16], $0x4E80  }
0x22: {  	[sflag:s16] =	ssyncset.done $0x0  }
0x23: {  	[sflag:s16] =	ssyncadd.s32 $0xFFFFB180  }
0x24: {  	[tilespmem:s20], [sflag:$0x1] =	stream.linear.gather [hbm4b:s8+s15], $0x4E80, $0x38;
	[tilespmem:$0x1EF80] =	vst v63  }
0x25: {  	_ =	swait.ge [sflag:s16], $0x4E80  }
0x26: {  	[sflag:s16] =	ssyncset.done $0x0  }
0x27: {  	[sflag:s16] =	ssyncadd.s32 $0xFFFFB180  }
0x28: {  	[tilespmem:s21], [sflag:$0x1] =	stream.linear.gather [hbm4b:s9+s15], $0x4E80, $0x38;
	[tilespmem:$0x1EF80] =	vst v63  }
0x29: {  	_ =	swait.ge [sflag:s16], $0x4E80  }
0x2a: {  	[sflag:s16] =	ssyncset.done $0x0  }
0x2b: {  	[sflag:s16] =	ssyncadd.s32 $0xFFFFB180  }
0x2c: {  	[tilespmem:s22], [sflag:$0x1] =	stream.linear.gather [hbm4b:s10+s15], $0x4E80, $0x38;
	[tilespmem:$0x1EF80] =	vst v63  }
0x2d: {  	_ =	swait.ge [sflag:s16], $0x4E80  }
0x2e: {  	[sflag:s16] =	ssyncset.done $0x0  }
0x2f: {  	[sflag:s16] =	ssyncadd.s32 $0xFFFFB180  }
0x30: {  	v1 =	vld [tilespmem:$0x4E80];
	_ =	sdelay $0x2  }
0x31: {  	s0 =	simm.s32 $0x1D780;
	s1 =	simm.s32 $0x0  }
.LBB2_3:
0x32: {  	p0 =	sne.s32 s1, $0x3F0  }
.Ltmp1:
0x33: {  	v2 =	vsub.s32 s1, v1;
	(pc) =	sbr.rel @p0 .LBB2_3-.Ltmp1, $4  }
0x34: {  	v2 =	vadd.s32 v0, v2  }
0x35: {  	vm0 =	vgt.s32 v2, $0x0  }
0x36: {  	v2 =	vnsel vm0, $0x0, v2  }
0x37: {  	s1 =	sadd.s32 $0x10, s1;
	[tilespmem:s0+$0x0] =	vst v2;
	s0 =	sadd.s32 $0x10, s0  }
0x38: {  	v1 =	vimm.s32 $0x0;
	s31 =	simm.s32 $0x70;
	s1 =	simm.s32 $0x40  }
.LBB2_5:
0x39: {  	v2 =	vld [tilespmem:s1+$0xFFFFFFC0];
	_ =	sdelay $0x4  }
0x3a: {  	(xrf0) =	vadd.scan.msk.s32 $0xffff, v2;
	_ =	sdelay $0x5  }
0x3b: {  	v3, _, _ =	vpop (xrf0)  }
0x3c: {  	v3 =	vsub.s32 v3, v2  }
0x3d: {  	v3 =	vadd.s32 v1, v3  }
0x3e: {  	vm0 =	vgt.s32 v2, $0x0;
	vm1 =	vlt.s32 v3, $0x3E8  }
0x3f: {  	vm1 =	vmand vm0, vm1;
	_ =	sdelay $0x3  }
0x40: {  	s0 =	sadd.s32 $0xFFFFFF90, s31  }
0x41: {  	v2 =	vor.u32 s0, v0  }
0x42: {  	[tilespmem:v3+s23+$0x0] =	vst.idx.msk vm1, v2  }
0x43: {  	v2 =	vld [tilespmem:s1+$0xFFFFFFD0];
	_ =	sdelay $0x4  }
0x44: {  	(xrf0) =	vadd.scan.msk.s32 $0xffff, v2;
	_ =	sdelay $0x4  }
0x45: {  	v3 =	vmpcnt.ones.xlane vm0  }
0x46: {  	v4, _, _ =	vpop (xrf0)  }
0x47: {  	v1 =	vadd.s32 v1, v3;
	v3 =	vsub.s32 v4, v2  }
0x48: {  	v3 =	vadd.s32 v1, v3  }
0x49: {  	vm14 =	vgt.s32 v2, $0x0;
	vm15 =	vlt.s32 v3, $0x3E8  }
0x4a: {  	vm1 =	vmand vm14, vm15;
	_ =	sdelay $0x3  }
0x4b: {  	s0 =	sadd.s32 $0xFFFFFFA0, s31  }
0x4c: {  	v2 =	vor.u32 s0, v0  }
0x4d: {  	[tilespmem:v3+s23+$0x0] =	vst.idx.msk vm1, v2  }
0x4e: {  	v2 =	vld [tilespmem:s1+$0xFFFFFFE0];
	_ =	sdelay $0x4  }
0x4f: {  	(xrf0) =	vadd.scan.msk.s32 $0xffff, v2;
	_ =	sdelay $0x4  }
0x50: {  	v3 =	vmpcnt.ones.xlane vm14  }
0x51: {  	v57, _, _ =	vpop (xrf0)  }
0x52: {  	v1 =	vadd.s32 v1, v3;
	v3 =	vsub.s32 v57, v2  }
0x53: {  	v3 =	vadd.s32 v1, v3  }
0x54: {  	vm4 =	vgt.s32 v2, $0x0;
	vm5 =	vlt.s32 v3, $0x3E8  }
0x55: {  	vm1 =	vmand vm4, vm5;
	_ =	sdelay $0x3  }
0x56: {  	s0 =	sadd.s32 $0xFFFFFFB0, s31  }
0x57: {  	v2 =	vor.u32 s0, v0  }
0x58: {  	[tilespmem:v3+s23+$0x0] =	vst.idx.msk vm1, v2  }
0x59: {  	v2 =	vld [tilespmem:s1+$0xFFFFFFF0];
	_ =	sdelay $0x4  }
0x5a: {  	(xrf0) =	vadd.scan.msk.s32 $0xffff, v2;
	_ =	sdelay $0x4  }
0x5b: {  	v3 =	vmpcnt.ones.xlane vm4  }
0x5c: {  	v58, _, _ =	vpop (xrf0)  }
0x5d: {  	v1 =	vadd.s32 v1, v3;
	v3 =	vsub.s32 v58, v2  }
0x5e: {  	v3 =	vadd.s32 v1, v3  }
0x5f: {  	vm6 =	vgt.s32 v2, $0x0;
	vm7 =	vlt.s32 v3, $0x3E8  }
0x60: {  	vm1 =	vmand vm6, vm7;
	_ =	sdelay $0x3  }
0x61: {  	s0 =	sadd.s32 $0xFFFFFFC0, s31  }
0x62: {  	v2 =	vor.u32 s0, v0  }
0x63: {  	[tilespmem:v3+s23+$0x0] =	vst.idx.msk vm1, v2  }
0x64: {  	v2 =	vld [tilespmem:s1+$0x0];
	_ =	sdelay $0x4  }
0x65: {  	(xrf0) =	vadd.scan.msk.s32 $0xffff, v2;
	_ =	sdelay $0x4  }
0x66: {  	v3 =	vmpcnt.ones.xlane vm6  }
0x67: {  	v59, _, _ =	vpop (xrf0)  }
0x68: {  	v1 =	vadd.s32 v1, v3;
	v3 =	vsub.s32 v59, v2  }
0x69: {  	v3 =	vadd.s32 v1, v3  }
0x6a: {  	vm8 =	vgt.s32 v2, $0x0;
	vm9 =	vlt.s32 v3, $0x3E8  }
0x6b: {  	vm1 =	vmand vm8, vm9;
	_ =	sdelay $0x3  }
0x6c: {  	s0 =	sadd.s32 $0xFFFFFFD0, s31  }
0x6d: {  	v2 =	vor.u32 s0, v0  }
0x6e: {  	[tilespmem:v3+s23+$0x0] =	vst.idx.msk vm1, v2  }
0x6f: {  	v2 =	vld [tilespmem:s1+$0x10];
	_ =	sdelay $0x4  }
0x70: {  	(xrf0) =	vadd.scan.msk.s32 $0xffff, v2;
	_ =	sdelay $0x4  }
0x71: {  	v3 =	vmpcnt.ones.xlane vm8  }
0x72: {  	v60, _, _ =	vpop (xrf0)  }
0x73: {  	v1 =	vadd.s32 v1, v3;
	v3 =	vsub.s32 v60, v2  }
0x74: {  	v3 =	vadd.s32 v1, v3  }
0x75: {  	vm10 =	vgt.s32 v2, $0x0;
	vm11 =	vlt.s32 v3, $0x3E8  }
0x76: {  	vm1 =	vmand vm10, vm11;
	_ =	sdelay $0x3  }
0x77: {  	s0 =	sadd.s32 $0xFFFFFFE0, s31  }
0x78: {  	v2 =	vor.u32 s0, v0  }
0x79: {  	[tilespmem:v3+s23+$0x0] =	vst.idx.msk vm1, v2  }
0x7a: {  	v2 =	vld [tilespmem:s1+$0x20];
	_ =	sdelay $0x4  }
0x7b: {  	(xrf0) =	vadd.scan.msk.s32 $0xffff, v2;
	_ =	sdelay $0x4  }
0x7c: {  	v3 =	vmpcnt.ones.xlane vm10  }
0x7d: {  	v61, _, _ =	vpop (xrf0)  }
0x7e: {  	v1 =	vadd.s32 v1, v3;
	v3 =	vsub.s32 v61, v2  }
0x7f: {  	v3 =	vadd.s32 v1, v3  }
0x80: {  	vm12 =	vgt.s32 v2, $0x0;
	vm13 =	vlt.s32 v3, $0x3E8  }
0x81: {  	vm1 =	vmand vm12, vm13;
	_ =	sdelay $0x3  }
0x82: {  	s0 =	sadd.s32 $0xFFFFFFF0, s31  }
0x83: {  	v2 =	vor.u32 s0, v0  }
0x84: {  	[tilespmem:v3+s23+$0x0] =	vst.idx.msk vm1, v2  }
0x85: {  	v2 =	vld [tilespmem:s1+$0x30];
	_ =	sdelay $0x4  }
0x86: {  	(xrf0) =	vadd.scan.msk.s32 $0xffff, v2;
	_ =	sdelay $0x4  }
0x87: {  	v3 =	vmpcnt.ones.xlane vm12  }
0x88: {  	v62, _, _ =	vpop (xrf0)  }
0x89: {  	v1 =	vadd.s32 v1, v3;
	v3 =	vsub.s32 v62, v2  }
0x8a: {  	v3 =	vadd.s32 v1, v3  }
0x8b: {  	vm14 =	vgt.s32 v2, $0x0;
	vm15 =	vlt.s32 v3, $0x3E8  }
0x8c: {  	vm1 =	vmand vm14, vm15  }
0x8d: {  	p0 =	sne.s32 s31, $0x4E70  }
.Ltmp2:
0x8e: {  	_ = 	snop;
	(pc) =	sbr.rel @p0 .LBB2_5-.Ltmp2, $4  }
0x8f: {  	_ = 	snop  }
0x90: {  	v2 =	vmpcnt.ones.xlane vm14  }
0x91: {  	v63 =	vor.u32 s31, v0  }
0x92: {  	s31 =	sadd.s32 $0x80, s31;
	s1 =	sadd.s32 $0x80, s1;
	v1 =	vadd.s32 v1, v2;
	[tilespmem:v3+s23+$0x0] =	vst.idx.msk vm1, v63  }
0x93: {  	s1 =	simm.s32 $0x0  }
0x94: {  	v1 =	vld [tilespmem:s1+$0x1D780];
	_ =	sdelay $0x7  }
0x95: {  	v2 =	vld.idx.msk [tilespmem:v1+s18+$0x0], $0xffff;
	_ =	sdelay $0x4  }
0x96: {  	[tilespmem:s1+$0x1DB80] =	vst v2  }
0x97: {  	v2 =	vld.idx.msk [tilespmem:v1+s19+$0x0], $0xffff;
	_ =	sdelay $0x4  }
0x98: {  	[tilespmem:s1+$0x1DF80] =	vst v2  }
0x99: {  	v2 =	vld.idx.msk [tilespmem:v1+s20+$0x0], $0xffff;
	_ =	sdelay $0x4  }
0x9a: {  	[tilespmem:s1+$0x1E380] =	vst v2  }
0x9b: {  	v2 =	vld.idx.msk [tilespmem:v1+s21+$0x0], $0xffff;
	_ =	sdelay $0x3  }
0x9c: {  	s0 =	simm.s32 $0x10;
	s31 =	simm.s32 $0x80  }
.LBB2_7:
0x9d: {  	p0 =	sne.s32 s31, $0xFC0;
	v3 =	vld [tilespmem:s0+$0x1D780];
	[tilespmem:s1+$0x1E780] =	vst v2  }
0x9e: {  	v2 =	vld.idx.msk [tilespmem:v1+s22+$0x0], $0xffff;
	_ =	sdelay $0x3  }
0x9f: {  	v1 =	vmov v3;
	_ =	sdelay $0x1  }
0xa0: {  	[tilespmem:s1+$0x1EB80] =	vst v2;
	s1 =	smov.u32 s0  }
0xa1: {  	v2 =	vld.idx.msk [tilespmem:v3+s18+$0x0], $0xffff;
	_ =	sdelay $0x5  }
0xa2: {  	[tilespmem:s1+$0x1DB80] =	vst v2  }
0xa3: {  	v2 =	vld.idx.msk [tilespmem:v3+s19+$0x0], $0xffff;
	_ =	sdelay $0x5  }
0xa4: {  	[tilespmem:s1+$0x1DF80] =	vst v2  }
0xa5: {  	v2 =	vld.idx.msk [tilespmem:v3+s20+$0x0], $0xffff;
	_ =	sdelay $0x5  }
0xa6: {  	[tilespmem:s1+$0x1E380] =	vst v2  }
0xa7: {  	v2 =	vld.idx.msk [tilespmem:v3+s21+$0x0], $0xffff  }
.Ltmp3:
0xa8: {  	(pc) =	sbr.rel @p0 .LBB2_7-.Ltmp3, $2  }
0xa9: {  	_ =	sdelay $0x2  }
0xaa: {  	s0 =	sshra.s32 s31, $0x2;
	s31 =	sadd.s32 $0x40, s31  }
0xab: {  	_ =	sdelay $0x1  }
0xac: {  	v3 =	vld [tilespmem:s0+$0x1D780]  }
0xad: {  	[tilespmem:s1+$0x1E780] =	vst v2  }
0xae: {  	v1 =	vld.idx.msk [tilespmem:v1+s22+$0x0], $0xffff;
	_ =	sdelay $0x4  }
0xaf: {  	[tilespmem:s1+$0x1EB80] =	vst v1  }
0xb0: {  	v1 =	vld.idx.msk [tilespmem:v3+s18+$0x0], $0xffff;
	_ =	sdelay $0x4  }
0xb1: {  	[tilespmem:s0+$0x1DB80] =	vst v1  }
0xb2: {  	v1 =	vld.idx.msk [tilespmem:v3+s19+$0x0], $0xffff;
	_ =	sdelay $0x4  }
0xb3: {  	[tilespmem:s0+$0x1DF80] =	vst v1  }
0xb4: {  	v1 =	vld.idx.msk [tilespmem:v3+s20+$0x0], $0xffff;
	_ =	sdelay $0x4  }
0xb5: {  	[tilespmem:s0+$0x1E380] =	vst v1  }
0xb6: {  	v1 =	vld.idx.msk [tilespmem:v3+s21+$0x0], $0xffff;
	_ =	sdelay $0x4  }
0xb7: {  	[tilespmem:s0+$0x1E780] =	vst v1  }
0xb8: {  	v1 =	vld.idx.msk [tilespmem:v3+s22+$0x0], $0xffff;
	_ =	sdelay $0x4  }
0xb9: {  	[tilespmem:s0+$0x1EB80] =	vst v1  }
0xba: {  	[hbm4b:s2+s15] =	stream.linear.scatter [tilespmem:s24], [sflag:$0x1], $0x400, $0x38;
	[tilespmem:$0x1EF80] =	vst v63  }
0xbb: {  	_ =	swait.ge [sflag:s16], $0x400  }
0xbc: {  	[sflag:s16] =	ssyncset.done $0x0  }
0xbd: {  	[sflag:s16] =	ssyncadd.s32 $0xFFFFFC00  }
0xbe: {  	[hbm4b:s11+s15] =	stream.linear.scatter [tilespmem:s25], [sflag:$0x1], $0x400, $0x38;
	[tilespmem:$0x1EF80] =	vst v63  }
0xbf: {  	_ =	swait.ge [sflag:s16], $0x400  }
0xc0: {  	[sflag:s16] =	ssyncset.done $0x0  }
0xc1: {  	[sflag:s16] =	ssyncadd.s32 $0xFFFFFC00  }
0xc2: {  	[hbm4b:s12+s15] =	stream.linear.scatter [tilespmem:s26], [sflag:$0x1], $0x400, $0x38;
	[tilespmem:$0x1EF80] =	vst v63  }
0xc3: {  	_ =	swait.ge [sflag:s16], $0x400  }
0xc4: {  	[sflag:s16] =	ssyncset.done $0x0  }
0xc5: {  	[sflag:s16] =	ssyncadd.s32 $0xFFFFFC00  }
0xc6: {  	[hbm4b:s13+s15] =	stream.linear.scatter [tilespmem:s28], [sflag:$0x1], $0x400, $0x38;
	[tilespmem:$0x1EF80] =	vst v63  }
0xc7: {  	s30 =	sadd.s32 $0x1, s30;
	_ =	swait.ge [sflag:s16], $0x400  }
0xc8: {  	p0 =	sne.s32 s30, s14;
	[sflag:s16] =	ssyncset.done $0x0  }
.Ltmp4:
0xc9: {  	[sflag:s16] =	ssyncadd.s32 $0xFFFFFC00;
	(pc) =	sbr.rel @p0 .LBB2_2-.Ltmp4, $4  }
0xca: {  	[hbm4b:s3+s15] =	stream.linear.scatter [tilespmem:s29], [sflag:$0x1], $0x400, $0x38;
	[tilespmem:$0x1EF80] =	vst v63  }
0xcb: {  	_ =	swait.ge [sflag:s16], $0x400  }
0xcc: {  	[sflag:s16] =	ssyncset.done $0x0  }
0xcd: {  	[sflag:s16] =	ssyncadd.s32 $0xFFFFFC00  }
.LBB2_9:
0xce: {  	_ =	sfence.sel $0x180000  }
0xcf: {  	[bflag:$0x0] =	sbarrier.arrive $0xFFFF  }
0xd0: {  	_ =	strace $0x9000004D  }
0xd1: {  	s0 =	stileid.u32;
	[bflag:$0x2] =	sbarrier.arrive $0xFFFF  }
0xd2: {  	p0 =	sne.s32 s0, $0x0;
	s0 =	rddreg [dreg:$0x3]  }
0xd3: {  	s0 =	sadd.s32 @!p0 $0x100000, s0  }
0xd4: {  	[sflag:s0] =	ssyncadd.tile.s32 @!p0 $0x1;
	_ =	shalt  }
.Lfunc_end2:
_tile_overlayer_lowered:
.L_overlay_start_2:
0xd5: {  	(tag) =	ssettag $0x2  }
0xd6: {  	s0 =	rddreg [dreg:$0x0];
	s2 =	stileid.u32  }
0xd7: {  	s1 =	rddreg [dreg:$0x1];
	p0 =	sne.s32 s2, $0x0  }
0xd8: {  	s3 =	rddreg [dreg:$0x2];
	[bflag:$0x3] =	sbarrier.arrive $0xFFFF;
	s2 =	simm.s32 @!p0 $0x1C01  }
0xd9: {  	[timem:s3], [sflag:s2] =	dma.local @!p0 [hbm:s0], s1  }
0xda: {  	s0 =	simm.s32 @!p0 $0x1  }
0xdb: {  	_ =	swait.ge @!p0 [sflag:s0], s1  }
0xdc: {  	s1 =	ssub.s32 @!p0 $0x0, s1;
	[sflag:s0] =	ssyncset.done @!p0 $0x0  }
0xdd: {  	[sflag:s0] =	ssyncadd.s32 @!p0 s1  }
0xde: {  	[bflag:$0x3] =	sbarrier.arrive $0xFFFF  }
0xdf: {  	_ =	shalt  }

// kernel: kernel.6.cloned.1.call-start
scs
__scs_entry_jumppad:
0x0: {  	(pc) =	sbr.rel $0x88, $3  }
0x1: {  	(tag) =	ssettag $0x0;
	lr =	simm.s32 $0x1  }
0x2: {  	[smem:$0x3F9F] =	sst lr;
	_ =	strace $0xD0000000  }
0x3: {  	_ = 	snop  }
0x4: {  	_ = 	snop  }
0x5: {  	_ = 	snop  }
0x6: {  	_ = 	snop  }
0x7: {  	_ = 	snop  }
__scs_overlays_trampoline_lowered:
0x8: {  	[smem:$0x3FAE] =	sst s0  }
0x9: {  	[smem:$0x3FAF] =	sst s1  }
0xa: {  	[smem:$0x3FB0] =	sst s2  }
0xb: {  	[smem:$0x3FB1] =	sst s3  }
0xc: {  	[smem:$0x3FB2] =	sst s4  }
0xd: {  	[smem:$0x3FB3] =	sst s5  }
0xe: {  	[smem:$0x3FB4] =	sst s6  }
0xf: {  	[smem:$0x3FB5] =	sst s7  }
0x10: {  	[smem:$0x3FB6] =	sst s8  }
0x11: {  	[smem:$0x3FB7] =	sst s9;
	s0 =	simm.s32 @!p0 $0x0  }
0x12: {  	s1 =	sld [smem:$0x3F9D];
	s0 =	simm.s32 @p0 $0x1  }
0x13: {  	[smem:$0x3FB8] =	sst s0;
	s0 =	simm.s32 @!p1 $0x0  }
0x14: {  	s2 =	sld [smem:$0x3F9C];
	s0 =	simm.s32 @p1 $0x1  }
0x15: {  	[smem:$0x3FB9] =	sst s0;
	s0 =	simm.s32 @!p2 $0x0  }
0x16: {  	s3 =	sld [smem:$0x3FDB];
	s0 =	simm.s32 @p2 $0x1  }
0x17: {  	s4 =	simm.s32 $0x1BF5;
	[smem:$0x3FBB] =	sst s0  }
0x18: {  	s0 =	sld [smem:$0x3F9E];
	_ =	swait.ge [sflag:s4], $0x0  }
0x19: {  	s7 =	sld [smem:$0x3F9F]  }
0x1a: {  	s8 =	sadd.s32 $0xFFFFE003, lr  }
0x1b: {  	s9 =	sadd.s32 $0xFFFFFEF7, lr;
	s5 =	simm.s32 $0xFFFFFFFF;
	p2 =	slt.u32 s8, $0xFFFFF086  }
0x1c: {  	p1 =	slt.u32 s9, $0xF7A;
	s5 =	simm.s32 @!p2 $0x0  }
0x1d: {  	s5 =	simm.s32 @p1 $0x1;
	p0 =	seq.s32 s7, s2  }
0x1e: {  	s7 =	smul.u32 @!p0 $0xF7A, s2;
	p2 =	seq.s32 @!p0 s5, $0x0  }
0x1f: {  	s9 =	smul.u32 $0xF7A, s1;
	s8 =	simm.s32 @!p0 $0x1BF5;
	p2 =	por !p2, p0  }
0x20: {  	[sflag:s8] =	ssyncset.s32 @!p0 $0xFFFFF086;
	s6 =	sadd.s32 @!p0 s3, s7;
	s7 =	simm.s32 @!p0 $0x108  }
0x21: {  	s3 =	sadd.s32 s3, s9;
	s6 =	sadd.s32 @!p0 $0x88, s6;
	s7 =	simm.s32 @p2 $0x1082  }
0x22: {  	[simem:s7], [sflag:s8] =	dma.local @!p0 [hbm:s6], $0xF7A  }
0x23: {  	s9 =	sor.u32 $0xD0000000, s2;
	s6 =	simm.s32 $0x108;
	_ =	swait.ge @!p0 [sflag:s8], $0x0  }
0x24: {  	s3 =	sadd.s32 $0x88, s3;
	s6 =	simm.s32 @!p1 $0x1082;
	[sflag:s4] =	ssyncset.s32 $0xFFFFF086  }
0x25: {  	[simem:s6], [sflag:s4] =	dma.local [hbm:s3], $0xF7A  }
0x26: {  	[smem:$0x3F9F] =	sst s1;
	(tag) =	ssettag s2;
	_ =	strace s9  }
0x27: {  	s1 =	sld [smem:$0x3FAF]  }
0x28: {  	s2 =	sld [smem:$0x3FB0]  }
0x29: {  	s4 =	sld [smem:$0x3FB2]  }
0x2a: {  	p0 =	seq.s32 s5, $0x0;
	s5 =	sld [smem:$0x3FB3]  }
0x2b: {  	s6 =	sld [smem:$0x3FB4]  }
0x2c: {  	s7 =	sld [smem:$0x3FB5]  }
0x2d: {  	s3 =	simm.s32 $0x108;
	s8 =	sld [smem:$0x3FB6]  }
0x2e: {  	s3 =	simm.s32 @!p0 $0x1082;
	s9 =	sld [smem:$0x3FB7]  }
0x2f: {  	lr =	sadd.s32 s0, s3;
	s0 =	sld [smem:$0x3FAE]  }
0x30: {  	s3 =	sld [smem:$0x3FB1]  }
0x31: {  	[smem:$0x3FBA] =	sst s10  }
0x32: {  	s10 =	sld [smem:$0x3FB8];
	_ =	sdelay $0x3  }
0x33: {  	p0 =	seq.s32 s10, $0x1;
	s10 =	sld [smem:$0x3FBA];
	_ =	sdelay $0x3  }
0x34: {  	[smem:$0x3FBA] =	sst s10  }
0x35: {  	s10 =	sld [smem:$0x3FB9];
	_ =	sdelay $0x3  }
0x36: {  	p1 =	seq.s32 s10, $0x1;
	s10 =	sld [smem:$0x3FBA];
	_ =	sdelay $0x3  }
0x37: {  	[smem:$0x3FBA] =	sst s10  }
0x38: {  	s10 =	sld [smem:$0x3FBB]  }
0x39: {  	_ = 	snop;
	(pc) =	sbr.ind lr, $3  }
0x3a: {  	_ = 	snop  }
0x3b: {  	_ = 	snop  }
0x3c: {  	p2 =	seq.s32 s10, $0x1;
	s10 =	sld [smem:$0x3FBA]  }
0x3d: {  	_ =	shalt  }
0x3e: {  	_ =	shalt  }
0x3f: {  	_ =	shalt  }
0x40: {  	_ =	shalt  }
0x41: {  	_ =	shalt  }
0x42: {  	_ =	shalt  }
0x43: {  	_ =	shalt  }
0x44: {  	_ =	shalt  }
0x45: {  	_ =	shalt  }
0x46: {  	_ =	shalt  }
0x47: {  	_ =	shalt  }
0x48: {  	_ =	shalt  }
0x49: {  	_ =	shalt  }
0x4a: {  	_ =	shalt  }
0x4b: {  	_ =	shalt  }
0x4c: {  	_ =	shalt  }
0x4d: {  	_ =	shalt  }
0x4e: {  	_ =	shalt  }
0x4f: {  	_ =	shalt  }
0x50: {  	_ =	shalt  }
0x51: {  	_ =	shalt  }
0x52: {  	_ =	shalt  }
0x53: {  	_ =	shalt  }
0x54: {  	_ =	shalt  }
0x55: {  	_ =	shalt  }
0x56: {  	_ =	shalt  }
0x57: {  	_ =	shalt  }
0x58: {  	_ =	shalt  }
0x59: {  	_ =	shalt  }
0x5a: {  	_ =	shalt  }
0x5b: {  	_ =	shalt  }
0x5c: {  	_ =	shalt  }
0x5d: {  	_ =	shalt  }
0x5e: {  	_ =	shalt  }
0x5f: {  	_ =	shalt  }
0x60: {  	_ =	shalt  }
0x61: {  	_ =	shalt  }
0x62: {  	_ =	shalt  }
0x63: {  	_ =	shalt  }
0x64: {  	_ =	shalt  }
0x65: {  	_ =	shalt  }
0x66: {  	_ =	shalt  }
0x67: {  	_ =	shalt  }
0x68: {  	_ =	shalt  }
0x69: {  	_ =	shalt  }
0x6a: {  	_ =	shalt  }
0x6b: {  	_ =	shalt  }
0x6c: {  	_ =	shalt  }
0x6d: {  	_ =	shalt  }
0x6e: {  	_ =	shalt  }
0x6f: {  	_ =	shalt  }
0x70: {  	_ =	shalt  }
0x71: {  	_ =	shalt  }
0x72: {  	_ =	shalt  }
0x73: {  	_ =	shalt  }
0x74: {  	_ =	shalt  }
0x75: {  	_ =	shalt  }
0x76: {  	_ =	shalt  }
0x77: {  	_ =	shalt  }
0x78: {  	_ =	shalt  }
0x79: {  	_ =	shalt  }
0x7a: {  	_ =	shalt  }
0x7b: {  	_ =	shalt  }
0x7c: {  	_ =	shalt  }
0x7d: {  	_ =	shalt  }
0x7e: {  	_ =	shalt  }
0x7f: {  	_ =	shalt  }
0x80: {  	_ =	shalt  }
0x81: {  	_ =	shalt  }
0x82: {  	_ =	shalt  }
0x83: {  	_ =	shalt  }
0x84: {  	_ =	shalt  }
0x85: {  	_ =	shalt  }
0x86: {  	_ =	shalt  }
0x87: {  	_ =	shalt  }
.Lfunc_end0:
.L_simem_size_0:
called_computation_lowered:
.L_overlay_start_0:
0x88: {  	s2 =	sld [smem:$0x3FD9]  }
0x89: {  	s3 =	sld [smem:$0x3FFE];
	_ =	sdelay $0x1  }
0x8a: {  	s1 =	srdreg.scid  }
0x8b: {  	s0 =	sand.u32 $0x1, s1  }
0x8c: {  	s16 =	sshll.u32 s0, $0xA;
	s2 =	sadd.s32 s3, s2  }
0x8d: {  	s2 =	sadd.s32 s2, s16  }
0x8e: {  	[smem:$0x3FC6] =	sst s2  }
0x8f: {  	_ = 	snop  }
0x90: {  	(tm) =	ssettm $0x1  }
0x91: {  	s17 =	sld [smem:$0x3FFB];
	_ =	sdelay $0x3  }
0x92: {  	_ =	strace s17  }
0x93: {  	s2 =	sld [smem:$0x3FFC];
	_ =	sdelay $0x3  }
0x94: {  	_ =	strace s2  }
0x95: {  	s2 =	sld [smem:$0x3FFD];
	_ =	sdelay $0x3  }
0x96: {  	_ =	strace s2  }
0x97: {  	_ =	strace $0x8FFFFFFF  }
0x98: {  	s18 =	sld [smem:$0x3FDB];
	_ =	sdelay $0x1  }
0x99: {  	s19 =	simm.s32 $_scs_section_size  }
0x9a: {  	s4 =	simm.s32 $_size__tile_overlayer_lowered;
	s5 =	simm.s32 $_tile_overlayer_lowered  }
0x9b: {  	s22 =	simm.s32 $0x1BFF;
	s21 =	sshll.u32 s5, $0x1;
	s2 =	sadd.s32 s19, s18  }
0x9c: {  	s6 =	simm.s32 $0x0;
	s20 =	sshll.u32 s4, $0x1;
	s4 =	sadd.s32 s21, s2  }
0x9d: {  	[timem:s6], [sflag:s22] =	dma.local [hbm:s4], s20  }
0x9e: {  	_ =	swait.ge [sflag:s22], s20  }
0x9f: {  	s3 =	ssub.s32 $0x0, s20;
	[sflag:s22] =	ssyncset.done $0x0  }
0xa0: {  	[sflag:s22] =	ssyncadd.s32 s3;
	_ =	sdelay $0x1  }
0xa1: {  	s23 =	simm.s32 $0x1B8B  }
0xa2: {  	_ =	swait.ge [sflag:s23], $0x1  }
0xa3: {  	[sflag:s23] =	ssyncset.done $0x0  }
0xa4: {  	s25 =	simm.s32 $0x1B8E;
	s24 =	sld [smem:$0x3FFE];
	[sflag:s23] =	ssyncadd.s32 $0xFFFFFFFF  }
0xa5: {  	s26 =	simm.s32 $execute0_lowered;
	[smem:$0x3FD2] =	sst s25  }
0xa6: {  	s4 =	sshll.u32 s26, $0x1;
	_ =	strace $0x80000046;
	[dreg:$0x1] =	wrdreg $0xFFFFFFFF  }
0xa7: {  	s28 =	simm.s32 $_size_execute0_lowered;
	s2 =	sadd.s32 s2, s4;
	[dreg:$0x0] =	wrdreg $0x0  }
0xa8: {  	s4 =	sshll.u32 s28, $0x1;
	[dreg:$0x2] =	wrdreg s2  }
0xa9: {  	[dreg:$0x3] =	wrdreg s4  }
0xaa: {  	[dreg:$0x4] =	wrdreg $0xC0  }
0xab: {  	_ =	task [dreg:s6], $0x5FFFF  }
0xac: {  	[dreg:$0x1] =	wrdreg $0xFFFFFFFF  }
0xad: {  	[dreg:$0x0] =	wrdreg $0x60  }
0xae: {  	[dreg:$0x2] =	wrdreg s24  }
0xaf: {  	[dreg:$0x3] =	wrdreg $0x9  }
0xb0: {  	_ =	task.clear_ibuf [dreg:s6], $0x4FFFF;
	_ =	strace $0x90000046  }
0xb1: {  	s29 =	simm.s32 $0x9;
	_ =	strace $0x80000048  }
0xb2: {  	_ =	swait.ge [sflag:s29], $0x1  }
0xb3: {  	[sflag:s29] =	ssyncadd.s32 $0xFFFFFFFF  }
0xb4: {  	_ =	strace $0x90000048  }
0xb5: {  	_ =	sfence  }
0xb6: {  	s30 =	sld [smem:$0x0];
	_ =	sdelay $0x2  }
0xb7: {  	s31 =	sshll.u32 s1, $0xD;
	s1 =	sshrl.u32 s1, $0x2  }
0xb8: {  	s3 =	sand.u32 $0x4000, s31;
	s1 =	sadd.s32 s1, s30  }
0xb9: {  	s0 =	sor.u32 s3, s0;
	s1 =	sshll.u32 s1, $0x11  }
0xba: {  	s0 =	sor.u32 s1, s0  }
0xbb: {  	s0 =	sadd.s32 $0x8F2B, s0  }
0xbc: {  	[sflag:s0] =	ssyncadd.remote.s32 $0x1  }
0xbd: {  	_ =	sfence.sel $0xFFFF  }
0xbe: {  	[dreg:$0x0] =	wrdreg $0xFFFFFFFF;
	(pc) =	sbr.abs _section_cstart, $3  }
0xbf: {  	[dreg:$0x1] =	wrdreg $0xFFFFFFFF  }
0xc0: {  	_ =	task.clear_ibuf [dreg:s6], $0x2FFFF;
	_ =	strace $0x9FFFFFFF  }
0xc1: {  	(tm) =	ssettm $0x7FFFFFFF  }
tec
execute0_lowered:
.L_overlay_start_1:
0x0: {  	(tag) =	ssettag $0x1  }
0x1: {  	s0 =	srdreg.scid  }
0x2: {  	s2 =	sand.u32 $0x1, s0;
	s0 =	stileid.u32  }
0x3: {  	s4 =	sor.u32 s0, s2  }
0x4: {  	p0 =	sne.s32 s4, $0x0  }
.Ltmp0:
0x5: {  	_ = 	snop;
	(pc) =	sbr.rel @p0 .LBB2_29-.Ltmp0, $3  }
0x6: {  	_ =	sdelay $0x1  }
0x7: {  	s3 =	rddreg [dreg:$0x0]  }
0x8: {  	s1 =	rddreg [dreg:$0x1];
	_ =	strace $0x80000047  }
0x9: {  	s4 =	ssub.s32 $0x2, s2;
	s2 =	sadd.s32 $0x1200, s3;
	s3 =	sadd.s32 $0x1C00, s3  }
0xa: {  	s6 =	simm.s32 $0x1;
	s7 =	simm.s32 $0x14000;
	s8 =	simm.s32 $0xA000  }
0xb: {  	s9 =	simm.s32 $0xF000;
	s10 =	simm.s32 $0x5000;
	s5 =	sshrl.u32 s4, $0x1  }
0xc: {  	v0 =	vlaneseq.u32;
	v1 =	vimm.s32 $0x0;
	v2 =	vimm.s32 $0x1;
	s11 =	simm.s32 $0x0;
	s4 =	ssub.s32 s4, s5;
	s5 =	simm.s32 $0x0  }
.LBB2_2:
0xd: {  	s12 =	simm.s32 $0x14100  }
0xe: {  	[tilespmem:s12], [sflag:$0x1] =	stream.linear.gather [hbm4b:s2+s5], $0x5000, $0x38;
	[tilespmem:$0x19100] =	vst v63  }
0xf: {  	_ =	swait.ge [sflag:s6], $0x5000  }
0x10: {  	[sflag:s6] =	ssyncset.done $0x0  }
0x11: {  	[sflag:s6] =	ssyncadd.s32 $0xFFFFB000  }
0x12: {  	v3 =	vld [tilespmem:s12+$0x0];
	_ =	sdelay $0x4  }
0x13: {  	v5 =	vmov s5;
	vm0 =	vlt.s32 v3, $0x0;
	v4 =	vandn.u32 $0x7FFFFFFF, v3  }
0x14: {  	vm15 =	vlt.u32 v5, $0x4E20;
	v3 =	vsel vm0, v3, v4  }
0x15: {  	v4 =	vor.u32 s5, v0;
	v3 =	vnsel vm15, $0xFFFFFFFF, v3  }
0x16: {  	[tilespmem:s5+$0x0] =	vst v3;
	v3 =	vnsel vm15, $0x0, v4  }
0x17: {  	s15 =	simm.s32 $0x14110;
	[tilespmem:s10+$0x0] =	vst v3  }
0x18: {  	s13 =	simm.s32 $0x10;
	v3 =	vld [tilespmem:s15+$0x0]  }
0x19: {  	s16 =	simm.s32 $0x20;
	s14 =	simm.s32 $0x0;
	s12 =	simm.s32 $0x5000  }
.LBB2_3:
0x1a: {  	p0 =	sne.s32 s16, $0x4FF0;
	_ =	sdelay $0x2  }
0x1b: {  	v5 =	vmov s13;
	vm0 =	vlt.s32 v3, $0x0;
	v4 =	vandn.u32 $0x7FFFFFFF, v3  }
0x1c: {  	v3 =	vsel vm0, v3, v4;
	vm0 =	vlt.u32 v5, $0x4E20  }
.Ltmp1:
0x1d: {  	s14 =	sadd.s32 $0x10, s14;
	v4 =	vor.u32 s13, v0;
	s13 =	smov.u32 s16;
	v3 =	vnsel vm0, $0xFFFFFFFF, v3;
	(pc) =	sbr.rel @p0 .LBB2_3-.Ltmp1, $4  }
0x1e: {  	s12 =	sadd.s32 $0x10, s12;
	[tilespmem:s14+$0x0] =	vst v3;
	v3 =	vnsel vm0, $0x0, v4  }
0x1f: {  	s15 =	sadd.s32 $0x10, s15;
	[tilespmem:s12+$0x0] =	vst v3  }
0x20: {  	v3 =	vld [tilespmem:s15+$0x0]  }
0x21: {  	s16 =	sadd.s32 $0x10, s16  }
0x22: {  	_ =	sdelay $0x2  }
0x23: {  	v5 =	vmov s13;
	vm0 =	vlt.s32 v3, $0x0;
	v4 =	vandn.u32 $0x7FFFFFFF, v3  }
0x24: {  	vm15 =	vlt.u32 v5, $0x4E20;
	v3 =	vsel vm0, v3, v4  }
0x25: {  	v63 =	vor.u32 s13, v0;
	s31 =	sadd.s32 $0x10, s14;
	v3 =	vnsel vm15, $0xFFFFFFFF, v3  }
0x26: {  	s12 =	sadd.s32 $0x10, s12;
	[tilespmem:s31+$0x0] =	vst v3;
	v3 =	vnsel vm15, $0x0, v63  }
0x27: {  	[tilespmem:s12+$0x0] =	vst v3  }
0x28: {  	[tilespmem:$0x14000] =	vst v1  }
0x29: {  	[tilespmem:$0x14010] =	vst v1  }
0x2a: {  	[tilespmem:$0x14020] =	vst v1  }
0x2b: {  	[tilespmem:$0x14030] =	vst v1  }
0x2c: {  	[tilespmem:$0x14040] =	vst v1  }
0x2d: {  	[tilespmem:$0x14050] =	vst v1  }
0x2e: {  	[tilespmem:$0x14060] =	vst v1  }
0x2f: {  	[tilespmem:$0x14070] =	vst v1  }
0x30: {  	[tilespmem:$0x14080] =	vst v1  }
0x31: {  	[tilespmem:$0x14090] =	vst v1  }
0x32: {  	[tilespmem:$0x140A0] =	vst v1  }
0x33: {  	[tilespmem:$0x140B0] =	vst v1  }
0x34: {  	[tilespmem:$0x140C0] =	vst v1  }
0x35: {  	[tilespmem:$0x140D0] =	vst v1  }
0x36: {  	[tilespmem:$0x140E0] =	vst v1  }
0x37: {  	s14 =	simm.s32 $0x0;
	s13 =	simm.s32 $0x40;
	s12 =	simm.s32 $0x0;
	[tilespmem:$0x140F0] =	vst v1  }
.LBB2_5:
0x38: {  	p0 =	sne.s32 s13, $0x13FC0;
	v3 =	vld [tilespmem:s14+$0x0];
	_ =	sdelay $0x4  }
0x39: {  	v3 =	vand.u32 $0xFF, v3  }
.Ltmp2:
0x3a: {  	(pc) =	sbr.rel @p0 .LBB2_5-.Ltmp2, $2  }
0x3b: {  	_ =	sdelay $0x2  }
0x3c: {  	s14 =	sshra.s32 s13, $0x2;
	s13 =	sadd.s32 $0x40, s13;
	[tilespmem:v3+s7+$0x0] =	vst.idx.add.s32.msk $0xffff, v2  }
0x3d: {  	v3 =	vld [tilespmem:s14+$0x0];
	_ =	sdelay $0x4  }
0x3e: {  	v3 =	vand.u32 $0xFF, v3;
	_ =	sdelay $0x4  }
0x3f: {  	s15 =	simm.s32 $0x0;
	[tilespmem:v3+s7+$0x0] =	vst.idx.add.s32.msk $0xffff, v2  }
0x40: {  	v3 =	vld [tilespmem:s15+$0x14000];
	_ =	sdelay $0x4  }
0x41: {  	(xrf0) =	vadd.scan.msk.s32 $0xffff, v3;
	_ =	sdelay $0x5  }
0x42: {  	v4, _, _ =	vpop (xrf0)  }
0x43: {  	(v2sf) =	vpush v4, $0xF  }
0x44: {  	v3 =	vsub.s32 s12, v3  }
0x45: {  	v3 =	vadd.s32 v4, v3  }
0x46: {  	s13 =	simm.s32 $0x10;
	s14 =	simm.s32 $0x80;
	[tilespmem:s15+$0x14000] =	vst v3  }
.LBB2_7:
0x47: {  	p0 =	sne.s32 s14, $0x3C0;
	v3 =	vld [tilespmem:s13+$0x14000];
	_ =	sdelay $0x4  }
0x48: {  	(xrf0) =	vadd.scan.msk.s32 $0xffff, v3;
	_ =	sdelay $0x5  }
.Ltmp3:
0x49: {  	v4, _, _ =	vpop (xrf0);
	s15 =	spop (v2sf);
	(pc) =	sbr.rel @p0 .LBB2_7-.Ltmp3, $4  }
0x4a: {  	(v2sf) =	vpush v4, $0xF;
	s12 =	sadd.s32 s12, s15  }
0x4b: {  	v3 =	vsub.s32 s12, v3  }
0x4c: {  	v3 =	vadd.s32 v4, v3  }
0x4d: {  	[tilespmem:s13+$0x14000] =	vst v3;
	s13 =	sshra.s32 s14, $0x2;
	s14 =	sadd.s32 $0x40, s14  }
0x4e: {  	v3 =	vld [tilespmem:s13+$0x14000];
	_ =	sdelay $0x4  }
0x4f: {  	(xrf0) =	vadd.scan.msk.s32 $0xffff, v3;
	_ =	sdelay $0x5  }
0x50: {  	v4, _, _ =	vpop (xrf0)  }
0x51: {  	(v2sf) =	vpush v4, $0xF;
	_ =	sdelay $0x8  }
0x52: {  	s14 =	spop (v2sf)  }
0x53: {  	s12 =	sadd.s32 s12, s14  }
0x54: {  	v3 =	vsub.s32 s12, v3  }
0x55: {  	v3 =	vadd.s32 v4, v3  }
0x56: {  	s30 =	simm.s32 $0x0;
	[tilespmem:s13+$0x14000] =	vst v3  }
0x57: {  	v3 =	vld [tilespmem:s30+$0x0]  }
0x58: {  	s12 =	simm.s32 $0x40;
	v4 =	vld [tilespmem:s30+$0x5000];
	s31 =	spop (v2sf)  }
.LBB2_9:
0x59: {  	p0 =	sne.s32 s12, $0x13FC0;
	_ =	sdelay $0x2  }
0x5a: {  	v5 =	vand.u32 $0xFF, v3  }
0x5b: {  	(xrf1) =	vunique.msk.u32 $0xffff, v5;
	_ =	sdelay $0x8  }
0x5c: {  	v6 =	vld.idx.msk [tilespmem:v5+s7+$0x0], $0xffff;
	_ =	sdelay $0x4  }
0x5d: {  	_, v7, _ =	vpop (xrf1)  }
0x5e: {  	v6 =	vadd.s32 v7, v6  }
0x5f: {  	v6 =	vadd.s32 $0xFFFFFFFF, v6;
	_ =	sdelay $0x4  }
.Ltmp4:
0x60: {  	[tilespmem:v6+s8+$0x0] =	vst.idx.msk $0xffff, v3;
	(pc) =	sbr.rel @p0 .LBB2_9-.Ltmp4, $4  }
0x61: {  	[tilespmem:v6+s9+$0x0] =	vst.idx.msk $0xffff, v4  }
0x62: {  	s13 =	sshra.s32 s12, $0x2;
	[tilespmem:v5+s7+$0x0] =	vst.idx.add.s32.msk $0xffff, v2  }
0x63: {  	v3 =	vld [tilespmem:s13+$0x0]  }
0x64: {  	s12 =	sadd.s32 $0x40, s12;
	v4 =	vld [tilespmem:s13+$0x5000]  }
0x65: {  	_ =	sdelay $0x2  }
0x66: {  	v5 =	vand.u32 $0xFF, v3  }
0x67: {  	(xrf1) =	vunique.msk.u32 $0xffff, v5;
	_ =	sdelay $0x9  }
0x68: {  	v6 =	vld.idx.msk [tilespmem:v5+s7+$0x0], $0xffff;
	_ =	sdelay $0x3  }
0x69: {  	_, v7, _ =	vpop (xrf1)  }
0x6a: {  	v6 =	vadd.s32 v7, v6  }
0x6b: {  	v6 =	vadd.s32 $0xFFFFFFFF, v6;
	_ =	sdelay $0x4  }
0x6c: {  	[tilespmem:v6+s8+$0x0] =	vst.idx.msk $0xffff, v3  }
0x6d: {  	[tilespmem:v6+s9+$0x0] =	vst.idx.msk $0xffff, v4  }
0x6e: {  	[tilespmem:v5+s7+$0x0] =	vst.idx.add.s32.msk $0xffff, v2  }
0x6f: {  	[tilespmem:$0x14000] =	vst v1  }
0x70: {  	[tilespmem:$0x14010] =	vst v1  }
0x71: {  	[tilespmem:$0x14020] =	vst v1  }
0x72: {  	[tilespmem:$0x14030] =	vst v1  }
0x73: {  	[tilespmem:$0x14040] =	vst v1  }
0x74: {  	[tilespmem:$0x14050] =	vst v1  }
0x75: {  	[tilespmem:$0x14060] =	vst v1  }
0x76: {  	[tilespmem:$0x14070] =	vst v1  }
0x77: {  	[tilespmem:$0x14080] =	vst v1  }
0x78: {  	[tilespmem:$0x14090] =	vst v1  }
0x79: {  	[tilespmem:$0x140A0] =	vst v1  }
0x7a: {  	[tilespmem:$0x140B0] =	vst v1  }
0x7b: {  	[tilespmem:$0x140C0] =	vst v1  }
0x7c: {  	[tilespmem:$0x140D0] =	vst v1  }
0x7d: {  	[tilespmem:$0x140E0] =	vst v1  }
0x7e: {  	s12 =	simm.s32 $0x0;
	s14 =	simm.s32 $0x0;
	s13 =	simm.s32 $0x40;
	[tilespmem:$0x140F0] =	vst v1  }
.LBB2_11:
0x7f: {  	p0 =	sne.s32 s13, $0x13FC0;
	v3 =	vld [tilespmem:s14+$0xA000];
	_ =	sdelay $0x4  }
0x80: {  	v3 =	vshrl.u32 v3, $0x8  }
0x81: {  	v3 =	vand.u32 $0xFF, v3  }
.Ltmp5:
0x82: {  	(pc) =	sbr.rel @p0 .LBB2_11-.Ltmp5, $2  }
0x83: {  	_ =	sdelay $0x2  }
0x84: {  	s14 =	sshra.s32 s13, $0x2;
	s13 =	sadd.s32 $0x40, s13;
	[tilespmem:v3+s7+$0x0] =	vst.idx.add.s32.msk $0xffff, v2  }
0x85: {  	v3 =	vld [tilespmem:s14+$0xA000];
	_ =	sdelay $0x4  }
0x86: {  	v3 =	vshrl.u32 v3, $0x8  }
0x87: {  	v3 =	vand.u32 $0xFF, v3;
	_ =	sdelay $0x4  }
0x88: {  	s15 =	simm.s32 $0x0;
	[tilespmem:v3+s7+$0x0] =	vst.idx.add.s32.msk $0xffff, v2  }
0x89: {  	v3 =	vld [tilespmem:s15+$0x14000];
	_ =	sdelay $0x4  }
0x8a: {  	(xrf0) =	vadd.scan.msk.s32 $0xffff, v3;
	_ =	sdelay $0x5  }
0x8b: {  	v4, _, _ =	vpop (xrf0)  }
0x8c: {  	(v2sf) =	vpush v4, $0xF  }
0x8d: {  	v3 =	vsub.s32 s12, v3  }
0x8e: {  	v3 =	vadd.s32 v4, v3  }
0x8f: {  	s13 =	simm.s32 $0x10;
	s14 =	simm.s32 $0x80;
	[tilespmem:s15+$0x14000] =	vst v3  }
.LBB2_13:
0x90: {  	p0 =	sne.s32 s14, $0x3C0;
	v3 =	vld [tilespmem:s13+$0x14000];
	_ =	sdelay $0x4  }
0x91: {  	(xrf0) =	vadd.scan.msk.s32 $0xffff, v3;
	_ =	sdelay $0x5  }
.Ltmp6:
0x92: {  	v4, _, _ =	vpop (xrf0);
	s15 =	spop (v2sf);
	(pc) =	sbr.rel @p0 .LBB2_13-.Ltmp6, $4  }
0x93: {  	(v2sf) =	vpush v4, $0xF;
	s12 =	sadd.s32 s12, s15  }
0x94: {  	v3 =	vsub.s32 s12, v3  }
0x95: {  	v3 =	vadd.s32 v4, v3  }
0x96: {  	[tilespmem:s13+$0x14000] =	vst v3;
	s13 =	sshra.s32 s14, $0x2;
	s14 =	sadd.s32 $0x40, s14  }
0x97: {  	v3 =	vld [tilespmem:s13+$0x14000];
	_ =	sdelay $0x4  }
0x98: {  	(xrf0) =	vadd.scan.msk.s32 $0xffff, v3;
	_ =	sdelay $0x5  }
0x99: {  	v4, _, _ =	vpop (xrf0)  }
0x9a: {  	(v2sf) =	vpush v4, $0xF;
	_ =	sdelay $0x8  }
0x9b: {  	s14 =	spop (v2sf)  }
0x9c: {  	s12 =	sadd.s32 s12, s14  }
0x9d: {  	v3 =	vsub.s32 s12, v3  }
0x9e: {  	v3 =	vadd.s32 v4, v3  }
0x9f: {  	s30 =	simm.s32 $0x0;
	[tilespmem:s13+$0x14000] =	vst v3  }
0xa0: {  	v3 =	vld [tilespmem:s30+$0xA000]  }
0xa1: {  	s12 =	simm.s32 $0x40;
	v4 =	vld [tilespmem:s30+$0xF000];
	s31 =	spop (v2sf)  }
.LBB2_15:
0xa2: {  	p0 =	sne.s32 s12, $0x13FC0;
	_ =	sdelay $0x2  }
0xa3: {  	v5 =	vshrl.u32 v3, $0x8  }
0xa4: {  	v5 =	vand.u32 $0xFF, v5  }
0xa5: {  	(xrf1) =	vunique.msk.u32 $0xffff, v5;
	_ =	sdelay $0x8  }
0xa6: {  	v6 =	vld.idx.msk [tilespmem:v5+s7+$0x0], $0xffff;
	_ =	sdelay $0x4  }
0xa7: {  	_, v7, _ =	vpop (xrf1)  }
0xa8: {  	v6 =	vadd.s32 v7, v6  }
0xa9: {  	v6 =	vadd.s32 $0xFFFFFFFF, v6;
	_ =	sdelay $0x4  }
.Ltmp7:
0xaa: {  	[tilespmem:v6+s5+$0x0] =	vst.idx.msk $0xffff, v3;
	(pc) =	sbr.rel @p0 .LBB2_15-.Ltmp7, $4  }
0xab: {  	[tilespmem:v6+s10+$0x0] =	vst.idx.msk $0xffff, v4  }
0xac: {  	s13 =	sshra.s32 s12, $0x2;
	[tilespmem:v5+s7+$0x0] =	vst.idx.add.s32.msk $0xffff, v2  }
0xad: {  	v3 =	vld [tilespmem:s13+$0xA000]  }
0xae: {  	s12 =	sadd.s32 $0x40, s12;
	v4 =	vld [tilespmem:s13+$0xF000]  }
0xaf: {  	_ =	sdelay $0x2  }
0xb0: {  	v5 =	vshrl.u32 v3, $0x8  }
0xb1: {  	v5 =	vand.u32 $0xFF, v5  }
0xb2: {  	(xrf1) =	vunique.msk.u32 $0xffff, v5;
	_ =	sdelay $0x9  }
0xb3: {  	v6 =	vld.idx.msk [tilespmem:v5+s7+$0x0], $0xffff;
	_ =	sdelay $0x3  }
0xb4: {  	_, v7, _ =	vpop (xrf1)  }
0xb5: {  	v6 =	vadd.s32 v7, v6  }
0xb6: {  	v6 =	vadd.s32 $0xFFFFFFFF, v6;
	_ =	sdelay $0x4  }
0xb7: {  	[tilespmem:v6+s5+$0x0] =	vst.idx.msk $0xffff, v3  }
0xb8: {  	[tilespmem:v6+s10+$0x0] =	vst.idx.msk $0xffff, v4  }
0xb9: {  	[tilespmem:v5+s7+$0x0] =	vst.idx.add.s32.msk $0xffff, v2  }
0xba: {  	[tilespmem:$0x14000] =	vst v1  }
0xbb: {  	[tilespmem:$0x14010] =	vst v1  }
0xbc: {  	[tilespmem:$0x14020] =	vst v1  }
0xbd: {  	[tilespmem:$0x14030] =	vst v1  }
0xbe: {  	[tilespmem:$0x14040] =	vst v1  }
0xbf: {  	[tilespmem:$0x14050] =	vst v1  }
0xc0: {  	[tilespmem:$0x14060] =	vst v1  }
0xc1: {  	[tilespmem:$0x14070] =	vst v1  }
0xc2: {  	[tilespmem:$0x14080] =	vst v1  }
0xc3: {  	[tilespmem:$0x14090] =	vst v1  }
0xc4: {  	[tilespmem:$0x140A0] =	vst v1  }
0xc5: {  	[tilespmem:$0x140B0] =	vst v1  }
0xc6: {  	[tilespmem:$0x140C0] =	vst v1  }
0xc7: {  	[tilespmem:$0x140D0] =	vst v1  }
0xc8: {  	[tilespmem:$0x140E0] =	vst v1  }
0xc9: {  	s12 =	simm.s32 $0x0;
	s14 =	simm.s32 $0x0;
	s13 =	simm.s32 $0x40;
	[tilespmem:$0x140F0] =	vst v1  }
.LBB2_17:
0xca: {  	p0 =	sne.s32 s13, $0x13FC0;
	v3 =	vld [tilespmem:s14+$0x0];
	_ =	sdelay $0x4  }
0xcb: {  	v3 =	vshrl.u32 v3, $0x10  }
0xcc: {  	v3 =	vand.u32 $0xFF, v3  }
.Ltmp8:
0xcd: {  	(pc) =	sbr.rel @p0 .LBB2_17-.Ltmp8, $2  }
0xce: {  	_ =	sdelay $0x2  }
0xcf: {  	s14 =	sshra.s32 s13, $0x2;
	s13 =	sadd.s32 $0x40, s13;
	[tilespmem:v3+s7+$0x0] =	vst.idx.add.s32.msk $0xffff, v2  }
0xd0: {  	v3 =	vld [tilespmem:s14+$0x0];
	_ =	sdelay $0x4  }
0xd1: {  	v3 =	vshrl.u32 v3, $0x10  }
0xd2: {  	v3 =	vand.u32 $0xFF, v3;
	_ =	sdelay $0x4  }
0xd3: {  	s15 =	simm.s32 $0x0;
	[tilespmem:v3+s7+$0x0] =	vst.idx.add.s32.msk $0xffff, v2  }
0xd4: {  	v3 =	vld [tilespmem:s15+$0x14000];
	_ =	sdelay $0x4  }
0xd5: {  	(xrf0) =	vadd.scan.msk.s32 $0xffff, v3;
	_ =	sdelay $0x5  }
0xd6: {  	v4, _, _ =	vpop (xrf0)  }
0xd7: {  	(v2sf) =	vpush v4, $0xF  }
0xd8: {  	v3 =	vsub.s32 s12, v3  }
0xd9: {  	v3 =	vadd.s32 v4, v3  }
0xda: {  	s13 =	simm.s32 $0x10;
	s14 =	simm.s32 $0x80;
	[tilespmem:s15+$0x14000] =	vst v3  }
.LBB2_19:
0xdb: {  	p0 =	sne.s32 s14, $0x3C0;
	v3 =	vld [tilespmem:s13+$0x14000];
	_ =	sdelay $0x4  }
0xdc: {  	(xrf0) =	vadd.scan.msk.s32 $0xffff, v3;
	_ =	sdelay $0x5  }
.Ltmp9:
0xdd: {  	v4, _, _ =	vpop (xrf0);
	s15 =	spop (v2sf);
	(pc) =	sbr.rel @p0 .LBB2_19-.Ltmp9, $4  }
0xde: {  	(v2sf) =	vpush v4, $0xF;
	s12 =	sadd.s32 s12, s15  }
0xdf: {  	v3 =	vsub.s32 s12, v3  }
0xe0: {  	v3 =	vadd.s32 v4, v3  }
0xe1: {  	[tilespmem:s13+$0x14000] =	vst v3;
	s13 =	sshra.s32 s14, $0x2;
	s14 =	sadd.s32 $0x40, s14  }
0xe2: {  	v3 =	vld [tilespmem:s13+$0x14000];
	_ =	sdelay $0x4  }
0xe3: {  	(xrf0) =	vadd.scan.msk.s32 $0xffff, v3;
	_ =	sdelay $0x5  }
0xe4: {  	v4, _, _ =	vpop (xrf0)  }
0xe5: {  	(v2sf) =	vpush v4, $0xF;
	_ =	sdelay $0x8  }
0xe6: {  	s14 =	spop (v2sf)  }
0xe7: {  	s12 =	sadd.s32 s12, s14  }
0xe8: {  	v3 =	vsub.s32 s12, v3  }
0xe9: {  	v3 =	vadd.s32 v4, v3  }
0xea: {  	s30 =	simm.s32 $0x0;
	[tilespmem:s13+$0x14000] =	vst v3  }
0xeb: {  	v3 =	vld [tilespmem:s30+$0x0]  }
0xec: {  	s12 =	simm.s32 $0x40;
	v4 =	vld [tilespmem:s30+$0x5000];
	s31 =	spop (v2sf)  }
.LBB2_21:
0xed: {  	p0 =	sne.s32 s12, $0x13FC0;
	_ =	sdelay $0x2  }
0xee: {  	v5 =	vshrl.u32 v3, $0x10  }
0xef: {  	v5 =	vand.u32 $0xFF, v5  }
0xf0: {  	(xrf1) =	vunique.msk.u32 $0xffff, v5;
	_ =	sdelay $0x8  }
0xf1: {  	v6 =	vld.idx.msk [tilespmem:v5+s7+$0x0], $0xffff;
	_ =	sdelay $0x4  }
0xf2: {  	_, v7, _ =	vpop (xrf1)  }
0xf3: {  	v6 =	vadd.s32 v7, v6  }
0xf4: {  	v6 =	vadd.s32 $0xFFFFFFFF, v6;
	_ =	sdelay $0x4  }
.Ltmp10:
0xf5: {  	[tilespmem:v6+s8+$0x0] =	vst.idx.msk $0xffff, v3;
	(pc) =	sbr.rel @p0 .LBB2_21-.Ltmp10, $4  }
0xf6: {  	[tilespmem:v6+s9+$0x0] =	vst.idx.msk $0xffff, v4  }
0xf7: {  	s13 =	sshra.s32 s12, $0x2;
	[tilespmem:v5+s7+$0x0] =	vst.idx.add.s32.msk $0xffff, v2  }
0xf8: {  	v3 =	vld [tilespmem:s13+$0x0]  }
0xf9: {  	s12 =	sadd.s32 $0x40, s12;
	v4 =	vld [tilespmem:s13+$0x5000]  }
0xfa: {  	_ =	sdelay $0x2  }
0xfb: {  	v5 =	vshrl.u32 v3, $0x10  }
0xfc: {  	v5 =	vand.u32 $0xFF, v5  }
0xfd: {  	(xrf1) =	vunique.msk.u32 $0xffff, v5;
	_ =	sdelay $0x9  }
0xfe: {  	v6 =	vld.idx.msk [tilespmem:v5+s7+$0x0], $0xffff;
	_ =	sdelay $0x3  }
0xff: {  	_, v7, _ =	vpop (xrf1)  }
0x100: {  	v6 =	vadd.s32 v7, v6  }
0x101: {  	v6 =	vadd.s32 $0xFFFFFFFF, v6;
	_ =	sdelay $0x4  }
0x102: {  	[tilespmem:v6+s8+$0x0] =	vst.idx.msk $0xffff, v3  }
0x103: {  	[tilespmem:v6+s9+$0x0] =	vst.idx.msk $0xffff, v4  }
0x104: {  	[tilespmem:v5+s7+$0x0] =	vst.idx.add.s32.msk $0xffff, v2  }
0x105: {  	[tilespmem:$0x14000] =	vst v1  }
0x106: {  	[tilespmem:$0x14010] =	vst v1  }
0x107: {  	[tilespmem:$0x14020] =	vst v1  }
0x108: {  	[tilespmem:$0x14030] =	vst v1  }
0x109: {  	[tilespmem:$0x14040] =	vst v1  }
0x10a: {  	[tilespmem:$0x14050] =	vst v1  }
0x10b: {  	[tilespmem:$0x14060] =	vst v1  }
0x10c: {  	[tilespmem:$0x14070] =	vst v1  }
0x10d: {  	[tilespmem:$0x14080] =	vst v1  }
0x10e: {  	[tilespmem:$0x14090] =	vst v1  }
0x10f: {  	[tilespmem:$0x140A0] =	vst v1  }
0x110: {  	[tilespmem:$0x140B0] =	vst v1  }
0x111: {  	[tilespmem:$0x140C0] =	vst v1  }
0x112: {  	[tilespmem:$0x140D0] =	vst v1  }
0x113: {  	[tilespmem:$0x140E0] =	vst v1  }
0x114: {  	s12 =	simm.s32 $0x0;
	s14 =	simm.s32 $0x0;
	s13 =	simm.s32 $0x40;
	[tilespmem:$0x140F0] =	vst v1  }
.LBB2_23:
0x115: {  	p0 =	sne.s32 s13, $0x13FC0;
	v3 =	vld [tilespmem:s14+$0xA000];
	_ =	sdelay $0x4  }
0x116: {  	v3 =	vshrl.u32 v3, $0x18  }
.Ltmp11:
0x117: {  	(pc) =	sbr.rel @p0 .LBB2_23-.Ltmp11, $2  }
0x118: {  	_ =	sdelay $0x2  }
0x119: {  	s14 =	sshra.s32 s13, $0x2;
	s13 =	sadd.s32 $0x40, s13;
	[tilespmem:v3+s7+$0x0] =	vst.idx.add.s32.msk $0xffff, v2  }
0x11a: {  	v3 =	vld [tilespmem:s14+$0xA000];
	_ =	sdelay $0x4  }
0x11b: {  	v3 =	vshrl.u32 v3, $0x18;
	_ =	sdelay $0x4  }
0x11c: {  	s15 =	simm.s32 $0x0;
	[tilespmem:v3+s7+$0x0] =	vst.idx.add.s32.msk $0xffff, v2  }
0x11d: {  	v3 =	vld [tilespmem:s15+$0x14000];
	_ =	sdelay $0x4  }
0x11e: {  	(xrf0) =	vadd.scan.msk.s32 $0xffff, v3;
	_ =	sdelay $0x5  }
0x11f: {  	v4, _, _ =	vpop (xrf0)  }
0x120: {  	(v2sf) =	vpush v4, $0xF  }
0x121: {  	v3 =	vsub.s32 s12, v3  }
0x122: {  	v3 =	vadd.s32 v4, v3  }
0x123: {  	s13 =	simm.s32 $0x10;
	s14 =	simm.s32 $0x80;
	[tilespmem:s15+$0x14000] =	vst v3  }
.LBB2_25:
0x124: {  	p0 =	sne.s32 s14, $0x3C0;
	v3 =	vld [tilespmem:s13+$0x14000];
	_ =	sdelay $0x4  }
0x125: {  	(xrf0) =	vadd.scan.msk.s32 $0xffff, v3;
	_ =	sdelay $0x5  }
.Ltmp12:
0x126: {  	v4, _, _ =	vpop (xrf0);
	s15 =	spop (v2sf);
	(pc) =	sbr.rel @p0 .LBB2_25-.Ltmp12, $4  }
0x127: {  	(v2sf) =	vpush v4, $0xF;
	s12 =	sadd.s32 s12, s15  }
0x128: {  	v3 =	vsub.s32 s12, v3  }
0x129: {  	v3 =	vadd.s32 v4, v3  }
0x12a: {  	[tilespmem:s13+$0x14000] =	vst v3;
	s13 =	sshra.s32 s14, $0x2;
	s14 =	sadd.s32 $0x40, s14  }
0x12b: {  	v3 =	vld [tilespmem:s13+$0x14000];
	_ =	sdelay $0x4  }
0x12c: {  	(xrf0) =	vadd.scan.msk.s32 $0xffff, v3;
	_ =	sdelay $0x5  }
0x12d: {  	v4, _, _ =	vpop (xrf0)  }
0x12e: {  	(v2sf) =	vpush v4, $0xF;
	_ =	sdelay $0x8  }
0x12f: {  	s14 =	spop (v2sf)  }
0x130: {  	s12 =	sadd.s32 s12, s14  }
0x131: {  	v3 =	vsub.s32 s12, v3  }
0x132: {  	v3 =	vadd.s32 v4, v3  }
0x133: {  	s30 =	simm.s32 $0x0;
	[tilespmem:s13+$0x14000] =	vst v3  }
0x134: {  	v3 =	vld [tilespmem:s30+$0xA000]  }
0x135: {  	s12 =	simm.s32 $0x40;
	v4 =	vld [tilespmem:s30+$0xF000];
	s31 =	spop (v2sf)  }
.LBB2_27:
0x136: {  	p0 =	sne.s32 s12, $0x13FC0;
	_ =	sdelay $0x2  }
0x137: {  	v5 =	vshrl.u32 v3, $0x18  }
0x138: {  	(xrf1) =	vunique.msk.u32 $0xffff, v5;
	_ =	sdelay $0x8  }
0x139: {  	v6 =	vld.idx.msk [tilespmem:v5+s7+$0x0], $0xffff;
	_ =	sdelay $0x4  }
0x13a: {  	_, v7, _ =	vpop (xrf1)  }
0x13b: {  	v6 =	vadd.s32 v7, v6  }
0x13c: {  	v6 =	vadd.s32 $0xFFFFFFFF, v6;
	_ =	sdelay $0x4  }
.Ltmp13:
0x13d: {  	[tilespmem:v6+s5+$0x0] =	vst.idx.msk $0xffff, v3;
	(pc) =	sbr.rel @p0 .LBB2_27-.Ltmp13, $4  }
0x13e: {  	[tilespmem:v6+s10+$0x0] =	vst.idx.msk $0xffff, v4  }
0x13f: {  	s13 =	sshra.s32 s12, $0x2;
	[tilespmem:v5+s7+$0x0] =	vst.idx.add.s32.msk $0xffff, v2  }
0x140: {  	v3 =	vld [tilespmem:s13+$0xA000]  }
0x141: {  	s12 =	sadd.s32 $0x40, s12;
	v4 =	vld [tilespmem:s13+$0xF000]  }
0x142: {  	_ =	sdelay $0x2  }
0x143: {  	v5 =	vshrl.u32 v3, $0x18  }
0x144: {  	(xrf1) =	vunique.msk.u32 $0xffff, v5;
	_ =	sdelay $0x9  }
0x145: {  	v6 =	vld.idx.msk [tilespmem:v5+s7+$0x0], $0xffff;
	_ =	sdelay $0x3  }
0x146: {  	_, v7, _ =	vpop (xrf1)  }
0x147: {  	v6 =	vadd.s32 v7, v6  }
0x148: {  	v6 =	vadd.s32 $0xFFFFFFFF, v6;
	_ =	sdelay $0x4  }
0x149: {  	s11 =	sadd.s32 $0x1, s11;
	[tilespmem:v6+s5+$0x0] =	vst.idx.msk $0xffff, v3  }
0x14a: {  	p0 =	sne.s32 s11, s4;
	[tilespmem:v6+s10+$0x0] =	vst.idx.msk $0xffff, v4  }
.Ltmp14:
0x14b: {  	[tilespmem:v5+s7+$0x0] =	vst.idx.add.s32.msk $0xffff, v2;
	(pc) =	sbr.rel @p0 .LBB2_2-.Ltmp14, $4  }
0x14c: {  	[hbm4b:s3+s5] =	stream.linear.scatter [tilespmem:s10], [sflag:$0x1], $0x5000, $0x38;
	[tilespmem:$0x19100] =	vst v63  }
0x14d: {  	_ =	swait.ge [sflag:s6], $0x5000  }
0x14e: {  	[sflag:s6] =	ssyncset.done $0x0  }
0x14f: {  	[sflag:s6] =	ssyncadd.s32 $0xFFFFB000  }
.LBB2_29:
0x150: {  	_ =	sfence.sel $0x180000  }
0x151: {  	[bflag:$0x0] =	sbarrier.arrive $0xFFFF  }
0x152: {  	p0 =	sne.s32 s0, $0x0;
	_ =	strace $0x90000047  }
0x153: {  	s0 =	sadd.s32 @!p0 $0x100000, s1;
	[bflag:$0x2] =	sbarrier.arrive $0xFFFF  }
0x154: {  	[sflag:s0] =	ssyncadd.tile.s32 @!p0 $0x1;
	_ =	shalt  }
.Lfunc_end2:
_tile_overlayer_lowered:
.L_overlay_start_2:
0x155: {  	(tag) =	ssettag $0x2  }
0x156: {  	s0 =	rddreg [dreg:$0x0];
	s2 =	stileid.u32  }
0x157: {  	s1 =	rddreg [dreg:$0x1];
	p0 =	sne.s32 s2, $0x0  }
0x158: {  	s3 =	rddreg [dreg:$0x2];
	[bflag:$0x3] =	sbarrier.arrive $0xFFFF;
	s2 =	simm.s32 @!p0 $0x1C01  }
0x159: {  	[timem:s3], [sflag:s2] =	dma.local @!p0 [hbm:s0], s1  }
0x15a: {  	s0 =	simm.s32 @!p0 $0x1  }
0x15b: {  	_ =	swait.ge @!p0 [sflag:s0], s1  }
0x15c: {  	s1 =	ssub.s32 @!p0 $0x0, s1;
	[sflag:s0] =	ssyncset.done @!p0 $0x0  }
0x15d: {  	[sflag:s0] =	ssyncadd.s32 @!p0 s1  }
0x15e: {  	[bflag:$0x3] =	sbarrier.arrive $0xFFFF  }
0x15f: {  	_ =	shalt  }

// kernel: kernel.9.cloned.1.call-start
scs
__scs_entry_jumppad:
0x0: {  	(pc) =	sbr.rel $0x88, $3  }
0x1: {  	(tag) =	ssettag $0x0;
	lr =	simm.s32 $0x1  }
0x2: {  	[smem:$0x3F9F] =	sst lr;
	_ =	strace $0xD0000000  }
0x3: {  	_ = 	snop  }
0x4: {  	_ = 	snop  }
0x5: {  	_ = 	snop  }
0x6: {  	_ = 	snop  }
0x7: {  	_ = 	snop  }
__scs_overlays_trampoline_lowered:
0x8: {  	[smem:$0x3FAE] =	sst s0  }
0x9: {  	[smem:$0x3FAF] =	sst s1  }
0xa: {  	[smem:$0x3FB0] =	sst s2  }
0xb: {  	[smem:$0x3FB1] =	sst s3  }
0xc: {  	[smem:$0x3FB2] =	sst s4  }
0xd: {  	[smem:$0x3FB3] =	sst s5  }
0xe: {  	[smem:$0x3FB4] =	sst s6  }
0xf: {  	[smem:$0x3FB5] =	sst s7  }
0x10: {  	[smem:$0x3FB6] =	sst s8  }
0x11: {  	[smem:$0x3FB7] =	sst s9;
	s0 =	simm.s32 @!p0 $0x0  }
0x12: {  	s1 =	sld [smem:$0x3F9D];
	s0 =	simm.s32 @p0 $0x1  }
0x13: {  	[smem:$0x3FB8] =	sst s0;
	s0 =	simm.s32 @!p1 $0x0  }
0x14: {  	s2 =	sld [smem:$0x3F9C];
	s0 =	simm.s32 @p1 $0x1  }
0x15: {  	[smem:$0x3FB9] =	sst s0;
	s0 =	simm.s32 @!p2 $0x0  }
0x16: {  	s3 =	sld [smem:$0x3FDB];
	s0 =	simm.s32 @p2 $0x1  }
0x17: {  	s4 =	simm.s32 $0x1BF5;
	[smem:$0x3FBB] =	sst s0  }
0x18: {  	s0 =	sld [smem:$0x3F9E];
	_ =	swait.ge [sflag:s4], $0x0  }
0x19: {  	s7 =	sld [smem:$0x3F9F]  }
0x1a: {  	s8 =	sadd.s32 $0xFFFFE003, lr  }
0x1b: {  	s9 =	sadd.s32 $0xFFFFFEF7, lr;
	s5 =	simm.s32 $0xFFFFFFFF;
	p2 =	slt.u32 s8, $0xFFFFF086  }
0x1c: {  	p1 =	slt.u32 s9, $0xF7A;
	s5 =	simm.s32 @!p2 $0x0  }
0x1d: {  	s5 =	simm.s32 @p1 $0x1;
	p0 =	seq.s32 s7, s2  }
0x1e: {  	s7 =	smul.u32 @!p0 $0xF7A, s2;
	p2 =	seq.s32 @!p0 s5, $0x0  }
0x1f: {  	s9 =	smul.u32 $0xF7A, s1;
	s8 =	simm.s32 @!p0 $0x1BF5;
	p2 =	por !p2, p0  }
0x20: {  	[sflag:s8] =	ssyncset.s32 @!p0 $0xFFFFF086;
	s6 =	sadd.s32 @!p0 s3, s7;
	s7 =	simm.s32 @!p0 $0x108  }
0x21: {  	s3 =	sadd.s32 s3, s9;
	s6 =	sadd.s32 @!p0 $0x88, s6;
	s7 =	simm.s32 @p2 $0x1082  }
0x22: {  	[simem:s7], [sflag:s8] =	dma.local @!p0 [hbm:s6], $0xF7A  }
0x23: {  	s9 =	sor.u32 $0xD0000000, s2;
	s6 =	simm.s32 $0x108;
	_ =	swait.ge @!p0 [sflag:s8], $0x0  }
0x24: {  	s3 =	sadd.s32 $0x88, s3;
	s6 =	simm.s32 @!p1 $0x1082;
	[sflag:s4] =	ssyncset.s32 $0xFFFFF086  }
0x25: {  	[simem:s6], [sflag:s4] =	dma.local [hbm:s3], $0xF7A  }
0x26: {  	[smem:$0x3F9F] =	sst s1;
	(tag) =	ssettag s2;
	_ =	strace s9  }
0x27: {  	s1 =	sld [smem:$0x3FAF]  }
0x28: {  	s2 =	sld [smem:$0x3FB0]  }
0x29: {  	s4 =	sld [smem:$0x3FB2]  }
0x2a: {  	p0 =	seq.s32 s5, $0x0;
	s5 =	sld [smem:$0x3FB3]  }
0x2b: {  	s6 =	sld [smem:$0x3FB4]  }
0x2c: {  	s7 =	sld [smem:$0x3FB5]  }
0x2d: {  	s3 =	simm.s32 $0x108;
	s8 =	sld [smem:$0x3FB6]  }
0x2e: {  	s3 =	simm.s32 @!p0 $0x1082;
	s9 =	sld [smem:$0x3FB7]  }
0x2f: {  	lr =	sadd.s32 s0, s3;
	s0 =	sld [smem:$0x3FAE]  }
0x30: {  	s3 =	sld [smem:$0x3FB1]  }
0x31: {  	[smem:$0x3FBA] =	sst s10  }
0x32: {  	s10 =	sld [smem:$0x3FB8];
	_ =	sdelay $0x3  }
0x33: {  	p0 =	seq.s32 s10, $0x1;
	s10 =	sld [smem:$0x3FBA];
	_ =	sdelay $0x3  }
0x34: {  	[smem:$0x3FBA] =	sst s10  }
0x35: {  	s10 =	sld [smem:$0x3FB9];
	_ =	sdelay $0x3  }
0x36: {  	p1 =	seq.s32 s10, $0x1;
	s10 =	sld [smem:$0x3FBA];
	_ =	sdelay $0x3  }
0x37: {  	[smem:$0x3FBA] =	sst s10  }
0x38: {  	s10 =	sld [smem:$0x3FBB]  }
0x39: {  	_ = 	snop;
	(pc) =	sbr.ind lr, $3  }
0x3a: {  	_ = 	snop  }
0x3b: {  	_ = 	snop  }
0x3c: {  	p2 =	seq.s32 s10, $0x1;
	s10 =	sld [smem:$0x3FBA]  }
0x3d: {  	_ =	shalt  }
0x3e: {  	_ =	shalt  }
0x3f: {  	_ =	shalt  }
0x40: {  	_ =	shalt  }
0x41: {  	_ =	shalt  }
0x42: {  	_ =	shalt  }
0x43: {  	_ =	shalt  }
0x44: {  	_ =	shalt  }
0x45: {  	_ =	shalt  }
0x46: {  	_ =	shalt  }
0x47: {  	_ =	shalt  }
0x48: {  	_ =	shalt  }
0x49: {  	_ =	shalt  }
0x4a: {  	_ =	shalt  }
0x4b: {  	_ =	shalt  }
0x4c: {  	_ =	shalt  }
0x4d: {  	_ =	shalt  }
0x4e: {  	_ =	shalt  }
0x4f: {  	_ =	shalt  }
0x50: {  	_ =	shalt  }
0x51: {  	_ =	shalt  }
0x52: {  	_ =	shalt  }
0x53: {  	_ =	shalt  }
0x54: {  	_ =	shalt  }
0x55: {  	_ =	shalt  }
0x56: {  	_ =	shalt  }
0x57: {  	_ =	shalt  }
0x58: {  	_ =	shalt  }
0x59: {  	_ =	shalt  }
0x5a: {  	_ =	shalt  }
0x5b: {  	_ =	shalt  }
0x5c: {  	_ =	shalt  }
0x5d: {  	_ =	shalt  }
0x5e: {  	_ =	shalt  }
0x5f: {  	_ =	shalt  }
0x60: {  	_ =	shalt  }
0x61: {  	_ =	shalt  }
0x62: {  	_ =	shalt  }
0x63: {  	_ =	shalt  }
0x64: {  	_ =	shalt  }
0x65: {  	_ =	shalt  }
0x66: {  	_ =	shalt  }
0x67: {  	_ =	shalt  }
0x68: {  	_ =	shalt  }
0x69: {  	_ =	shalt  }
0x6a: {  	_ =	shalt  }
0x6b: {  	_ =	shalt  }
0x6c: {  	_ =	shalt  }
0x6d: {  	_ =	shalt  }
0x6e: {  	_ =	shalt  }
0x6f: {  	_ =	shalt  }
0x70: {  	_ =	shalt  }
0x71: {  	_ =	shalt  }
0x72: {  	_ =	shalt  }
0x73: {  	_ =	shalt  }
0x74: {  	_ =	shalt  }
0x75: {  	_ =	shalt  }
0x76: {  	_ =	shalt  }
0x77: {  	_ =	shalt  }
0x78: {  	_ =	shalt  }
0x79: {  	_ =	shalt  }
0x7a: {  	_ =	shalt  }
0x7b: {  	_ =	shalt  }
0x7c: {  	_ =	shalt  }
0x7d: {  	_ =	shalt  }
0x7e: {  	_ =	shalt  }
0x7f: {  	_ =	shalt  }
0x80: {  	_ =	shalt  }
0x81: {  	_ =	shalt  }
0x82: {  	_ =	shalt  }
0x83: {  	_ =	shalt  }
0x84: {  	_ =	shalt  }
0x85: {  	_ =	shalt  }
0x86: {  	_ =	shalt  }
0x87: {  	_ =	shalt  }
.Lfunc_end0:
.L_simem_size_0:
called_computation.1_lowered:
.L_overlay_start_0:
0x88: {  	s2 =	sld [smem:$0x3FD9]  }
0x89: {  	s3 =	sld [smem:$0x3FFE];
	_ =	sdelay $0x1  }
0x8a: {  	s1 =	srdreg.scid  }
0x8b: {  	s0 =	sand.u32 $0x1, s1  }
0x8c: {  	s16 =	sshll.u32 s0, $0xA;
	s2 =	sadd.s32 s3, s2  }
0x8d: {  	s2 =	sadd.s32 s2, s16  }
0x8e: {  	[smem:$0x3FC6] =	sst s2  }
0x8f: {  	_ = 	snop  }
0x90: {  	(tm) =	ssettm $0x1  }
0x91: {  	s17 =	sld [smem:$0x3FFB];
	_ =	sdelay $0x3  }
0x92: {  	_ =	strace s17  }
0x93: {  	s2 =	sld [smem:$0x3FFC];
	_ =	sdelay $0x3  }
0x94: {  	_ =	strace s2  }
0x95: {  	s2 =	sld [smem:$0x3FFD];
	_ =	sdelay $0x3  }
0x96: {  	_ =	strace s2  }
0x97: {  	_ =	strace $0x8FFFFFFF  }
0x98: {  	s18 =	sld [smem:$0x3FDB];
	_ =	sdelay $0x1  }
0x99: {  	s19 =	simm.s32 $_scs_section_size  }
0x9a: {  	s4 =	simm.s32 $_size__tile_overlayer_lowered;
	s5 =	simm.s32 $_tile_overlayer_lowered  }
0x9b: {  	s22 =	simm.s32 $0x1BFF;
	s21 =	sshll.u32 s5, $0x1;
	s2 =	sadd.s32 s19, s18  }
0x9c: {  	s6 =	simm.s32 $0x0;
	s20 =	sshll.u32 s4, $0x1;
	s4 =	sadd.s32 s21, s2  }
0x9d: {  	[timem:s6], [sflag:s22] =	dma.local [hbm:s4], s20  }
0x9e: {  	_ =	swait.ge [sflag:s22], s20  }
0x9f: {  	s3 =	ssub.s32 $0x0, s20;
	[sflag:s22] =	ssyncset.done $0x0  }
0xa0: {  	[sflag:s22] =	ssyncadd.s32 s3;
	_ =	sdelay $0x1  }
0xa1: {  	s23 =	simm.s32 $0x1B8B  }
0xa2: {  	_ =	swait.ge [sflag:s23], $0x1  }
0xa3: {  	[sflag:s23] =	ssyncset.done $0x0  }
0xa4: {  	s25 =	simm.s32 $0x1B8E;
	s24 =	sld [smem:$0x3FFE];
	[sflag:s23] =	ssyncadd.s32 $0xFFFFFFFF  }
0xa5: {  	s26 =	simm.s32 $execute0_lowered;
	[smem:$0x3FD2] =	sst s25  }
0xa6: {  	s4 =	sshll.u32 s26, $0x1;
	_ =	strace $0x80000049;
	[dreg:$0x1] =	wrdreg $0xFFFFFFFF  }
0xa7: {  	s28 =	simm.s32 $_size_execute0_lowered;
	s2 =	sadd.s32 s2, s4;
	[dreg:$0x0] =	wrdreg $0x0  }
0xa8: {  	s4 =	sshll.u32 s28, $0x1;
	[dreg:$0x2] =	wrdreg s2  }
0xa9: {  	[dreg:$0x3] =	wrdreg s4  }
0xaa: {  	[dreg:$0x4] =	wrdreg $0xC0  }
0xab: {  	_ =	task [dreg:s6], $0x5FFFF  }
0xac: {  	[dreg:$0x1] =	wrdreg $0xFFFFFFFF  }
0xad: {  	[dreg:$0x0] =	wrdreg $0x60  }
0xae: {  	[dreg:$0x2] =	wrdreg s24  }
0xaf: {  	[dreg:$0x3] =	wrdreg $0x9  }
0xb0: {  	_ =	task.clear_ibuf [dreg:s6], $0x4FFFF;
	_ =	strace $0x90000049  }
0xb1: {  	s29 =	simm.s32 $0x9;
	_ =	strace $0x8000004B  }
0xb2: {  	_ =	swait.ge [sflag:s29], $0x1  }
0xb3: {  	[sflag:s29] =	ssyncadd.s32 $0xFFFFFFFF  }
0xb4: {  	_ =	strace $0x9000004B  }
0xb5: {  	_ =	sfence  }
0xb6: {  	s30 =	sld [smem:$0x0];
	_ =	sdelay $0x2  }
0xb7: {  	s31 =	sshll.u32 s1, $0xD;
	s1 =	sshrl.u32 s1, $0x2  }
0xb8: {  	s3 =	sand.u32 $0x4000, s31;
	s1 =	sadd.s32 s1, s30  }
0xb9: {  	s0 =	sor.u32 s3, s0;
	s1 =	sshll.u32 s1, $0x11  }
0xba: {  	s0 =	sor.u32 s1, s0  }
0xbb: {  	s0 =	sadd.s32 $0x8F2B, s0  }
0xbc: {  	[sflag:s0] =	ssyncadd.remote.s32 $0x1  }
0xbd: {  	_ =	sfence.sel $0xFFFF  }
0xbe: {  	[dreg:$0x0] =	wrdreg $0xFFFFFFFF;
	(pc) =	sbr.abs _section_cstart, $3  }
0xbf: {  	[dreg:$0x1] =	wrdreg $0xFFFFFFFF  }
0xc0: {  	_ =	task.clear_ibuf [dreg:s6], $0x2FFFF;
	_ =	strace $0x9FFFFFFF  }
0xc1: {  	(tm) =	ssettm $0x7FFFFFFF  }
tec
execute0_lowered:
.L_overlay_start_1:
0x0: {  	(tag) =	ssettag $0x1  }
0x1: {  	s0 =	srdreg.scid  }
0x2: {  	s1 =	stileid.u32;
	s3 =	rddreg [dreg:$0x0]  }
0x3: {  	s2 =	simm.s32 $0x0;
	s19 =	simm.s32 $0x300;
	s20 =	simm.s32 $0x380  }
0x4: {  	s21 =	simm.s32 $0x400;
	s22 =	simm.s32 $0x480;
	s23 =	simm.s32 $0x580  }
0x5: {  	s24 =	simm.s32 $0x600;
	s25 =	simm.s32 $0x680;
	s7 =	simm.s32 $0x500  }
0x6: {  	s26 =	simm.s32 $0x700;
	s5 =	simm.s32 $0x780;
	s6 =	simm.s32 $0xA00  }
0x7: {  	s28 =	simm.s32 $0xC00;
	p0 =	por $0x0, $0x0;
	[smem:$0x7FF] =	sst s2  }
0x8: {  	s8 =	simm.s32 $0xC80;
	_ =	strace $0x8000004A;
	[dreg:$0x8] =	wrdreg s19  }
0x9: {  	s29 =	simm.s32 $0xD00;
	s30 =	simm.s32 $0xD80;
	[dreg:$0x9] =	wrdreg s20  }
0xa: {  	s31 =	simm.s32 $0xE00;
	s0 =	sand.u32 $0x1, s0;
	[dreg:$0xa] =	wrdreg s21  }
0xb: {  	s1 =	sshll.u32 s1, $0x1;
	s14 =	sadd.s32 $0x4400, s3;
	[dreg:$0xb] =	wrdreg s22  }
0xc: {  	s13 =	sadd.s32 $0x3A00, s3;
	s12 =	sadd.s32 $0x3000, s3;
	[dreg:$0xc] =	wrdreg s23  }
0xd: {  	s11 =	sadd.s32 $0x2600, s3;
	s10 =	sadd.s32 $0x800, s3;
	[dreg:$0xd] =	wrdreg s24  }
0xe: {  	s1 =	sor.u32 s0, s1;
	s0 =	ssub.s32 $0x2, s0;
	[dreg:$0xe] =	wrdreg s25  }
0xf: {  	[dreg:$0xf] =	wrdreg s26;
	s21 =	simm.s32 $0x880;
	s1 =	smul.u32 $0x50, s1  }
0x10: {  	s22 =	simm.s32 $0x900;
	s23 =	simm.s32 $0x980;
	s24 =	simm.s32 $0xA80  }
0x11: {  	s25 =	simm.s32 $0xB00;
	s26 =	simm.s32 $0xB80;
	s1 =	sadd.s32 s1, s3  }
0x12: {  	s20 =	simm.s32 $0xE80;
	s17 =	sshrl.u32 s0, $0x1;
	s4 =	sadd.s32 $0x1C00, s1  }
0x13: {  	s0 =	ssub.s32 s0, s17;
	s9 =	sadd.s32 $0x1200, s1;
	[dreg:$0x2] =	wrdreg s4  }
0x14: {  	s0 =	smax.u32 s0, $0x1;
	s15 =	sadd.s32 $0x4E00, s1;
	[dreg:$0x3] =	wrdreg s9  }
0x15: {  	s16 =	sadd.s32 $0x5800, s1;
	p1 =	sne.s32 s0, $0x1;
	[dreg:$0x4] =	wrdreg s15  }
.Ltmp0:
0x16: {  	s18 =	sadd.s32 $0x6200, s1;
	[dreg:$0x5] =	wrdreg s16;
	(pc) =	sbr.rel @!p1 .LBB2_1-.Ltmp0, $4  }
0x17: {  	s17 =	simm.s32 $0x180;
	s1 =	sadd.s32 $0x6C00, s1;
	[dreg:$0x6] =	wrdreg s18  }
0x18: {  	s3 =	simm.s32 $0x2;
	s19 =	sadd.s32 $0xFFFFFFFF, s0;
	[dreg:$0x7] =	wrdreg s1  }
0x19: {  	s15 =	simm.s32 $0x80;
	s4 =	simm.s32 $0x280;
	s16 =	simm.s32 $0x100  }
0x1a: {  	s18 =	simm.s32 $0x200;
	s9 =	simm.s32 $0x1;
	s0 =	rddreg [dreg:$0x2]  }
0x1b: {  	[tilespmem:s2], [sflag:$0x2] =	stream.linear.gather [hbm4b:s0+s2], $0x280, $0x38;
	[tilespmem:$0xF00] =	vst v63  }
0x1c: {  	_ =	swait.ge [sflag:s3], $0x280  }
0x1d: {  	[sflag:s3] =	ssyncset.done $0x0  }
0x1e: {  	[sflag:s3] =	ssyncadd.s32 $0xFFFFFD80  }
0x1f: {  	[tilespmem:s4], [sflag:$0x1] =	stream.indirect.gather [hbm4b:s14+s15], $0x1, s2, s15, $0xb8;
	[tilespmem:$0xF00] =	vst v63  }
0x20: {  	s0 =	rddreg [dreg:$0x8]  }
0x21: {  	[tilespmem:s0], [sflag:$0x1] =	stream.indirect.gather [hbm4b:s14+s15], $0x1, s15, s15, $0xb8;
	[tilespmem:$0xF00] =	vst v63  }
0x22: {  	s1 =	rddreg [dreg:$0x9]  }
0x23: {  	[tilespmem:s1], [sflag:$0x1] =	stream.indirect.gather [hbm4b:s14+s15], $0x1, s16, s15, $0xb8;
	[tilespmem:$0xF00] =	vst v63  }
0x24: {  	s0 =	rddreg [dreg:$0xa]  }
0x25: {  	[tilespmem:s0], [sflag:$0x1] =	stream.indirect.gather [hbm4b:s14+s15], $0x1, s17, s15, $0xb8;
	[tilespmem:$0xF00] =	vst v63  }
0x26: {  	s1 =	rddreg [dreg:$0xb]  }
0x27: {  	[tilespmem:s1], [sflag:$0x1] =	stream.indirect.gather [hbm4b:s14+s15], $0x1, s18, s15, $0xb8;
	[tilespmem:$0xF00] =	vst v63  }
0x28: {  	_ = 	snop  }
0x29: {  	[tilespmem:s7], [sflag:$0x1] =	stream.indirect.gather [hbm4b:s13+s15], $0x1, s2, s15, $0xb8;
	[tilespmem:$0xF00] =	vst v63  }
0x2a: {  	s0 =	rddreg [dreg:$0xc]  }
0x2b: {  	[tilespmem:s0], [sflag:$0x1] =	stream.indirect.gather [hbm4b:s13+s15], $0x1, s15, s15, $0xb8;
	[tilespmem:$0xF00] =	vst v63  }
0x2c: {  	s1 =	rddreg [dreg:$0xd]  }
0x2d: {  	[tilespmem:s1], [sflag:$0x1] =	stream.indirect.gather [hbm4b:s13+s15], $0x1, s16, s15, $0xb8;
	[tilespmem:$0xF00] =	vst v63  }
0x2e: {  	s0 =	rddreg [dreg:$0xe]  }
0x2f: {  	[tilespmem:s0], [sflag:$0x1] =	stream.indirect.gather [hbm4b:s13+s15], $0x1, s17, s15, $0xb8;
	[tilespmem:$0xF00] =	vst v63  }
0x30: {  	s1 =	rddreg [dreg:$0xf]  }
0x31: {  	[tilespmem:s1], [sflag:$0x1] =	stream.indirect.gather [hbm4b:s13+s15], $0x1, s18, s15, $0xb8;
	[tilespmem:$0xF00] =	vst v63  }
0x32: {  	_ = 	snop  }
0x33: {  	[tilespmem:s5], [sflag:$0x1] =	stream.indirect.gather [hbm4b:s12+s15], $0x1, s2, s15, $0xb8;
	[tilespmem:$0xF00] =	vst v63  }
0x34: {  	s1 =	simm.s32 $0x800  }
0x35: {  	[tilespmem:s1], [sflag:$0x1] =	stream.indirect.gather [hbm4b:s12+s15], $0x1, s15, s15, $0xb8;
	[tilespmem:$0xF00] =	vst v63  }
0x36: {  	_ = 	snop  }
0x37: {  	[tilespmem:s21], [sflag:$0x1] =	stream.indirect.gather [hbm4b:s12+s15], $0x1, s16, s15, $0xb8;
	[tilespmem:$0xF00] =	vst v63  }
0x38: {  	_ = 	snop  }
0x39: {  	[tilespmem:s22], [sflag:$0x1] =	stream.indirect.gather [hbm4b:s12+s15], $0x1, s17, s15, $0xb8;
	[tilespmem:$0xF00] =	vst v63  }
0x3a: {  	_ = 	snop  }
0x3b: {  	[tilespmem:s23], [sflag:$0x1] =	stream.indirect.gather [hbm4b:s12+s15], $0x1, s18, s15, $0xb8;
	[tilespmem:$0xF00] =	vst v63  }
0x3c: {  	_ = 	snop  }
0x3d: {  	[tilespmem:s6], [sflag:$0x1] =	stream.indirect.gather [hbm4b:s11+s15], $0x1, s2, s15, $0xb8;
	[tilespmem:$0xF00] =	vst v63  }
0x3e: {  	_ = 	snop  }
0x3f: {  	[tilespmem:s24], [sflag:$0x1] =	stream.indirect.gather [hbm4b:s11+s15], $0x1, s15, s15, $0xb8;
	[tilespmem:$0xF00] =	vst v63  }
0x40: {  	_ = 	snop  }
0x41: {  	[tilespmem:s25], [sflag:$0x1] =	stream.indirect.gather [hbm4b:s11+s15], $0x1, s16, s15, $0xb8;
	[tilespmem:$0xF00] =	vst v63  }
0x42: {  	_ = 	snop  }
0x43: {  	[tilespmem:s26], [sflag:$0x1] =	stream.indirect.gather [hbm4b:s11+s15], $0x1, s17, s15, $0xb8;
	[tilespmem:$0xF00] =	vst v63  }
0x44: {  	_ = 	snop  }
0x45: {  	[tilespmem:s28], [sflag:$0x1] =	stream.indirect.gather [hbm4b:s11+s15], $0x1, s18, s15, $0xb8;
	[tilespmem:$0xF00] =	vst v63  }
0x46: {  	_ = 	snop  }
0x47: {  	[tilespmem:s8], [sflag:$0x1] =	stream.indirect.gather [hbm4b:s10+s15], $0x1, s2, s15, $0xb8;
	[tilespmem:$0xF00] =	vst v63  }
0x48: {  	_ = 	snop  }
0x49: {  	[tilespmem:s29], [sflag:$0x1] =	stream.indirect.gather [hbm4b:s10+s15], $0x1, s15, s15, $0xb8;
	[tilespmem:$0xF00] =	vst v63  }
0x4a: {  	_ = 	snop  }
0x4b: {  	[tilespmem:s30], [sflag:$0x1] =	stream.indirect.gather [hbm4b:s10+s15], $0x1, s16, s15, $0xb8;
	[tilespmem:$0xF00] =	vst v63  }
0x4c: {  	_ = 	snop  }
0x4d: {  	[tilespmem:s31], [sflag:$0x1] =	stream.indirect.gather [hbm4b:s10+s15], $0x1, s17, s15, $0xb8;
	[tilespmem:$0xF00] =	vst v63  }
0x4e: {  	_ = 	snop  }
0x4f: {  	[tilespmem:s20], [sflag:$0x1] =	stream.indirect.gather [hbm4b:s10+s15], $0x1, s18, s15, $0xb8;
	[tilespmem:$0xF00] =	vst v63  }
0x50: {  	_ =	swait.ge [sflag:s9], $0x80  }
0x51: {  	[sflag:s9] =	ssyncset.done $0x0  }
0x52: {  	[sflag:s9] =	ssyncadd.s32 $0xFFFFFF80  }
0x53: {  	_ =	swait.ge [sflag:s9], $0x80  }
0x54: {  	[sflag:s9] =	ssyncset.done $0x0  }
0x55: {  	[sflag:s9] =	ssyncadd.s32 $0xFFFFFF80  }
0x56: {  	_ =	swait.ge [sflag:s9], $0x80  }
0x57: {  	[sflag:s9] =	ssyncset.done $0x0  }
0x58: {  	[sflag:s9] =	ssyncadd.s32 $0xFFFFFF80  }
0x59: {  	_ =	swait.ge [sflag:s9], $0x80  }
0x5a: {  	[sflag:s9] =	ssyncset.done $0x0  }
0x5b: {  	[sflag:s9] =	ssyncadd.s32 $0xFFFFFF80  }
0x5c: {  	_ =	swait.ge [sflag:s9], $0x80  }
0x5d: {  	[sflag:s9] =	ssyncset.done $0x0  }
0x5e: {  	[sflag:s9] =	ssyncadd.s32 $0xFFFFFF80  }
0x5f: {  	_ =	swait.ge [sflag:s9], $0x80  }
0x60: {  	[sflag:s9] =	ssyncset.done $0x0  }
0x61: {  	[sflag:s9] =	ssyncadd.s32 $0xFFFFFF80  }
0x62: {  	_ =	swait.ge [sflag:s9], $0x80  }
0x63: {  	[sflag:s9] =	ssyncset.done $0x0  }
0x64: {  	[sflag:s9] =	ssyncadd.s32 $0xFFFFFF80  }
0x65: {  	_ =	swait.ge [sflag:s9], $0x80  }
0x66: {  	[sflag:s9] =	ssyncset.done $0x0  }
0x67: {  	[sflag:s9] =	ssyncadd.s32 $0xFFFFFF80  }
0x68: {  	_ =	swait.ge [sflag:s9], $0x80  }
0x69: {  	[sflag:s9] =	ssyncset.done $0x0  }
0x6a: {  	[sflag:s9] =	ssyncadd.s32 $0xFFFFFF80  }
0x6b: {  	_ =	swait.ge [sflag:s9], $0x80  }
0x6c: {  	[sflag:s9] =	ssyncset.done $0x0  }
0x6d: {  	[sflag:s9] =	ssyncadd.s32 $0xFFFFFF80  }
0x6e: {  	_ =	swait.ge [sflag:s9], $0x80  }
0x6f: {  	[sflag:s9] =	ssyncset.done $0x0  }
0x70: {  	[sflag:s9] =	ssyncadd.s32 $0xFFFFFF80  }
0x71: {  	_ =	swait.ge [sflag:s9], $0x80  }
0x72: {  	[sflag:s9] =	ssyncset.done $0x0  }
0x73: {  	[sflag:s9] =	ssyncadd.s32 $0xFFFFFF80  }
0x74: {  	_ =	swait.ge [sflag:s9], $0x80  }
0x75: {  	[sflag:s9] =	ssyncset.done $0x0  }
0x76: {  	[sflag:s9] =	ssyncadd.s32 $0xFFFFFF80  }
0x77: {  	_ =	swait.ge [sflag:s9], $0x80  }
0x78: {  	[sflag:s9] =	ssyncset.done $0x0  }
0x79: {  	[sflag:s9] =	ssyncadd.s32 $0xFFFFFF80  }
0x7a: {  	_ =	swait.ge [sflag:s9], $0x80  }
0x7b: {  	[sflag:s9] =	ssyncset.done $0x0  }
0x7c: {  	[sflag:s9] =	ssyncadd.s32 $0xFFFFFF80  }
0x7d: {  	_ =	swait.ge [sflag:s9], $0x80  }
0x7e: {  	[sflag:s9] =	ssyncset.done $0x0  }
0x7f: {  	[sflag:s9] =	ssyncadd.s32 $0xFFFFFF80  }
0x80: {  	_ =	swait.ge [sflag:s9], $0x80  }
0x81: {  	[sflag:s9] =	ssyncset.done $0x0  }
0x82: {  	[sflag:s9] =	ssyncadd.s32 $0xFFFFFF80  }
0x83: {  	_ =	swait.ge [sflag:s9], $0x80  }
0x84: {  	[sflag:s9] =	ssyncset.done $0x0  }
0x85: {  	[sflag:s9] =	ssyncadd.s32 $0xFFFFFF80  }
0x86: {  	_ =	swait.ge [sflag:s9], $0x80  }
0x87: {  	[sflag:s9] =	ssyncset.done $0x0  }
0x88: {  	[sflag:s9] =	ssyncadd.s32 $0xFFFFFF80  }
0x89: {  	_ =	swait.ge [sflag:s9], $0x80  }
0x8a: {  	[sflag:s9] =	ssyncset.done $0x0  }
0x8b: {  	[sflag:s9] =	ssyncadd.s32 $0xFFFFFF80  }
0x8c: {  	_ =	swait.ge [sflag:s9], $0x80  }
0x8d: {  	[sflag:s9] =	ssyncset.done $0x0  }
0x8e: {  	[sflag:s9] =	ssyncadd.s32 $0xFFFFFF80  }
0x8f: {  	_ =	swait.ge [sflag:s9], $0x80  }
0x90: {  	[sflag:s9] =	ssyncset.done $0x0  }
0x91: {  	[sflag:s9] =	ssyncadd.s32 $0xFFFFFF80  }
0x92: {  	_ =	swait.ge [sflag:s9], $0x80  }
0x93: {  	[sflag:s9] =	ssyncset.done $0x0  }
0x94: {  	[sflag:s9] =	ssyncadd.s32 $0xFFFFFF80  }
0x95: {  	_ =	swait.ge [sflag:s9], $0x80  }
0x96: {  	[sflag:s9] =	ssyncset.done $0x0  }
0x97: {  	[sflag:s9] =	ssyncadd.s32 $0xFFFFFF80  }
0x98: {  	_ =	swait.ge [sflag:s9], $0x80  }
0x99: {  	[sflag:s9] =	ssyncset.done $0x0  }
0x9a: {  	s1 =	rddreg [dreg:$0x3];
	[sflag:s9] =	ssyncadd.s32 $0xFFFFFF80  }
0x9b: {  	[hbm4b:s1+s2] =	stream.linear.scatter [tilespmem:s4], [sflag:$0x2], $0x280, $0x38;
	[tilespmem:$0xF00] =	vst v63  }
0x9c: {  	_ =	swait.ge [sflag:s3], $0x280  }
0x9d: {  	[sflag:s3] =	ssyncset.done $0x0  }
0x9e: {  	s1 =	rddreg [dreg:$0x4];
	[sflag:s3] =	ssyncadd.s32 $0xFFFFFD80  }
0x9f: {  	[hbm4b:s1+s2] =	stream.linear.scatter [tilespmem:s7], [sflag:$0x2], $0x280, $0x38;
	[tilespmem:$0xF00] =	vst v63  }
0xa0: {  	_ =	swait.ge [sflag:s3], $0x280  }
0xa1: {  	[sflag:s3] =	ssyncset.done $0x0  }
0xa2: {  	s1 =	rddreg [dreg:$0x5];
	[sflag:s3] =	ssyncadd.s32 $0xFFFFFD80  }
0xa3: {  	[hbm4b:s1+s2] =	stream.linear.scatter [tilespmem:s5], [sflag:$0x2], $0x280, $0x38;
	[tilespmem:$0xF00] =	vst v63  }
0xa4: {  	_ =	swait.ge [sflag:s3], $0x280  }
0xa5: {  	[sflag:s3] =	ssyncset.done $0x0  }
0xa6: {  	s1 =	rddreg [dreg:$0x6];
	[sflag:s3] =	ssyncadd.s32 $0xFFFFFD80  }
0xa7: {  	[hbm4b:s1+s2] =	stream.linear.scatter [tilespmem:s6], [sflag:$0x2], $0x280, $0x38;
	[tilespmem:$0xF00] =	vst v63  }
0xa8: {  	p1 =	sne.s32 s19, $0x1;
	_ =	swait.ge [sflag:s3], $0x280  }
.Ltmp1:
0xa9: {  	[sflag:s3] =	ssyncset.done $0x0;
	(pc) =	sbr.rel @!p1 .LBB2_3-.Ltmp1, $4  }
0xaa: {  	s1 =	rddreg [dreg:$0x7];
	[sflag:s3] =	ssyncadd.s32 $0xFFFFFD80  }
0xab: {  	[hbm4b:s1+s2] =	stream.linear.scatter [tilespmem:s8], [sflag:$0x2], $0x280, $0x38;
	[tilespmem:$0xF00] =	vst v63  }
0xac: {  	p0 =	por $0x1, $0x1;
	_ =	swait.ge [sflag:s3], $0x280  }
0xad: {  	s1 =	sadd.s32 $0xFFFFFFFF, s19;
	s0 =	rddreg [dreg:$0x2];
	[sflag:s3] =	ssyncset.done $0x0  }
.LBB2_4:
0xae: {  	[sflag:s3] =	ssyncadd.s32 $0xFFFFFD80  }
0xaf: {  	[tilespmem:s2], [sflag:$0x2] =	stream.linear.gather [hbm4b:s0+s2], $0x280, $0x38;
	[tilespmem:$0xF00] =	vst v63  }
0xb0: {  	_ =	swait.ge [sflag:s3], $0x280  }
0xb1: {  	[sflag:s3] =	ssyncset.done $0x0  }
0xb2: {  	[sflag:s3] =	ssyncadd.s32 $0xFFFFFD80  }
0xb3: {  	[tilespmem:s4], [sflag:$0x1] =	stream.indirect.gather [hbm4b:s14+s15], $0x1, s2, s15, $0xb8;
	[tilespmem:$0xF00] =	vst v63  }
0xb4: {  	s0 =	rddreg [dreg:$0x8]  }
0xb5: {  	[tilespmem:s0], [sflag:$0x1] =	stream.indirect.gather [hbm4b:s14+s15], $0x1, s15, s15, $0xb8;
	[tilespmem:$0xF00] =	vst v63  }
0xb6: {  	s19 =	rddreg [dreg:$0x9]  }
0xb7: {  	[tilespmem:s19], [sflag:$0x1] =	stream.indirect.gather [hbm4b:s14+s15], $0x1, s16, s15, $0xb8;
	[tilespmem:$0xF00] =	vst v63  }
0xb8: {  	s0 =	rddreg [dreg:$0xa]  }
0xb9: {  	[tilespmem:s0], [sflag:$0x1] =	stream.indirect.gather [hbm4b:s14+s15], $0x1, s17, s15, $0xb8;
	[tilespmem:$0xF00] =	vst v63  }
0xba: {  	s19 =	rddreg [dreg:$0xb]  }
0xbb: {  	[tilespmem:s19], [sflag:$0x1] =	stream.indirect.gather [hbm4b:s14+s15], $0x1, s18, s15, $0xb8;
	[tilespmem:$0xF00] =	vst v63  }
0xbc: {  	_ = 	snop  }
0xbd: {  	[tilespmem:s7], [sflag:$0x1] =	stream.indirect.gather [hbm4b:s13+s15], $0x1, s2, s15, $0xb8;
	[tilespmem:$0xF00] =	vst v63  }
0xbe: {  	s0 =	rddreg [dreg:$0xc]  }
0xbf: {  	[tilespmem:s0], [sflag:$0x1] =	stream.indirect.gather [hbm4b:s13+s15], $0x1, s15, s15, $0xb8;
	[tilespmem:$0xF00] =	vst v63  }
0xc0: {  	s19 =	rddreg [dreg:$0xd]  }
0xc1: {  	[tilespmem:s19], [sflag:$0x1] =	stream.indirect.gather [hbm4b:s13+s15], $0x1, s16, s15, $0xb8;
	[tilespmem:$0xF00] =	vst v63  }
0xc2: {  	s0 =	rddreg [dreg:$0xe]  }
0xc3: {  	[tilespmem:s0], [sflag:$0x1] =	stream.indirect.gather [hbm4b:s13+s15], $0x1, s17, s15, $0xb8;
	[tilespmem:$0xF00] =	vst v63  }
0xc4: {  	s19 =	rddreg [dreg:$0xf]  }
0xc5: {  	[tilespmem:s19], [sflag:$0x1] =	stream.indirect.gather [hbm4b:s13+s15], $0x1, s18, s15, $0xb8;
	[tilespmem:$0xF00] =	vst v63  }
0xc6: {  	_ = 	snop  }
0xc7: {  	[tilespmem:s5], [sflag:$0x1] =	stream.indirect.gather [hbm4b:s12+s15], $0x1, s2, s15, $0xb8;
	[tilespmem:$0xF00] =	vst v63  }
0xc8: {  	s19 =	simm.s32 $0x800  }
0xc9: {  	[tilespmem:s19], [sflag:$0x1] =	stream.indirect.gather [hbm4b:s12+s15], $0x1, s15, s15, $0xb8;
	[tilespmem:$0xF00] =	vst v63  }
0xca: {  	_ = 	snop  }
0xcb: {  	[tilespmem:s21], [sflag:$0x1] =	stream.indirect.gather [hbm4b:s12+s15], $0x1, s16, s15, $0xb8;
	[tilespmem:$0xF00] =	vst v63  }
0xcc: {  	_ = 	snop  }
0xcd: {  	[tilespmem:s22], [sflag:$0x1] =	stream.indirect.gather [hbm4b:s12+s15], $0x1, s17, s15, $0xb8;
	[tilespmem:$0xF00] =	vst v63  }
0xce: {  	_ = 	snop  }
0xcf: {  	[tilespmem:s23], [sflag:$0x1] =	stream.indirect.gather [hbm4b:s12+s15], $0x1, s18, s15, $0xb8;
	[tilespmem:$0xF00] =	vst v63  }
0xd0: {  	_ = 	snop  }
0xd1: {  	[tilespmem:s6], [sflag:$0x1] =	stream.indirect.gather [hbm4b:s11+s15], $0x1, s2, s15, $0xb8;
	[tilespmem:$0xF00] =	vst v63  }
0xd2: {  	_ = 	snop  }
0xd3: {  	[tilespmem:s24], [sflag:$0x1] =	stream.indirect.gather [hbm4b:s11+s15], $0x1, s15, s15, $0xb8;
	[tilespmem:$0xF00] =	vst v63  }
0xd4: {  	_ = 	snop  }
0xd5: {  	[tilespmem:s25], [sflag:$0x1] =	stream.indirect.gather [hbm4b:s11+s15], $0x1, s16, s15, $0xb8;
	[tilespmem:$0xF00] =	vst v63  }
0xd6: {  	_ = 	snop  }
0xd7: {  	[tilespmem:s26], [sflag:$0x1] =	stream.indirect.gather [hbm4b:s11+s15], $0x1, s17, s15, $0xb8;
	[tilespmem:$0xF00] =	vst v63  }
0xd8: {  	_ = 	snop  }
0xd9: {  	[tilespmem:s28], [sflag:$0x1] =	stream.indirect.gather [hbm4b:s11+s15], $0x1, s18, s15, $0xb8;
	[tilespmem:$0xF00] =	vst v63  }
0xda: {  	_ = 	snop  }
0xdb: {  	[tilespmem:s8], [sflag:$0x1] =	stream.indirect.gather [hbm4b:s10+s15], $0x1, s2, s15, $0xb8;
	[tilespmem:$0xF00] =	vst v63  }
0xdc: {  	_ = 	snop  }
0xdd: {  	[tilespmem:s29], [sflag:$0x1] =	stream.indirect.gather [hbm4b:s10+s15], $0x1, s15, s15, $0xb8;
	[tilespmem:$0xF00] =	vst v63  }
0xde: {  	_ = 	snop  }
0xdf: {  	[tilespmem:s30], [sflag:$0x1] =	stream.indirect.gather [hbm4b:s10+s15], $0x1, s16, s15, $0xb8;
	[tilespmem:$0xF00] =	vst v63  }
0xe0: {  	_ = 	snop  }
0xe1: {  	[tilespmem:s31], [sflag:$0x1] =	stream.indirect.gather [hbm4b:s10+s15], $0x1, s17, s15, $0xb8;
	[tilespmem:$0xF00] =	vst v63  }
0xe2: {  	_ = 	snop  }
0xe3: {  	[tilespmem:s20], [sflag:$0x1] =	stream.indirect.gather [hbm4b:s10+s15], $0x1, s18, s15, $0xb8;
	[tilespmem:$0xF00] =	vst v63  }
0xe4: {  	_ =	swait.ge [sflag:s9], $0x80  }
0xe5: {  	[sflag:s9] =	ssyncset.done $0x0  }
0xe6: {  	[sflag:s9] =	ssyncadd.s32 $0xFFFFFF80  }
0xe7: {  	_ =	swait.ge [sflag:s9], $0x80  }
0xe8: {  	[sflag:s9] =	ssyncset.done $0x0  }
0xe9: {  	[sflag:s9] =	ssyncadd.s32 $0xFFFFFF80  }
0xea: {  	_ =	swait.ge [sflag:s9], $0x80  }
0xeb: {  	[sflag:s9] =	ssyncset.done $0x0  }
0xec: {  	[sflag:s9] =	ssyncadd.s32 $0xFFFFFF80  }
0xed: {  	_ =	swait.ge [sflag:s9], $0x80  }
0xee: {  	[sflag:s9] =	ssyncset.done $0x0  }
0xef: {  	[sflag:s9] =	ssyncadd.s32 $0xFFFFFF80  }
0xf0: {  	_ =	swait.ge [sflag:s9], $0x80  }
0xf1: {  	[sflag:s9] =	ssyncset.done $0x0  }
0xf2: {  	[sflag:s9] =	ssyncadd.s32 $0xFFFFFF80  }
0xf3: {  	_ =	swait.ge [sflag:s9], $0x80  }
0xf4: {  	[sflag:s9] =	ssyncset.done $0x0  }
0xf5: {  	[sflag:s9] =	ssyncadd.s32 $0xFFFFFF80  }
0xf6: {  	_ =	swait.ge [sflag:s9], $0x80  }
0xf7: {  	[sflag:s9] =	ssyncset.done $0x0  }
0xf8: {  	[sflag:s9] =	ssyncadd.s32 $0xFFFFFF80  }
0xf9: {  	_ =	swait.ge [sflag:s9], $0x80  }
0xfa: {  	[sflag:s9] =	ssyncset.done $0x0  }
0xfb: {  	[sflag:s9] =	ssyncadd.s32 $0xFFFFFF80  }
0xfc: {  	_ =	swait.ge [sflag:s9], $0x80  }
0xfd: {  	[sflag:s9] =	ssyncset.done $0x0  }
0xfe: {  	[sflag:s9] =	ssyncadd.s32 $0xFFFFFF80  }
0xff: {  	_ =	swait.ge [sflag:s9], $0x80  }
0x100: {  	[sflag:s9] =	ssyncset.done $0x0  }
0x101: {  	[sflag:s9] =	ssyncadd.s32 $0xFFFFFF80  }
0x102: {  	_ =	swait.ge [sflag:s9], $0x80  }
0x103: {  	[sflag:s9] =	ssyncset.done $0x0  }
0x104: {  	[sflag:s9] =	ssyncadd.s32 $0xFFFFFF80  }
0x105: {  	_ =	swait.ge [sflag:s9], $0x80  }
0x106: {  	[sflag:s9] =	ssyncset.done $0x0  }
0x107: {  	[sflag:s9] =	ssyncadd.s32 $0xFFFFFF80  }
0x108: {  	_ =	swait.ge [sflag:s9], $0x80  }
0x109: {  	[sflag:s9] =	ssyncset.done $0x0  }
0x10a: {  	[sflag:s9] =	ssyncadd.s32 $0xFFFFFF80  }
0x10b: {  	_ =	swait.ge [sflag:s9], $0x80  }
0x10c: {  	[sflag:s9] =	ssyncset.done $0x0  }
0x10d: {  	[sflag:s9] =	ssyncadd.s32 $0xFFFFFF80  }
0x10e: {  	_ =	swait.ge [sflag:s9], $0x80  }
0x10f: {  	[sflag:s9] =	ssyncset.done $0x0  }
0x110: {  	[sflag:s9] =	ssyncadd.s32 $0xFFFFFF80  }
0x111: {  	_ =	swait.ge [sflag:s9], $0x80  }
0x112: {  	[sflag:s9] =	ssyncset.done $0x0  }
0x113: {  	[sflag:s9] =	ssyncadd.s32 $0xFFFFFF80  }
0x114: {  	_ =	swait.ge [sflag:s9], $0x80  }
0x115: {  	[sflag:s9] =	ssyncset.done $0x0  }
0x116: {  	[sflag:s9] =	ssyncadd.s32 $0xFFFFFF80  }
0x117: {  	_ =	swait.ge [sflag:s9], $0x80  }
0x118: {  	[sflag:s9] =	ssyncset.done $0x0  }
0x119: {  	[sflag:s9] =	ssyncadd.s32 $0xFFFFFF80  }
0x11a: {  	_ =	swait.ge [sflag:s9], $0x80  }
0x11b: {  	[sflag:s9] =	ssyncset.done $0x0  }
0x11c: {  	[sflag:s9] =	ssyncadd.s32 $0xFFFFFF80  }
0x11d: {  	_ =	swait.ge [sflag:s9], $0x80  }
0x11e: {  	[sflag:s9] =	ssyncset.done $0x0  }
0x11f: {  	[sflag:s9] =	ssyncadd.s32 $0xFFFFFF80  }
0x120: {  	_ =	swait.ge [sflag:s9], $0x80  }
0x121: {  	[sflag:s9] =	ssyncset.done $0x0  }
0x122: {  	[sflag:s9] =	ssyncadd.s32 $0xFFFFFF80  }
0x123: {  	_ =	swait.ge [sflag:s9], $0x80  }
0x124: {  	[sflag:s9] =	ssyncset.done $0x0  }
0x125: {  	[sflag:s9] =	ssyncadd.s32 $0xFFFFFF80  }
0x126: {  	_ =	swait.ge [sflag:s9], $0x80  }
0x127: {  	[sflag:s9] =	ssyncset.done $0x0  }
0x128: {  	[sflag:s9] =	ssyncadd.s32 $0xFFFFFF80  }
0x129: {  	_ =	swait.ge [sflag:s9], $0x80  }
0x12a: {  	[sflag:s9] =	ssyncset.done $0x0  }
0x12b: {  	[sflag:s9] =	ssyncadd.s32 $0xFFFFFF80  }
0x12c: {  	_ =	swait.ge [sflag:s9], $0x80  }
0x12d: {  	[sflag:s9] =	ssyncset.done $0x0  }
0x12e: {  	s19 =	rddreg [dreg:$0x3];
	[sflag:s9] =	ssyncadd.s32 $0xFFFFFF80  }
0x12f: {  	[hbm4b:s19+s2] =	stream.linear.scatter [tilespmem:s4], [sflag:$0x2], $0x280, $0x38;
	[tilespmem:$0xF00] =	vst v63  }
0x130: {  	_ =	swait.ge [sflag:s3], $0x280  }
0x131: {  	[sflag:s3] =	ssyncset.done $0x0  }
0x132: {  	s19 =	rddreg [dreg:$0x4];
	[sflag:s3] =	ssyncadd.s32 $0xFFFFFD80  }
0x133: {  	[hbm4b:s19+s2] =	stream.linear.scatter [tilespmem:s7], [sflag:$0x2], $0x280, $0x38;
	[tilespmem:$0xF00] =	vst v63  }
0x134: {  	_ =	swait.ge [sflag:s3], $0x280  }
0x135: {  	[sflag:s3] =	ssyncset.done $0x0  }
0x136: {  	s19 =	rddreg [dreg:$0x5];
	[sflag:s3] =	ssyncadd.s32 $0xFFFFFD80  }
0x137: {  	[hbm4b:s19+s2] =	stream.linear.scatter [tilespmem:s5], [sflag:$0x2], $0x280, $0x38;
	[tilespmem:$0xF00] =	vst v63  }
0x138: {  	_ =	swait.ge [sflag:s3], $0x280  }
0x139: {  	[sflag:s3] =	ssyncset.done $0x0  }
0x13a: {  	s19 =	rddreg [dreg:$0x6];
	[sflag:s3] =	ssyncadd.s32 $0xFFFFFD80  }
0x13b: {  	[hbm4b:s19+s2] =	stream.linear.scatter [tilespmem:s6], [sflag:$0x2], $0x280, $0x38;
	[tilespmem:$0xF00] =	vst v63  }
0x13c: {  	p1 =	sne.s32 s1, $0x1;
	_ =	swait.ge [sflag:s3], $0x280  }
.Ltmp2:
0x13d: {  	[sflag:s3] =	ssyncset.done $0x0;
	(pc) =	sbr.rel @p1 .LBB2_4-.Ltmp2, $4  }
0x13e: {  	s19 =	rddreg [dreg:$0x7];
	[sflag:s3] =	ssyncadd.s32 $0xFFFFFD80  }
0x13f: {  	[hbm4b:s19+s2] =	stream.linear.scatter [tilespmem:s8], [sflag:$0x2], $0x280, $0x38;
	[tilespmem:$0xF00] =	vst v63  }
0x140: {  	_ =	swait.ge [sflag:s3], $0x280  }
0x141: {  	s1 =	sadd.s32 $0xFFFFFFFF, s1;
	s0 =	rddreg [dreg:$0x2];
	[sflag:s3] =	ssyncset.done $0x0  }
0x142: {  	s19 =	simm.s32 $0xE80;
	s31 =	simm.s32 $0xE00;
	s30 =	simm.s32 $0xD80  }
0x143: {  	s29 =	simm.s32 $0xD00;
	s28 =	simm.s32 $0xC00;
	s26 =	simm.s32 $0xB80  }
0x144: {  	s25 =	simm.s32 $0xB00;
	s24 =	simm.s32 $0xA80;
	s23 =	simm.s32 $0x980  }
0x145: {  	s22 =	simm.s32 $0x900;
	s21 =	simm.s32 $0x880;
	s20 =	simm.s32 $0x800  }
.LBB2_6:
0x146: {  	[sflag:s3] =	ssyncadd.s32 @p0 $0xFFFFFD80  }
0x147: {  	[tilespmem:s2], [sflag:$0x2] =	stream.linear.gather [hbm4b:s0+s2], $0x280, $0x38;
	[tilespmem:$0xF00] =	vst v63  }
0x148: {  	_ =	swait.ge [sflag:s3], $0x280  }
0x149: {  	[sflag:s3] =	ssyncset.done $0x0  }
0x14a: {  	[sflag:s3] =	ssyncadd.s32 $0xFFFFFD80  }
0x14b: {  	[tilespmem:s4], [sflag:$0x1] =	stream.indirect.gather [hbm4b:s14+s15], $0x1, s2, s15, $0xb8;
	[tilespmem:$0xF00] =	vst v63  }
0x14c: {  	s0 =	rddreg [dreg:$0x8]  }
0x14d: {  	[tilespmem:s0], [sflag:$0x1] =	stream.indirect.gather [hbm4b:s14+s15], $0x1, s15, s15, $0xb8;
	[tilespmem:$0xF00] =	vst v63  }
0x14e: {  	s1 =	rddreg [dreg:$0x9]  }
0x14f: {  	[tilespmem:s1], [sflag:$0x1] =	stream.indirect.gather [hbm4b:s14+s15], $0x1, s16, s15, $0xb8;
	[tilespmem:$0xF00] =	vst v63  }
0x150: {  	s0 =	rddreg [dreg:$0xa]  }
0x151: {  	[tilespmem:s0], [sflag:$0x1] =	stream.indirect.gather [hbm4b:s14+s15], $0x1, s17, s15, $0xb8;
	[tilespmem:$0xF00] =	vst v63  }
0x152: {  	s1 =	rddreg [dreg:$0xb]  }
0x153: {  	[tilespmem:s1], [sflag:$0x1] =	stream.indirect.gather [hbm4b:s14+s15], $0x1, s18, s15, $0xb8;
	[tilespmem:$0xF00] =	vst v63  }
0x154: {  	_ = 	snop  }
0x155: {  	[tilespmem:s7], [sflag:$0x1] =	stream.indirect.gather [hbm4b:s13+s15], $0x1, s2, s15, $0xb8;
	[tilespmem:$0xF00] =	vst v63  }
0x156: {  	s1 =	rddreg [dreg:$0xc]  }
0x157: {  	[tilespmem:s1], [sflag:$0x1] =	stream.indirect.gather [hbm4b:s13+s15], $0x1, s15, s15, $0xb8;
	[tilespmem:$0xF00] =	vst v63  }
0x158: {  	s14 =	rddreg [dreg:$0xd]  }
0x159: {  	[tilespmem:s14], [sflag:$0x1] =	stream.indirect.gather [hbm4b:s13+s15], $0x1, s16, s15, $0xb8;
	[tilespmem:$0xF00] =	vst v63  }
0x15a: {  	s0 =	rddreg [dreg:$0xe]  }
0x15b: {  	[tilespmem:s0], [sflag:$0x1] =	stream.indirect.gather [hbm4b:s13+s15], $0x1, s17, s15, $0xb8;
	[tilespmem:$0xF00] =	vst v63  }
0x15c: {  	s14 =	rddreg [dreg:$0xf]  }
0x15d: {  	[tilespmem:s14], [sflag:$0x1] =	stream.indirect.gather [hbm4b:s13+s15], $0x1, s18, s15, $0xb8;
	[tilespmem:$0xF00] =	vst v63  }
0x15e: {  	_ = 	snop  }
0x15f: {  	[tilespmem:s5], [sflag:$0x1] =	stream.indirect.gather [hbm4b:s12+s15], $0x1, s2, s15, $0xb8;
	[tilespmem:$0xF00] =	vst v63  }
0x160: {  	_ = 	snop  }
0x161: {  	[tilespmem:s20], [sflag:$0x1] =	stream.indirect.gather [hbm4b:s12+s15], $0x1, s15, s15, $0xb8;
	[tilespmem:$0xF00] =	vst v63  }
0x162: {  	_ = 	snop  }
0x163: {  	[tilespmem:s21], [sflag:$0x1] =	stream.indirect.gather [hbm4b:s12+s15], $0x1, s16, s15, $0xb8;
	[tilespmem:$0xF00] =	vst v63  }
0x164: {  	_ = 	snop  }
0x165: {  	[tilespmem:s22], [sflag:$0x1] =	stream.indirect.gather [hbm4b:s12+s15], $0x1, s17, s15, $0xb8;
	[tilespmem:$0xF00] =	vst v63  }
0x166: {  	_ = 	snop  }
0x167: {  	[tilespmem:s23], [sflag:$0x1] =	stream.indirect.gather [hbm4b:s12+s15], $0x1, s18, s15, $0xb8;
	[tilespmem:$0xF00] =	vst v63  }
0x168: {  	_ = 	snop  }
0x169: {  	[tilespmem:s6], [sflag:$0x1] =	stream.indirect.gather [hbm4b:s11+s15], $0x1, s2, s15, $0xb8;
	[tilespmem:$0xF00] =	vst v63  }
0x16a: {  	_ = 	snop  }
0x16b: {  	[tilespmem:s24], [sflag:$0x1] =	stream.indirect.gather [hbm4b:s11+s15], $0x1, s15, s15, $0xb8;
	[tilespmem:$0xF00] =	vst v63  }
0x16c: {  	_ = 	snop  }
0x16d: {  	[tilespmem:s25], [sflag:$0x1] =	stream.indirect.gather [hbm4b:s11+s15], $0x1, s16, s15, $0xb8;
	[tilespmem:$0xF00] =	vst v63  }
0x16e: {  	_ = 	snop  }
0x16f: {  	[tilespmem:s26], [sflag:$0x1] =	stream.indirect.gather [hbm4b:s11+s15], $0x1, s17, s15, $0xb8;
	[tilespmem:$0xF00] =	vst v63  }
0x170: {  	_ = 	snop  }
0x171: {  	[tilespmem:s28], [sflag:$0x1] =	stream.indirect.gather [hbm4b:s11+s15], $0x1, s18, s15, $0xb8;
	[tilespmem:$0xF00] =	vst v63  }
0x172: {  	_ = 	snop  }
0x173: {  	[tilespmem:s8], [sflag:$0x1] =	stream.indirect.gather [hbm4b:s10+s15], $0x1, s2, s15, $0xb8;
	[tilespmem:$0xF00] =	vst v63  }
0x174: {  	_ = 	snop  }
0x175: {  	[tilespmem:s29], [sflag:$0x1] =	stream.indirect.gather [hbm4b:s10+s15], $0x1, s15, s15, $0xb8;
	[tilespmem:$0xF00] =	vst v63  }
0x176: {  	_ = 	snop  }
0x177: {  	[tilespmem:s30], [sflag:$0x1] =	stream.indirect.gather [hbm4b:s10+s15], $0x1, s16, s15, $0xb8;
	[tilespmem:$0xF00] =	vst v63  }
0x178: {  	_ = 	snop  }
0x179: {  	[tilespmem:s31], [sflag:$0x1] =	stream.indirect.gather [hbm4b:s10+s15], $0x1, s17, s15, $0xb8;
	[tilespmem:$0xF00] =	vst v63  }
0x17a: {  	_ = 	snop  }
0x17b: {  	[tilespmem:s19], [sflag:$0x1] =	stream.indirect.gather [hbm4b:s10+s15], $0x1, s18, s15, $0xb8;
	[tilespmem:$0xF00] =	vst v63  }
0x17c: {  	_ =	swait.ge [sflag:s9], $0x80  }
0x17d: {  	[sflag:s9] =	ssyncset.done $0x0  }
0x17e: {  	[sflag:s9] =	ssyncadd.s32 $0xFFFFFF80  }
0x17f: {  	_ =	swait.ge [sflag:s9], $0x80  }
0x180: {  	[sflag:s9] =	ssyncset.done $0x0  }
0x181: {  	[sflag:s9] =	ssyncadd.s32 $0xFFFFFF80  }
0x182: {  	_ =	swait.ge [sflag:s9], $0x80  }
0x183: {  	[sflag:s9] =	ssyncset.done $0x0  }
0x184: {  	[sflag:s9] =	ssyncadd.s32 $0xFFFFFF80  }
0x185: {  	_ =	swait.ge [sflag:s9], $0x80  }
0x186: {  	[sflag:s9] =	ssyncset.done $0x0  }
0x187: {  	[sflag:s9] =	ssyncadd.s32 $0xFFFFFF80  }
0x188: {  	_ =	swait.ge [sflag:s9], $0x80  }
0x189: {  	[sflag:s9] =	ssyncset.done $0x0  }
0x18a: {  	[sflag:s9] =	ssyncadd.s32 $0xFFFFFF80  }
0x18b: {  	_ =	swait.ge [sflag:s9], $0x80  }
0x18c: {  	[sflag:s9] =	ssyncset.done $0x0  }
0x18d: {  	[sflag:s9] =	ssyncadd.s32 $0xFFFFFF80  }
0x18e: {  	_ =	swait.ge [sflag:s9], $0x80  }
0x18f: {  	[sflag:s9] =	ssyncset.done $0x0  }
0x190: {  	[sflag:s9] =	ssyncadd.s32 $0xFFFFFF80  }
0x191: {  	_ =	swait.ge [sflag:s9], $0x80  }
0x192: {  	[sflag:s9] =	ssyncset.done $0x0  }
0x193: {  	[sflag:s9] =	ssyncadd.s32 $0xFFFFFF80  }
0x194: {  	_ =	swait.ge [sflag:s9], $0x80  }
0x195: {  	[sflag:s9] =	ssyncset.done $0x0  }
0x196: {  	[sflag:s9] =	ssyncadd.s32 $0xFFFFFF80  }
0x197: {  	_ =	swait.ge [sflag:s9], $0x80  }
0x198: {  	[sflag:s9] =	ssyncset.done $0x0  }
0x199: {  	[sflag:s9] =	ssyncadd.s32 $0xFFFFFF80  }
0x19a: {  	_ =	swait.ge [sflag:s9], $0x80  }
0x19b: {  	[sflag:s9] =	ssyncset.done $0x0  }
0x19c: {  	[sflag:s9] =	ssyncadd.s32 $0xFFFFFF80  }
0x19d: {  	_ =	swait.ge [sflag:s9], $0x80  }
0x19e: {  	[sflag:s9] =	ssyncset.done $0x0  }
0x19f: {  	[sflag:s9] =	ssyncadd.s32 $0xFFFFFF80  }
0x1a0: {  	_ =	swait.ge [sflag:s9], $0x80  }
0x1a1: {  	[sflag:s9] =	ssyncset.done $0x0  }
0x1a2: {  	[sflag:s9] =	ssyncadd.s32 $0xFFFFFF80  }
0x1a3: {  	_ =	swait.ge [sflag:s9], $0x80  }
0x1a4: {  	[sflag:s9] =	ssyncset.done $0x0  }
0x1a5: {  	[sflag:s9] =	ssyncadd.s32 $0xFFFFFF80  }
0x1a6: {  	_ =	swait.ge [sflag:s9], $0x80  }
0x1a7: {  	[sflag:s9] =	ssyncset.done $0x0  }
0x1a8: {  	[sflag:s9] =	ssyncadd.s32 $0xFFFFFF80  }
0x1a9: {  	_ =	swait.ge [sflag:s9], $0x80  }
0x1aa: {  	[sflag:s9] =	ssyncset.done $0x0  }
0x1ab: {  	[sflag:s9] =	ssyncadd.s32 $0xFFFFFF80  }
0x1ac: {  	_ =	swait.ge [sflag:s9], $0x80  }
0x1ad: {  	[sflag:s9] =	ssyncset.done $0x0  }
0x1ae: {  	[sflag:s9] =	ssyncadd.s32 $0xFFFFFF80  }
0x1af: {  	_ =	swait.ge [sflag:s9], $0x80  }
0x1b0: {  	[sflag:s9] =	ssyncset.done $0x0  }
0x1b1: {  	[sflag:s9] =	ssyncadd.s32 $0xFFFFFF80  }
0x1b2: {  	_ =	swait.ge [sflag:s9], $0x80  }
0x1b3: {  	[sflag:s9] =	ssyncset.done $0x0  }
0x1b4: {  	[sflag:s9] =	ssyncadd.s32 $0xFFFFFF80  }
0x1b5: {  	_ =	swait.ge [sflag:s9], $0x80  }
0x1b6: {  	[sflag:s9] =	ssyncset.done $0x0  }
0x1b7: {  	[sflag:s9] =	ssyncadd.s32 $0xFFFFFF80  }
0x1b8: {  	_ =	swait.ge [sflag:s9], $0x80  }
0x1b9: {  	[sflag:s9] =	ssyncset.done $0x0  }
0x1ba: {  	[sflag:s9] =	ssyncadd.s32 $0xFFFFFF80  }
0x1bb: {  	_ =	swait.ge [sflag:s9], $0x80  }
0x1bc: {  	[sflag:s9] =	ssyncset.done $0x0  }
0x1bd: {  	[sflag:s9] =	ssyncadd.s32 $0xFFFFFF80  }
0x1be: {  	_ =	swait.ge [sflag:s9], $0x80  }
0x1bf: {  	[sflag:s9] =	ssyncset.done $0x0  }
0x1c0: {  	[sflag:s9] =	ssyncadd.s32 $0xFFFFFF80  }
0x1c1: {  	_ =	swait.ge [sflag:s9], $0x80  }
0x1c2: {  	[sflag:s9] =	ssyncset.done $0x0  }
0x1c3: {  	[sflag:s9] =	ssyncadd.s32 $0xFFFFFF80  }
0x1c4: {  	_ =	swait.ge [sflag:s9], $0x80  }
0x1c5: {  	[sflag:s9] =	ssyncset.done $0x0  }
0x1c6: {  	s25 =	rddreg [dreg:$0x3];
	[sflag:s9] =	ssyncadd.s32 $0xFFFFFF80  }
0x1c7: {  	[hbm4b:s25+s2] =	stream.linear.scatter [tilespmem:s4], [sflag:$0x2], $0x280, $0x38;
	[tilespmem:$0xF00] =	vst v63  }
0x1c8: {  	_ =	swait.ge [sflag:s3], $0x280  }
0x1c9: {  	[sflag:s3] =	ssyncset.done $0x0  }
0x1ca: {  	s26 =	rddreg [dreg:$0x4];
	[sflag:s3] =	ssyncadd.s32 $0xFFFFFD80  }
0x1cb: {  	[hbm4b:s26+s2] =	stream.linear.scatter [tilespmem:s7], [sflag:$0x2], $0x280, $0x38;
	[tilespmem:$0xF00] =	vst v63  }
0x1cc: {  	_ =	swait.ge [sflag:s3], $0x280  }
0x1cd: {  	[sflag:s3] =	ssyncset.done $0x0  }
0x1ce: {  	s28 =	rddreg [dreg:$0x5];
	[sflag:s3] =	ssyncadd.s32 $0xFFFFFD80  }
0x1cf: {  	[hbm4b:s28+s2] =	stream.linear.scatter [tilespmem:s5], [sflag:$0x2], $0x280, $0x38;
	[tilespmem:$0xF00] =	vst v63  }
0x1d0: {  	_ =	swait.ge [sflag:s3], $0x280  }
0x1d1: {  	[sflag:s3] =	ssyncset.done $0x0  }
0x1d2: {  	s29 =	rddreg [dreg:$0x6];
	[sflag:s3] =	ssyncadd.s32 $0xFFFFFD80  }
0x1d3: {  	[hbm4b:s29+s2] =	stream.linear.scatter [tilespmem:s6], [sflag:$0x2], $0x280, $0x38;
	[tilespmem:$0xF00] =	vst v63  }
0x1d4: {  	_ =	swait.ge [sflag:s3], $0x280  }
0x1d5: {  	[sflag:s3] =	ssyncset.done $0x0  }
0x1d6: {  	s30 =	rddreg [dreg:$0x7];
	[sflag:s3] =	ssyncadd.s32 $0xFFFFFD80  }
0x1d7: {  	[hbm4b:s30+s2] =	stream.linear.scatter [tilespmem:s8], [sflag:$0x2], $0x280, $0x38;
	[tilespmem:$0xF00] =	vst v63  }
0x1d8: {  	_ =	swait.ge [sflag:s3], $0x280  }
0x1d9: {  	[sflag:s3] =	ssyncset.done $0x0  }
0x1da: {  	[sflag:s3] =	ssyncadd.s32 $0xFFFFFD80  }
0x1db: {  	_ =	sfence.sel $0x180000  }
0x1dc: {  	[bflag:$0x0] =	sbarrier.arrive $0xFFFF  }
0x1dd: {  	_ =	strace $0x9000004A  }
0x1de: {  	s31 =	stileid.u32;
	[bflag:$0x2] =	sbarrier.arrive $0xFFFF  }
0x1df: {  	p0 =	sne.s32 s31, $0x0;
	s0 =	rddreg [dreg:$0x1]  }
0x1e0: {  	s0 =	sadd.s32 @!p0 $0x100000, s0  }
0x1e1: {  	[sflag:s0] =	ssyncadd.tile.s32 @!p0 $0x1;
	_ =	shalt  }
.LBB2_1:
.Ltmp3:
0x1e2: {  	(pc) =	sbr.rel .LBB2_6-.Ltmp3, $4  }
0x1e3: {  	s19 =	simm.s32 $0xE80;
	s31 =	simm.s32 $0xE00;
	s30 =	simm.s32 $0xD80  }
0x1e4: {  	s29 =	simm.s32 $0xD00;
	s28 =	simm.s32 $0xC00;
	s26 =	simm.s32 $0xB80  }
0x1e5: {  	s25 =	simm.s32 $0xB00;
	s24 =	simm.s32 $0xA80;
	s23 =	simm.s32 $0x980  }
0x1e6: {  	s22 =	simm.s32 $0x900;
	s21 =	simm.s32 $0x880;
	s20 =	simm.s32 $0x800  }
.LBB2_3:
.Ltmp4:
0x1e7: {  	(pc) =	sbr.rel .LBB2_6-.Ltmp4, $4  }
0x1e8: {  	s19 =	simm.s32 $0xE80;
	s31 =	simm.s32 $0xE00;
	s30 =	simm.s32 $0xD80  }
0x1e9: {  	s29 =	simm.s32 $0xD00;
	s28 =	simm.s32 $0xC00;
	s26 =	simm.s32 $0xB80  }
0x1ea: {  	s25 =	simm.s32 $0xB00;
	s24 =	simm.s32 $0xA80;
	s23 =	simm.s32 $0x980  }
0x1eb: {  	s22 =	simm.s32 $0x900;
	s21 =	simm.s32 $0x880;
	s20 =	simm.s32 $0x800  }
.Lfunc_end2:
_tile_overlayer_lowered:
.L_overlay_start_2:
0x1ec: {  	(tag) =	ssettag $0x2  }
0x1ed: {  	s0 =	rddreg [dreg:$0x0];
	s2 =	stileid.u32  }
0x1ee: {  	s1 =	rddreg [dreg:$0x1];
	p0 =	sne.s32 s2, $0x0  }
0x1ef: {  	s3 =	rddreg [dreg:$0x2];
	[bflag:$0x3] =	sbarrier.arrive $0xFFFF;
	s2 =	simm.s32 @!p0 $0x1C02  }
0x1f0: {  	[timem:s3], [sflag:s2] =	dma.local @!p0 [hbm:s0], s1  }
0x1f1: {  	s0 =	simm.s32 @!p0 $0x2  }
0x1f2: {  	_ =	swait.ge @!p0 [sflag:s0], s1  }
0x1f3: {  	s1 =	ssub.s32 @!p0 $0x0, s1;
	[sflag:s0] =	ssyncset.done @!p0 $0x0  }
0x1f4: {  	[sflag:s0] =	ssyncadd.s32 @!p0 s1  }
0x1f5: {  	[bflag:$0x3] =	sbarrier.arrive $0xFFFF  }
0x1f6: {  	_ =	shalt  }

</sc_bundles>
